<compile_context>
chip_gen: v7x
topology: tpu7x:2x2x1
jax: 0.10.2.dev20260603
libtpu: 0.0.44.dev20260713+nightly
codegen_flags: <defaults>
</compile_context>

<pallas_src>
import functools
import jax
import jax.numpy as jnp
from jax import lax
from jax.experimental import pallas as pl
from jax.experimental.pallas import tpu as pltpu
from jax.experimental.pallas import tpu_sc as plsc

F_XS = 128
F_XT = 128
F_E = 16
F_U = 16
N_S = 10000
N_T = 10000
E = 160000
B = 16
D1 = F_E + F_XT

NC = 2
NS = 16
NW = NC * NS
CH = 128
NCH = E // CH
CH_IT = (NCH + NW - 1) // NW
ROWS_T = N_S // NS


def _lrelu(x):
    return jnp.where(x >= 0, x, 0.1 * x)


def _make_gather(dims):
    n = len(dims)
    scratch = []
    for d in dims:
        scratch.append(pltpu.VMEM((CH,), jnp.int32))
        scratch.append(pltpu.VMEM((CH, d), jnp.float32))
    scratch.append(pltpu.SemaphoreType.DMA)

    @functools.partial(
        pl.kernel,
        mesh=plsc.VectorSubcoreMesh(core_axis_name="c", subcore_axis_name="s",
                                    num_cores=NC),
        out_type=[jax.ShapeDtypeStruct((E, d), jnp.float32) for d in dims],
        scratch_types=scratch,
        compiler_params=pltpu.CompilerParams(use_tc_tiling_on_sc=False),
    )
    def k(*refs):
        tabs = refs[0:2 * n:2]
        idxs = refs[1:2 * n:2]
        outs = refs[2 * n:3 * n]
        bufs = refs[3 * n:3 * n + 2 * n]
        sem = refs[-1]
        wid = lax.axis_index("s") * NC + lax.axis_index("c")

        def body(j, carry):
            ci = j * NW + wid

            @pl.when(ci < NCH)
            def _():
                base = ci * CH
                for t in range(n):
                    ibuf = bufs[2 * t]
                    rbuf = bufs[2 * t + 1]
                    pltpu.sync_copy(idxs[t].at[pl.ds(base, CH)], ibuf)
                    pltpu.async_copy(tabs[t].at[ibuf], rbuf, sem).wait()
                    pltpu.sync_copy(rbuf, outs[t].at[pl.ds(base, CH)])
            return carry

        lax.fori_loop(0, CH_IT, body, 0)

    return k


def _make_scatter(widths, nseg):
    n = len(widths)
    rows_t = nseg // NS
    uw = sorted(set(widths))
    scratch = []
    for w in uw:
        scratch.append(pltpu.VMEM_SHARED((nseg, w), jnp.float32))
    for w in uw:
        scratch.append(pltpu.VMEM((CH, w), jnp.float32))
    scratch.append(pltpu.VMEM((CH,), jnp.int32))
    scratch.append(pltpu.SemaphoreType.DMA)

    @functools.partial(
        pl.kernel,
        mesh=plsc.VectorSubcoreMesh(core_axis_name="c", subcore_axis_name="s",
                                    num_cores=NC),
        out_type=[jax.ShapeDtypeStruct((NC, nseg, w), jnp.float32)
                  for w in widths],
        scratch_types=scratch,
        compiler_params=pltpu.CompilerParams(use_tc_tiling_on_sc=False),
    )
    def k(*refs):
        vals = refs[0:n]
        idx = refs[n]
        zrefs = {w: refs[n + 1 + i] for i, w in enumerate(uw)}
        outs = refs[n + 1 + len(uw):n + 1 + len(uw) + n]
        accs = {w: refs[n + 1 + len(uw) + n + i] for i, w in enumerate(uw)}
        vbufs = {w: refs[n + 1 + len(uw) + n + len(uw) + i]
                 for i, w in enumerate(uw)}
        ibuf = refs[-2]
        sem = refs[-1]
        del sem
        c = lax.axis_index("c")
        s = lax.axis_index("s")
        wid = s * NC + c
        for p in range(n):
            w = widths[p]
            acc = accs[w]
            pltpu.sync_copy(zrefs[w],
                            acc.at[pl.ds(s * rows_t, rows_t)])
            plsc.subcore_barrier()

            def body(j, carry):
                ci = j * NW + wid

                @pl.when(ci < NCH)
                def _():
                    base = ci * CH
                    pltpu.sync_copy(idx.at[pl.ds(base, CH)], ibuf)
                    pltpu.sync_copy(vals[p].at[pl.ds(base, CH)], vbufs[w])
                    pltpu.sync_copy(vbufs[w], acc.at[ibuf], add=True)
                return carry

            lax.fori_loop(0, CH_IT, body, 0)
            plsc.subcore_barrier()
            pltpu.sync_copy(acc.at[pl.ds(s * rows_t, rows_t)],
                            outs[p].at[c, pl.ds(s * rows_t, rows_t)])
            plsc.subcore_barrier()

    return k


BLK_E = 640
GRID_E = E // BLK_E


def _t1_body(xs_ref, xt_ref, ea_ref, be_ref, u_ref,
             w1xs, w1xt, w1ea, w1ue, b1, w2, b2,
             wsxt, wse, bsa, wsb, bsb,
             e_out, p1_out, p2_out, p3_out, p4_out):
    xs = xs_ref[...]
    xt = xt_ref[...]
    iot = lax.broadcasted_iota(jnp.int32, (1, B), 1).astype(jnp.float32)
    ue = (be_ref[...] == iot).astype(jnp.float32) @ u_ref[...]
    h = (xs @ w1xs[...] + xt @ w1xt[...] + ea_ref[...] @ w1ea[...]
         + ue @ w1ue[...] + b1[...])
    e2 = _lrelu(h) @ w2[...] + b2[...]
    e_out[...] = e2
    m = _lrelu(xt @ wsxt[...] + e2 @ wse[...] + bsa[...]) @ wsb[...] + bsb[...]
    p2 = m * m
    p1_out[...] = m
    p2_out[...] = p2
    p3_out[...] = p2 * m
    p4_out[...] = p2 * p2


def _edge_spec(d):
    return pl.BlockSpec((BLK_E, d), lambda i: (i, 0))


def _full_spec(shape):
    nd = len(shape)
    return pl.BlockSpec(shape, lambda i: (0,) * nd)


BLK_N = 1000
GRID_N = N_S // BLK_N


def _t2_body(mom_ref, cnt_ref, xs_ref, bs_ref, u_ref,
             wxs, wcnt, wmean, wstd, wskew, wkurt, wu, ba, wb, bb,
             out_ref):
    cnt = cnt_ref[0, :, 0:1] + cnt_ref[1, :, 0:1]
    rc = 1.0 / jnp.maximum(cnt, 1.0)
    m1 = (mom_ref[0, 0] + mom_ref[1, 0]) * rc
    m2 = (mom_ref[0, 1] + mom_ref[1, 1]) * rc
    m3 = (mom_ref[0, 2] + mom_ref[1, 2]) * rc
    m4 = (mom_ref[0, 3] + mom_ref[1, 3]) * rc
    var = jnp.maximum(m2 - m1 * m1, 0.0)
    vs = var + 1e-6
    std = jnp.sqrt(vs)
    c3 = m3 - 3.0 * m1 * m2 + 2.0 * m1 * m1 * m1
    c4 = m4 - 4.0 * m1 * m3 + 6.0 * m1 * m1 * m2 - 3.0 * m1 * m1 * m1 * m1
    skew = c3 / (vs * std)
    kurt = c4 / (vs * vs)
    iot = lax.broadcasted_iota(jnp.int32, (1, B), 1).astype(jnp.float32)
    oh = (bs_ref[...] == iot)
    ug = oh.astype(jnp.float32) @ u_ref[...]
    h = (xs_ref[...] @ wxs[...] + cnt * wcnt[...] + m1 @ wmean[...]
         + std @ wstd[...] + skew @ wskew[...] + kurt @ wkurt[...]
         + ug @ wu[...] + ba[...])
    out_ref[...] = _lrelu(h) @ wb[...] + bb[...]


def _t3_body(xsn_ref, e_ref, wx, we, b1, wb, b2, out_ref):
    m = _lrelu(xsn_ref[...] @ wx[...] + e_ref[...] @ we[...] + b1[...])
    out_ref[...] = m @ wb[...] + b2[...]


def _t4_body(xt_ref, agg_ref, bt_ref, bs_ref, xsn_ref, u_ref,
             wxt, wagg, wu, ba, wb, bb,
             out_x, out_ss, out_sc, out_ts, out_tc):
    i = pl.program_id(0)
    agg = agg_ref[0] + agg_ref[1]
    iot = lax.broadcasted_iota(jnp.int32, (1, B), 1).astype(jnp.float32)
    oh_t = (bt_ref[...] == iot).astype(jnp.float32)
    oh_s = (bs_ref[...] == iot).astype(jnp.float32)
    ug = oh_t @ u_ref[...]
    h = xt_ref[...] @ wxt[...] + agg @ wagg[...] + ug @ wu[...] + ba[...]
    xtn = _lrelu(h) @ wb[...] + bb[...]
    out_x[...] = xtn
    dn = (((0,), (0,)), ((), ()))
    ones = jnp.ones((BLK_N, F_XS), jnp.float32)
    ss = lax.dot_general(oh_s, xsn_ref[...], dn)
    ts = lax.dot_general(oh_t, xtn, dn)
    sc_ = lax.dot_general(oh_s, ones, dn)
    tc_ = lax.dot_general(oh_t, ones, dn)

    @pl.when(i == 0)
    def _():
        out_ss[...] = ss
        out_ts[...] = ts
        out_sc[...] = sc_
        out_tc[...] = tc_

    @pl.when(i > 0)
    def _():
        out_ss[...] += ss
        out_ts[...] += ts
        out_sc[...] += sc_
        out_tc[...] += tc_


def _t5_body(u_ref, ss, sc_, ts, tc_, wu, ws, wt, b1, w2, b2, out_ref):
    s_mean = ss[...] / jnp.maximum(sc_[...], 1.0)
    t_mean = ts[...] / jnp.maximum(tc_[...], 1.0)
    h = (u_ref[...] @ wu[...] + s_mean @ ws[...] + t_mean @ wt[...] + b1[...])
    out_ref[...] = _lrelu(h) @ w2[...] + b2[...]


_sc_cache = {}


def _sc(name):
    if name not in _sc_cache:
        _sc_cache['g3'] = _make_gather([F_XS, F_XT])
        _sc_cache['g1'] = _make_gather([F_XS])
        _sc_cache['ss'] = _make_scatter([D1, D1, D1, D1, 16], N_S)
        _sc_cache['st'] = _make_scatter([D1], N_T)
    return _sc_cache[name]


@jax.jit
def kernel(x_s, x_t, edge_index, edge_attr, u, batch_e, batch_s, batch_t,
           params):
    p = params
    src = edge_index[0].astype(jnp.int32)
    tgt = edge_index[1].astype(jnp.int32)
    be = batch_e.astype(jnp.int32)
    bs_f = batch_s.astype(jnp.float32).reshape(N_S, 1)
    bt_f = batch_t.astype(jnp.float32).reshape(N_T, 1)
    ones16 = jnp.ones((E, 16), jnp.float32)
    z144 = jnp.zeros((ROWS_T, D1), jnp.float32)
    z16 = jnp.zeros((ROWS_T, 16), jnp.float32)

    xs_g, xt_g = _sc('g3')(x_s, src, x_t, tgt)
    be_f = be.astype(jnp.float32).reshape(E, 1)

    r1 = lambda b: b.reshape(1, -1)
    e_new, p1, p2, p3, p4 = pl.pallas_call(
        _t1_body,
        grid=(GRID_E,),
        in_specs=[_edge_spec(F_XS), _edge_spec(F_XT), _edge_spec(F_E),
                  _edge_spec(1), _full_spec((B, F_U)),
                  _full_spec((F_XS, F_E)), _full_spec((F_XT, F_E)),
                  _full_spec((F_E, F_E)), _full_spec((F_U, F_E)),
                  _full_spec((1, F_E)), _full_spec((F_E, F_E)),
                  _full_spec((1, F_E)),
                  _full_spec((F_XT, D1)), _full_spec((F_E, D1)),
                  _full_spec((1, D1)), _full_spec((D1, D1)),
                  _full_spec((1, D1))],
        out_specs=[_edge_spec(F_E)] + [_edge_spec(D1)] * 4,
        out_shape=[jax.ShapeDtypeStruct((E, F_E), jnp.float32)]
        + [jax.ShapeDtypeStruct((E, D1), jnp.float32)] * 4,
    )(xs_g, xt_g, edge_attr, be_f, u,
      p['We1'][:F_XS], p['We1'][F_XS:F_XS + F_XT],
      p['We1'][F_XS + F_XT:F_XS + F_XT + F_E], p['We1'][F_XS + F_XT + F_E:],
      r1(p['be1']), p['We2'], r1(p['be2']),
      p['Ws1a'][:F_XT], p['Ws1a'][F_XT:], r1(p['bs1a']),
      p['Ws1b'], r1(p['bs1b']))

    s1, s2, s3, s4, cnt = _sc('ss')(p1, p2, p3, p4, ones16, src,
                                    z16, z144)
    mom = jnp.stack([s1, s2, s3, s4], axis=1)

    wa = p['Ws2a']
    x_s_new = pl.pallas_call(
        _t2_body,
        grid=(GRID_N,),
        in_specs=[pl.BlockSpec((NC, 4, BLK_N, D1), lambda i: (0, 0, i, 0)),
                  pl.BlockSpec((NC, BLK_N, 16), lambda i: (0, i, 0)),
                  pl.BlockSpec((BLK_N, F_XS), lambda i: (i, 0)),
                  pl.BlockSpec((BLK_N, 1), lambda i: (i, 0)),
                  _full_spec((B, F_U)),
                  _full_spec((F_XS, F_XS)), _full_spec((1, F_XS)),
                  _full_spec((D1, F_XS)), _full_spec((D1, F_XS)),
                  _full_spec((D1, F_XS)), _full_spec((D1, F_XS)),
                  _full_spec((F_U, F_XS)), _full_spec((1, F_XS)),
                  _full_spec((F_XS, F_XS)), _full_spec((1, F_XS))],
        out_specs=pl.BlockSpec((BLK_N, F_XS), lambda i: (i, 0)),
        out_shape=jax.ShapeDtypeStruct((N_S, F_XS), jnp.float32),
    )(mom, cnt, x_s, bs_f, u,
      wa[:F_XS], wa[F_XS:F_XS + 1], wa[F_XS + 1:F_XS + 1 + D1],
      wa[F_XS + 1 + D1:F_XS + 1 + 2 * D1],
      wa[F_XS + 1 + 2 * D1:F_XS + 1 + 3 * D1],
      wa[F_XS + 1 + 3 * D1:F_XS + 1 + 4 * D1],
      wa[F_XS + 1 + 4 * D1:], r1(p['bs2a']), p['Ws2b'], r1(p['bs2b']))

    (xsn_g,) = _sc('g1')(x_s_new, src)

    tmsg = pl.pallas_call(
        _t3_body,
        grid=(GRID_E,),
        in_specs=[_edge_spec(F_XS), _edge_spec(F_E),
                  _full_spec((F_XS, D1)), _full_spec((F_E, D1)),
                  _full_spec((1, D1)), _full_spec((D1, D1)),
                  _full_spec((1, D1))],
        out_specs=_edge_spec(D1),
        out_shape=jax.ShapeDtypeStruct((E, D1), jnp.float32),
    )(xsn_g, e_new, p['Wt1a'][:F_XS], p['Wt1a'][F_XS:], r1(p['bt1a']),
      p['Wt1b'], r1(p['bt1b']))

    (agg2,) = _sc('st')(tmsg, tgt, z144)

    wt2 = p['Wt2a']
    x_t_new, ssum, scnt, tsum, tcnt = pl.pallas_call(
        _t4_body,
        grid=(GRID_N,),
        in_specs=[pl.BlockSpec((BLK_N, F_XT), lambda i: (i, 0)),
                  pl.BlockSpec((NC, BLK_N, D1), lambda i: (0, i, 0)),
                  pl.BlockSpec((BLK_N, 1), lambda i: (i, 0)),
                  pl.BlockSpec((BLK_N, 1), lambda i: (i, 0)),
                  pl.BlockSpec((BLK_N, F_XS), lambda i: (i, 0)),
                  _full_spec((B, F_U)),
                  _full_spec((F_XT, F_XT)), _full_spec((D1, F_XT)),
                  _full_spec((F_U, F_XT)), _full_spec((1, F_XT)),
                  _full_spec((F_XT, F_XT)), _full_spec((1, F_XT))],
        out_specs=[pl.BlockSpec((BLK_N, F_XT), lambda i: (i, 0)),
                   _full_spec((B, F_XS)), _full_spec((B, F_XS)),
                   _full_spec((B, F_XT)), _full_spec((B, F_XT))],
        out_shape=[jax.ShapeDtypeStruct((N_T, F_XT), jnp.float32),
                   jax.ShapeDtypeStruct((B, F_XS), jnp.float32),
                   jax.ShapeDtypeStruct((B, F_XS), jnp.float32),
                   jax.ShapeDtypeStruct((B, F_XT), jnp.float32),
                   jax.ShapeDtypeStruct((B, F_XT), jnp.float32)],
    )(x_t, agg2, bt_f, bs_f, x_s_new, u,
      wt2[:F_XT], wt2[F_XT:F_XT + D1], wt2[F_XT + D1:], r1(p['bt2a']),
      p['Wt2b'], r1(p['bt2b']))

    wg = p['Wg1']
    u_new = pl.pallas_call(
        _t5_body,
        grid=(1,),
        in_specs=[_full_spec((B, F_U)),
                  _full_spec((B, F_XS)), _full_spec((B, F_XS)),
                  _full_spec((B, F_XT)), _full_spec((B, F_XT)),
                  _full_spec((F_U, F_U)), _full_spec((F_XS, F_U)),
                  _full_spec((F_XT, F_U)), _full_spec((1, F_U)),
                  _full_spec((F_U, F_U)), _full_spec((1, F_U))],
        out_specs=_full_spec((B, F_U)),
        out_shape=jax.ShapeDtypeStruct((B, F_U), jnp.float32),
    )(u, ssum, scnt, tsum, tcnt,
      wg[:F_U], wg[F_U:F_U + F_XS], wg[F_U + F_XS:], r1(p['bg1']),
      p['Wg2'], r1(p['bg2']))

    return (x_s_new, x_t_new, e_new, u_new)

# --- scband reference (transcript-rebuilt; emitter-appended) ---
"""Pipeline reference for scband-gnn-24756191494623 (READ-ONLY COPY).

The authoritative reference and input builder live on the scoring server;
editing this copy changes nothing except your own understanding.
"""

import jax, jax.numpy as jnp
import numpy as np

F_XS = 128
F_XT = 128
F_E = 16
F_U = 16
N_S = 10000
N_T = 10000
E = 160000
B = 16


def _init_params(key):
    ks = jax.random.split(key, 12)
    def w(k, shape):
        return jax.random.normal(k, shape, dtype=jnp.float32) * 0.05
    d1 = F_E + F_XT
    d2 = F_XS + 1 + 4 * d1 + F_U
    d3 = F_E + F_XS
    d4 = F_XT + d3 + F_U
    d5 = F_U + F_XS + F_XT
    p = {
        'We1': w(ks[0], (F_XS + F_XT + F_E + F_U, F_E)), 'be1': jnp.zeros((F_E,), jnp.float32),
        'We2': w(ks[1], (F_E, F_E)), 'be2': jnp.zeros((F_E,), jnp.float32),
        'Ws1a': w(ks[2], (d1, d1)), 'bs1a': jnp.zeros((d1,), jnp.float32),
        'Ws1b': w(ks[3], (d1, d1)), 'bs1b': jnp.zeros((d1,), jnp.float32),
        'Ws2a': w(ks[4], (d2, F_XS)), 'bs2a': jnp.zeros((F_XS,), jnp.float32),
        'Ws2b': w(ks[5], (F_XS, F_XS)), 'bs2b': jnp.zeros((F_XS,), jnp.float32),
        'Wt1a': w(ks[6], (d3, d3)), 'bt1a': jnp.zeros((d3,), jnp.float32),
        'Wt1b': w(ks[7], (d3, d3)), 'bt1b': jnp.zeros((d3,), jnp.float32),
        'Wt2a': w(ks[8], (d4, F_XT)), 'bt2a': jnp.zeros((F_XT,), jnp.float32),
        'Wt2b': w(ks[9], (F_XT, F_XT)), 'bt2b': jnp.zeros((F_XT,), jnp.float32),
        'Wg1': w(ks[10], (d5, F_U)), 'bg1': jnp.zeros((F_U,), jnp.float32),
        'Wg2': w(ks[11], (F_U, F_U)), 'bg2': jnp.zeros((F_U,), jnp.float32),
    }
    return p


def setup_inputs(seed: int = 0):
    key = jax.random.key(seed)
    ks = jax.random.split(key, 10)
    x_s = jax.random.normal(ks[0], (N_S, F_XS), dtype=jnp.float32)
    x_t = jax.random.normal(ks[1], (N_T, F_XT), dtype=jnp.float32)
    src = jax.random.randint(ks[2], (E,), 0, N_S)
    tgt = jax.random.randint(ks[3], (E,), 0, N_T)
    edge_index = jnp.stack([src, tgt], axis=0)
    edge_attr = jax.random.normal(ks[4], (E, F_E), dtype=jnp.float32)
    u = jax.random.normal(ks[5], (B, F_U), dtype=jnp.float32)
    batch_e = jax.random.randint(ks[6], (E,), 0, B)
    batch_s = jnp.sort(jax.random.randint(ks[7], (N_S,), 0, B))
    batch_t = jnp.sort(jax.random.randint(ks[8], (N_T,), 0, B))
    params = _init_params(ks[9])
    return {'x_s': x_s, 'x_t': x_t, 'edge_index': edge_index, 'edge_attr': edge_attr,
            'u': u, 'batch_e': batch_e, 'batch_s': batch_s, 'batch_t': batch_t, 'params': params}


def _lrelu(x):
    return jax.nn.leaky_relu(x, 0.1)


def _block(x_s, x_t, edge_index, edge_attr, u, batch_e, batch_s, batch_t, p):
    src = edge_index[0]
    tgt = edge_index[1]
    # EdgeModel
    h = jnp.concatenate([x_s[src], x_t[tgt], edge_attr, u[batch_e]], axis=-1)
    edge_attr = _lrelu(h @ p['We1'] + p['be1']) @ p['We2'] + p['be2']
    # SModel
    msg = jnp.concatenate([x_t[tgt], edge_attr], axis=1)
    msg = _lrelu(msg @ p['Ws1a'] + p['bs1a']) @ p['Ws1b'] + p['bs1b']
    n_s = x_s.shape[0]
    count = jax.ops.segment_sum(jnp.ones((msg.shape[0], 1), jnp.float32), src, num_segments=n_s)
    cnt = jnp.maximum(count, 1.0)
    mean = jax.ops.segment_sum(msg, src, num_segments=n_s) / cnt
    meansq = jax.ops.segment_sum(msg ** 2, src, num_segments=n_s) / cnt
    var = jax.nn.relu(meansq - mean ** 2)
    std = jnp.sqrt(var + 1e-06)
    skew = (jax.ops.segment_sum((msg - mean[src]) ** 3, src, num_segments=n_s) / cnt) / std ** 3
    kurt = (jax.ops.segment_sum((msg - mean[src]) ** 4, src, num_segments=n_s) / cnt) / std ** 4
    mean = jnp.nan_to_num(mean)
    var = jnp.nan_to_num(var)
    std = jnp.sqrt(var + 1e-06)
    skew = jnp.nan_to_num(skew)
    kurt = jnp.nan_to_num(kurt)
    h = jnp.concatenate([x_s, count, mean, std, skew, kurt, u[batch_s]], axis=1)
    x_s_new = _lrelu(h @ p['Ws2a'] + p['bs2a']) @ p['Ws2b'] + p['bs2b']
    # TModel (uses updated x_s)
    msg = jnp.concatenate([x_s_new[src], edge_attr], axis=1)
    msg = _lrelu(msg @ p['Wt1a'] + p['bt1a']) @ p['Wt1b'] + p['bt1b']
    agg = jax.ops.segment_sum(msg, tgt, num_segments=x_t.shape[0])
    h = jnp.concatenate([x_t, agg, u[batch_t]], axis=1)
    x_t_new = _lrelu(h @ p['Wt2a'] + p['bt2a']) @ p['Wt2b'] + p['bt2b']
    # GlobalModel (uses updated x_s, x_t)
    nb = u.shape[0]
    cs = jnp.maximum(jax.ops.segment_sum(jnp.ones((n_s, 1), jnp.float32), batch_s, num_segments=nb), 1.0)
    s_mean = jax.ops.segment_sum(x_s_new, batch_s, num_segments=nb) / cs
    ct = jnp.maximum(jax.ops.segment_sum(jnp.ones((x_t.shape[0], 1), jnp.float32), batch_t, num_segments=nb), 1.0)
    t_mean = jax.ops.segment_sum(x_t_new, batch_t, num_segments=nb) / ct
    h = jnp.concatenate([u, s_mean, t_mean], axis=1)
    u_new = _lrelu(h @ p['Wg1'] + p['bg1']) @ p['Wg2'] + p['bg2']
    return (x_s_new, x_t_new, edge_attr, u_new)


def reference(x_s, x_t, edge_index, edge_attr, u, batch_e, batch_s, batch_t, params):
    return _block(x_s, x_t, edge_index, edge_attr, u, batch_e, batch_s, batch_t, params)

if __name__ == "__main__":
    import jax
    _d = setup_inputs()
    print(jax.jit(kernel)(*tuple(_d.values())))

</pallas_src>

<mosaic_0001>
#map = affine_map<(d0, d1) -> (0, 0)>
#map1 = affine_map<(d0, d1) -> (0)>
module attributes {stable_mosaic.version = 14 : i64} {
  func.func @k(%arg0: i32, %arg1: i32, %arg2: memref<10000x128xf32, #tpu.memory_space<hbm>>, %arg3: memref<160000xi32, #tpu.memory_space<hbm>>, %arg4: memref<10000x128xf32, #tpu.memory_space<hbm>>, %arg5: memref<160000xi32, #tpu.memory_space<hbm>>, %arg6: memref<160000x128xf32, #tpu.memory_space<hbm>>, %arg7: memref<160000x128xf32, #tpu.memory_space<hbm>>, %arg8: memref<128xi32, #tpu.memory_space<vmem>>, %arg9: memref<128x128xf32, #tpu.memory_space<vmem>>, %arg10: memref<128xi32, #tpu.memory_space<vmem>>, %arg11: memref<128x128xf32, #tpu.memory_space<vmem>>, %arg12: memref<!tpu.dma_semaphore, #tpu.memory_space<semaphore_mem>>) attributes {dimension_semantics = [#tpu.dimension_semantics<core_parallel>, #tpu.dimension_semantics<subcore_parallel>], iteration_bounds = array<i64: 2, 16>, scalar_prefetch = 0 : i64, scratch_operands = 5 : i64, tpu.core_type = #tpu.core_type<sc_vector_subcore>, window_params = [{transform_indices = #map}, {transform_indices = #map1}, {transform_indices = #map}, {transform_indices = #map1}, {transform_indices = #map}, {transform_indices = #map}]} {
    %mul3A = arith.constant 2 : i32
    %mul3A_0 = arith.muli %arg1, %mul3A : i32
    %add3A = arith.addi %mul3A_0, %arg0 : i32
    %scan3A = arith.constant 0 : i32
    %scan3A_1 = arith.constant 0 : i32
    %scan3A_2 = arith.constant 40 : i32
    %scan3A_3 = arith.addi %scan3A_1, %scan3A_2 : i32
    %scan3A_4 = arith.constant 1 : i32
    scf.for %scan3A_6 = %scan3A_1 to %scan3A_3 step %scan3A_4  : i32 {
      %mul3A_7 = arith.constant 32 : i32
      %mul3A_8 = arith.muli %scan3A_6, %mul3A_7 : i32
      %add3A_9 = arith.addi %mul3A_8, %add3A : i32
      %lt3A = arith.constant 1250 : i32
      %lt3A_10 = arith.cmpi slt, %add3A_9, %lt3A : i32
      %convert_element_type3A = arith.extui %lt3A_10 : i1 to i32
      %cond3A = arith.constant 0 : i32
      %cond3A_11 = arith.cmpi ne, %convert_element_type3A, %cond3A : i32
      scf.if %cond3A_11 {
        %mul3A_12 = arith.constant 128 : i32
        %mul3A_13 = arith.muli %add3A_9, %mul3A_12 : i32
        "tpu.region"() ({
          %run_scoped3A = tpu.sem_alloc : memref<!tpu.dma_semaphore, #tpu.memory_space<semaphore_mem>>
          %dma_start3A_24 = tpu.memref_slice %arg3[%mul3A_13] : memref<160000xi32, #tpu.memory_space<hbm>> -> memref<128xi32, #tpu.memory_space<hbm>>
          %dma_start3A_25 = tpu.memref_slice %arg3[%mul3A_13] : memref<160000xi32, #tpu.memory_space<hbm>> -> memref<128xi32, #tpu.memory_space<hbm>>
          tpu.enqueue_dma source(%dma_start3A_25 : memref<128xi32, #tpu.memory_space<hbm>>) target(%arg8 : memref<128xi32, #tpu.memory_space<vmem>>) target_semaphore(%run_scoped3A : memref<!tpu.dma_semaphore, #tpu.memory_space<semaphore_mem>>)
          %dma_wait3A_26 = tpu.memref_slice %arg3[%mul3A_13] : memref<160000xi32, #tpu.memory_space<hbm>> -> memref<128xi32, #tpu.memory_space<hbm>>
          %dma_wait3A_27 = tpu.memref_slice %arg3[%mul3A_13] : memref<160000xi32, #tpu.memory_space<hbm>> -> memref<128xi32, #tpu.memory_space<hbm>>
          tpu.wait_dma2 semaphore(%run_scoped3A : memref<!tpu.dma_semaphore, #tpu.memory_space<semaphore_mem>>) src(%dma_wait3A_27 : memref<128xi32, #tpu.memory_space<hbm>>) dst(%arg8 : memref<128xi32, #tpu.memory_space<vmem>>)
          tpu.yield
        }) : () -> ()
        %dma_start3A = arith.constant 0 : i32
        %dma_start3A_14 = arith.constant 0 : i32
        %dma_start3A_15 = tpu.memref_slice %arg2[%dma_start3A, %dma_start3A_14] : memref<10000x128xf32, #tpu.memory_space<hbm>> -> memref<10000x128xf32, #tpu.memory_space<hbm>>
        tpu.enqueue_indirect_dma source(%dma_start3A_15 : memref<10000x128xf32, #tpu.memory_space<hbm>>) target(%arg9 : memref<128x128xf32, #tpu.memory_space<vmem>>) offsets(%arg8 : memref<128xi32, #tpu.memory_space<vmem>>) semaphore(%arg12 : memref<!tpu.dma_semaphore, #tpu.memory_space<semaphore_mem>>)
        %dma_wait3A = arith.constant 0 : i32
        %dma_wait3A_16 = arith.constant 0 : i32
        %dma_wait3A_17 = tpu.memref_slice %arg2[%dma_wait3A, %dma_wait3A_16] : memref<10000x128xf32, #tpu.memory_space<hbm>> -> memref<10000x128xf32, #tpu.memory_space<hbm>>
        tpu.wait_indirect_dma semaphore(%arg12 : memref<!tpu.dma_semaphore, #tpu.memory_space<semaphore_mem>>) src(%dma_wait3A_17 : memref<10000x128xf32, #tpu.memory_space<hbm>>) dst(%arg9 : memref<128x128xf32, #tpu.memory_space<vmem>>)
        "tpu.region"() ({
          %run_scoped3A = tpu.sem_alloc : memref<!tpu.dma_semaphore, #tpu.memory_space<semaphore_mem>>
          %dma_start3A_24 = arith.constant 0 : i32
          %dma_start3A_25 = tpu.memref_slice %arg6[%mul3A_13, %dma_start3A_24] : memref<160000x128xf32, #tpu.memory_space<hbm>> -> memref<128x128xf32, #tpu.memory_space<hbm>>
          %dma_start3A_26 = arith.constant 0 : i32
          %dma_start3A_27 = tpu.memref_slice %arg6[%mul3A_13, %dma_start3A_26] : memref<160000x128xf32, #tpu.memory_space<hbm>> -> memref<128x128xf32, #tpu.memory_space<hbm>>
          tpu.enqueue_dma source(%arg9 : memref<128x128xf32, #tpu.memory_space<vmem>>) target(%dma_start3A_27 : memref<128x128xf32, #tpu.memory_space<hbm>>) target_semaphore(%run_scoped3A : memref<!tpu.dma_semaphore, #tpu.memory_space<semaphore_mem>>)
          %dma_wait3A_28 = arith.constant 0 : i32
          %dma_wait3A_29 = tpu.memref_slice %arg6[%mul3A_13, %dma_wait3A_28] : memref<160000x128xf32, #tpu.memory_space<hbm>> -> memref<128x128xf32, #tpu.memory_space<hbm>>
          %dma_wait3A_30 = arith.constant 0 : i32
          %dma_wait3A_31 = tpu.memref_slice %arg6[%mul3A_13, %dma_wait3A_30] : memref<160000x128xf32, #tpu.memory_space<hbm>> -> memref<128x128xf32, #tpu.memory_space<hbm>>
          tpu.wait_dma2 semaphore(%run_scoped3A : memref<!tpu.dma_semaphore, #tpu.memory_space<semaphore_mem>>) src(%arg9 : memref<128x128xf32, #tpu.memory_space<vmem>>) dst(%dma_wait3A_31 : memref<128x128xf32, #tpu.memory_space<hbm>>)
          tpu.yield
        }) : () -> ()
        "tpu.region"() ({
          %run_scoped3A = tpu.sem_alloc : memref<!tpu.dma_semaphore, #tpu.memory_space<semaphore_mem>>
          %dma_start3A_24 = tpu.memref_slice %arg5[%mul3A_13] : memref<160000xi32, #tpu.memory_space<hbm>> -> memref<128xi32, #tpu.memory_space<hbm>>
          %dma_start3A_25 = tpu.memref_slice %arg5[%mul3A_13] : memref<160000xi32, #tpu.memory_space<hbm>> -> memref<128xi32, #tpu.memory_space<hbm>>
          tpu.enqueue_dma source(%dma_start3A_25 : memref<128xi32, #tpu.memory_space<hbm>>) target(%arg10 : memref<128xi32, #tpu.memory_space<vmem>>) target_semaphore(%run_scoped3A : memref<!tpu.dma_semaphore, #tpu.memory_space<semaphore_mem>>)
          %dma_wait3A_26 = tpu.memref_slice %arg5[%mul3A_13] : memref<160000xi32, #tpu.memory_space<hbm>> -> memref<128xi32, #tpu.memory_space<hbm>>
          %dma_wait3A_27 = tpu.memref_slice %arg5[%mul3A_13] : memref<160000xi32, #tpu.memory_space<hbm>> -> memref<128xi32, #tpu.memory_space<hbm>>
          tpu.wait_dma2 semaphore(%run_scoped3A : memref<!tpu.dma_semaphore, #tpu.memory_space<semaphore_mem>>) src(%dma_wait3A_27 : memref<128xi32, #tpu.memory_space<hbm>>) dst(%arg10 : memref<128xi32, #tpu.memory_space<vmem>>)
          tpu.yield
        }) : () -> ()
        %dma_start3A_18 = arith.constant 0 : i32
        %dma_start3A_19 = arith.constant 0 : i32
        %dma_start3A_20 = tpu.memref_slice %arg4[%dma_start3A_18, %dma_start3A_19] : memref<10000x128xf32, #tpu.memory_space<hbm>> -> memref<10000x128xf32, #tpu.memory_space<hbm>>
        tpu.enqueue_indirect_dma source(%dma_start3A_20 : memref<10000x128xf32, #tpu.memory_space<hbm>>) target(%arg11 : memref<128x128xf32, #tpu.memory_space<vmem>>) offsets(%arg10 : memref<128xi32, #tpu.memory_space<vmem>>) semaphore(%arg12 : memref<!tpu.dma_semaphore, #tpu.memory_space<semaphore_mem>>)
        %dma_wait3A_21 = arith.constant 0 : i32
        %dma_wait3A_22 = arith.constant 0 : i32
        %dma_wait3A_23 = tpu.memref_slice %arg4[%dma_wait3A_21, %dma_wait3A_22] : memref<10000x128xf32, #tpu.memory_space<hbm>> -> memref<10000x128xf32, #tpu.memory_space<hbm>>
        tpu.wait_indirect_dma semaphore(%arg12 : memref<!tpu.dma_semaphore, #tpu.memory_space<semaphore_mem>>) src(%dma_wait3A_23 : memref<10000x128xf32, #tpu.memory_space<hbm>>) dst(%arg11 : memref<128x128xf32, #tpu.memory_space<vmem>>)
        "tpu.region"() ({
          %run_scoped3A = tpu.sem_alloc : memref<!tpu.dma_semaphore, #tpu.memory_space<semaphore_mem>>
          %dma_start3A_24 = arith.constant 0 : i32
          %dma_start3A_25 = tpu.memref_slice %arg7[%mul3A_13, %dma_start3A_24] : memref<160000x128xf32, #tpu.memory_space<hbm>> -> memref<128x128xf32, #tpu.memory_space<hbm>>
          %dma_start3A_26 = arith.constant 0 : i32
          %dma_start3A_27 = tpu.memref_slice %arg7[%mul3A_13, %dma_start3A_26] : memref<160000x128xf32, #tpu.memory_space<hbm>> -> memref<128x128xf32, #tpu.memory_space<hbm>>
          tpu.enqueue_dma source(%arg11 : memref<128x128xf32, #tpu.memory_space<vmem>>) target(%dma_start3A_27 : memref<128x128xf32, #tpu.memory_space<hbm>>) target_semaphore(%run_scoped3A : memref<!tpu.dma_semaphore, #tpu.memory_space<semaphore_mem>>)
          %dma_wait3A_28 = arith.constant 0 : i32
          %dma_wait3A_29 = tpu.memref_slice %arg7[%mul3A_13, %dma_wait3A_28] : memref<160000x128xf32, #tpu.memory_space<hbm>> -> memref<128x128xf32, #tpu.memory_space<hbm>>
          %dma_wait3A_30 = arith.constant 0 : i32
          %dma_wait3A_31 = tpu.memref_slice %arg7[%mul3A_13, %dma_wait3A_30] : memref<160000x128xf32, #tpu.memory_space<hbm>> -> memref<128x128xf32, #tpu.memory_space<hbm>>
          tpu.wait_dma2 semaphore(%run_scoped3A : memref<!tpu.dma_semaphore, #tpu.memory_space<semaphore_mem>>) src(%arg11 : memref<128x128xf32, #tpu.memory_space<vmem>>) dst(%dma_wait3A_31 : memref<128x128xf32, #tpu.memory_space<hbm>>)
          tpu.yield
        }) : () -> ()
      } else {
      }
    }
    %scan3A_5 = arith.constant 40 : i32
    return
  }
}

#map = affine_map<(d0, d1) -> (0, 0)>
#map1 = affine_map<(d0, d1) -> (0)>
#map2 = affine_map<(d0, d1) -> (0, 0, 0)>
module attributes {stable_mosaic.version = 14 : i64} {
  func.func @k(%arg0: i32, %arg1: i32, %arg2: memref<160000x144xf32, #tpu.memory_space<hbm>>, %arg3: memref<160000x144xf32, #tpu.memory_space<hbm>>, %arg4: memref<160000x144xf32, #tpu.memory_space<hbm>>, %arg5: memref<160000x144xf32, #tpu.memory_space<hbm>>, %arg6: memref<160000x16xf32, #tpu.memory_space<hbm>>, %arg7: memref<160000xi32, #tpu.memory_space<hbm>>, %arg8: memref<625x16xf32, #tpu.memory_space<hbm>>, %arg9: memref<625x144xf32, #tpu.memory_space<hbm>>, %arg10: memref<2x10000x144xf32, #tpu.memory_space<hbm>>, %arg11: memref<2x10000x144xf32, #tpu.memory_space<hbm>>, %arg12: memref<2x10000x144xf32, #tpu.memory_space<hbm>>, %arg13: memref<2x10000x144xf32, #tpu.memory_space<hbm>>, %arg14: memref<2x10000x16xf32, #tpu.memory_space<hbm>>, %arg15: memref<10000x16xf32, #tpu.memory_space<vmem_shared>>, %arg16: memref<10000x144xf32, #tpu.memory_space<vmem_shared>>, %arg17: memref<128x16xf32, #tpu.memory_space<vmem>>, %arg18: memref<128x144xf32, #tpu.memory_space<vmem>>, %arg19: memref<128xi32, #tpu.memory_space<vmem>>, %arg20: memref<!tpu.dma_semaphore, #tpu.memory_space<semaphore_mem>>) attributes {dimension_semantics = [#tpu.dimension_semantics<core_parallel>, #tpu.dimension_semantics<subcore_parallel>], iteration_bounds = array<i64: 2, 16>, scalar_prefetch = 0 : i64, scratch_operands = 6 : i64, tpu.core_type = #tpu.core_type<sc_vector_subcore>, window_params = [{transform_indices = #map}, {transform_indices = #map}, {transform_indices = #map}, {transform_indices = #map}, {transform_indices = #map}, {transform_indices = #map1}, {transform_indices = #map}, {transform_indices = #map}, {transform_indices = #map2}, {transform_indices = #map2}, {transform_indices = #map2}, {transform_indices = #map2}, {transform_indices = #map2}]} {
    %mul3A = arith.constant 2 : i32
    %mul3A_0 = arith.muli %arg1, %mul3A : i32
    %add3A = arith.addi %mul3A_0, %arg0 : i32
    %mul3A_1 = arith.constant 625 : i32
    %mul3A_2 = arith.muli %arg1, %mul3A_1 : i32
    "tpu.region"() ({
      %run_scoped3A = tpu.sem_alloc : memref<!tpu.dma_semaphore, #tpu.memory_space<semaphore_mem>>
      %dma_start3A = arith.constant 0 : i32
      %dma_start3A_74 = tpu.memref_slice %arg16[%mul3A_2, %dma_start3A] : memref<10000x144xf32, #tpu.memory_space<vmem_shared>> -> memref<625x144xf32, #tpu.memory_space<vmem_shared>>
      tpu.enqueue_dma source(%arg9 : memref<625x144xf32, #tpu.memory_space<hbm>>) target(%dma_start3A_74 : memref<625x144xf32, #tpu.memory_space<vmem_shared>>) target_semaphore(%run_scoped3A : memref<!tpu.dma_semaphore, #tpu.memory_space<semaphore_mem>>)
      %dma_wait3A = arith.constant 0 : i32
      %dma_wait3A_75 = tpu.memref_slice %arg16[%mul3A_2, %dma_wait3A] : memref<10000x144xf32, #tpu.memory_space<vmem_shared>> -> memref<625x144xf32, #tpu.memory_space<vmem_shared>>
      tpu.wait_dma2 semaphore(%run_scoped3A : memref<!tpu.dma_semaphore, #tpu.memory_space<semaphore_mem>>) src(%arg9 : memref<625x144xf32, #tpu.memory_space<hbm>>) dst(%dma_wait3A_75 : memref<625x144xf32, #tpu.memory_space<vmem_shared>>)
      tpu.yield
    }) : () -> ()
    %barrier3A = arith.constant 0 : index
    tpu.barrier barrier_id(%barrier3A)
    %scan3A = arith.constant 0 : i32
    %scan3A_3 = arith.constant 0 : i32
    %scan3A_4 = arith.constant 40 : i32
    %scan3A_5 = arith.addi %scan3A_3, %scan3A_4 : i32
    %scan3A_6 = arith.constant 1 : i32
    scf.for %scan3A_74 = %scan3A_3 to %scan3A_5 step %scan3A_6  : i32 {
      %mul3A_75 = arith.constant 32 : i32
      %mul3A_76 = arith.muli %scan3A_74, %mul3A_75 : i32
      %add3A_77 = arith.addi %mul3A_76, %add3A : i32
      %lt3A = arith.constant 1250 : i32
      %lt3A_78 = arith.cmpi slt, %add3A_77, %lt3A : i32
      %convert_element_type3A = arith.extui %lt3A_78 : i1 to i32
      %cond3A = arith.constant 0 : i32
      %cond3A_79 = arith.cmpi ne, %convert_element_type3A, %cond3A : i32
      scf.if %cond3A_79 {
        %mul3A_80 = arith.constant 128 : i32
        %mul3A_81 = arith.muli %add3A_77, %mul3A_80 : i32
        "tpu.region"() ({
          %run_scoped3A = tpu.sem_alloc : memref<!tpu.dma_semaphore, #tpu.memory_space<semaphore_mem>>
          %dma_start3A = tpu.memref_slice %arg7[%mul3A_81] : memref<160000xi32, #tpu.memory_space<hbm>> -> memref<128xi32, #tpu.memory_space<hbm>>
          %dma_start3A_82 = tpu.memref_slice %arg7[%mul3A_81] : memref<160000xi32, #tpu.memory_space<hbm>> -> memref<128xi32, #tpu.memory_space<hbm>>
          tpu.enqueue_dma source(%dma_start3A_82 : memref<128xi32, #tpu.memory_space<hbm>>) target(%arg19 : memref<128xi32, #tpu.memory_space<vmem>>) target_semaphore(%run_scoped3A : memref<!tpu.dma_semaphore, #tpu.memory_space<semaphore_mem>>)
          %dma_wait3A = tpu.memref_slice %arg7[%mul3A_81] : memref<160000xi32, #tpu.memory_space<hbm>> -> memref<128xi32, #tpu.memory_space<hbm>>
          %dma_wait3A_83 = tpu.memref_slice %arg7[%mul3A_81] : memref<160000xi32, #tpu.memory_space<hbm>> -> memref<128xi32, #tpu.memory_space<hbm>>
          tpu.wait_dma2 semaphore(%run_scoped3A : memref<!tpu.dma_semaphore, #tpu.memory_space<semaphore_mem>>) src(%dma_wait3A_83 : memref<128xi32, #tpu.memory_space<hbm>>) dst(%arg19 : memref<128xi32, #tpu.memory_space<vmem>>)
          tpu.yield
        }) : () -> ()
        "tpu.region"() ({
          %run_scoped3A = tpu.sem_alloc : memref<!tpu.dma_semaphore, #tpu.memory_space<semaphore_mem>>
          %dma_start3A = arith.constant 0 : i32
          %dma_start3A_82 = tpu.memref_slice %arg2[%mul3A_81, %dma_start3A] : memref<160000x144xf32, #tpu.memory_space<hbm>> -> memref<128x144xf32, #tpu.memory_space<hbm>>
          %dma_start3A_83 = arith.constant 0 : i32
          %dma_start3A_84 = tpu.memref_slice %arg2[%mul3A_81, %dma_start3A_83] : memref<160000x144xf32, #tpu.memory_space<hbm>> -> memref<128x144xf32, #tpu.memory_space<hbm>>
          tpu.enqueue_dma source(%dma_start3A_84 : memref<128x144xf32, #tpu.memory_space<hbm>>) target(%arg18 : memref<128x144xf32, #tpu.memory_space<vmem>>) target_semaphore(%run_scoped3A : memref<!tpu.dma_semaphore, #tpu.memory_space<semaphore_mem>>)
          %dma_wait3A = arith.constant 0 : i32
          %dma_wait3A_85 = tpu.memref_slice %arg2[%mul3A_81, %dma_wait3A] : memref<160000x144xf32, #tpu.memory_space<hbm>> -> memref<128x144xf32, #tpu.memory_space<hbm>>
          %dma_wait3A_86 = arith.constant 0 : i32
          %dma_wait3A_87 = tpu.memref_slice %arg2[%mul3A_81, %dma_wait3A_86] : memref<160000x144xf32, #tpu.memory_space<hbm>> -> memref<128x144xf32, #tpu.memory_space<hbm>>
          tpu.wait_dma2 semaphore(%run_scoped3A : memref<!tpu.dma_semaphore, #tpu.memory_space<semaphore_mem>>) src(%dma_wait3A_87 : memref<128x144xf32, #tpu.memory_space<hbm>>) dst(%arg18 : memref<128x144xf32, #tpu.memory_space<vmem>>)
          tpu.yield
        }) : () -> ()
        "tpu.region"() ({
          %run_scoped3A = tpu.sem_alloc : memref<!tpu.dma_semaphore, #tpu.memory_space<semaphore_mem>>
          %dma_start3A = arith.constant 0 : i32
          %dma_start3A_82 = arith.constant 0 : i32
          %dma_start3A_83 = tpu.memref_slice %arg16[%dma_start3A, %dma_start3A_82] : memref<10000x144xf32, #tpu.memory_space<vmem_shared>> -> memref<10000x144xf32, #tpu.memory_space<vmem_shared>>
          tpu.enqueue_indirect_dma source(%arg18 : memref<128x144xf32, #tpu.memory_space<vmem>>) target(%dma_start3A_83 : memref<10000x144xf32, #tpu.memory_space<vmem_shared>>) offsets(%arg19 : memref<128xi32, #tpu.memory_space<vmem>>) semaphore(%run_scoped3A : memref<!tpu.dma_semaphore, #tpu.memory_space<semaphore_mem>>) {add = true}
          %dma_wait3A = arith.constant 0 : i32
          %dma_wait3A_84 = arith.constant 0 : i32
          %dma_wait3A_85 = tpu.memref_slice %arg16[%dma_wait3A, %dma_wait3A_84] : memref<10000x144xf32, #tpu.memory_space<vmem_shared>> -> memref<10000x144xf32, #tpu.memory_space<vmem_shared>>
          tpu.wait_indirect_dma semaphore(%run_scoped3A : memref<!tpu.dma_semaphore, #tpu.memory_space<semaphore_mem>>) src(%arg18 : memref<128x144xf32, #tpu.memory_space<vmem>>) dst(%dma_wait3A_85 : memref<10000x144xf32, #tpu.memory_space<vmem_shared>>)
          tpu.yield
        }) : () -> ()
      } else {
      }
    }
    %scan3A_7 = arith.constant 40 : i32
    %barrier3A_8 = arith.constant 0 : index
    tpu.barrier barrier_id(%barrier3A_8)
    %mul3A_9 = arith.constant 625 : i32
    %mul3A_10 = arith.muli %arg1, %mul3A_9 : i32
    %mul3A_11 = arith.constant 625 : i32
    %mul3A_12 = arith.muli %arg1, %mul3A_11 : i32
    "tpu.region"() ({
      %run_scoped3A = tpu.sem_alloc : memref<!tpu.dma_semaphore, #tpu.memory_space<semaphore_mem>>
      %dma_start3A = arith.constant 0 : i32
      %dma_start3A_74 = tpu.memref_slice %arg10[%arg0, %mul3A_12, %dma_start3A] : memref<2x10000x144xf32, #tpu.memory_space<hbm>> -> memref<1x625x144xf32, #tpu.memory_space<hbm>>
      %dma_start3A_75 = tpu.memref_squeeze %dma_start3A_74 : memref<1x625x144xf32, #tpu.memory_space<hbm>> -> memref<625x144xf32, #tpu.memory_space<hbm>>
      %dma_start3A_76 = arith.constant 0 : i32
      %dma_start3A_77 = tpu.memref_slice %arg16[%mul3A_10, %dma_start3A_76] : memref<10000x144xf32, #tpu.memory_space<vmem_shared>> -> memref<625x144xf32, #tpu.memory_space<vmem_shared>>
      tpu.enqueue_dma source(%dma_start3A_77 : memref<625x144xf32, #tpu.memory_space<vmem_shared>>) target(%dma_start3A_75 : memref<625x144xf32, #tpu.memory_space<hbm>>) target_semaphore(%run_scoped3A : memref<!tpu.dma_semaphore, #tpu.memory_space<semaphore_mem>>)
      %dma_wait3A = arith.constant 0 : i32
      %dma_wait3A_78 = tpu.memref_slice %arg10[%arg0, %mul3A_12, %dma_wait3A] : memref<2x10000x144xf32, #tpu.memory_space<hbm>> -> memref<1x625x144xf32, #tpu.memory_space<hbm>>
      %dma_wait3A_79 = tpu.memref_squeeze %dma_wait3A_78 : memref<1x625x144xf32, #tpu.memory_space<hbm>> -> memref<625x144xf32, #tpu.memory_space<hbm>>
      %dma_wait3A_80 = arith.constant 0 : i32
      %dma_wait3A_81 = tpu.memref_slice %arg16[%mul3A_10, %dma_wait3A_80] : memref<10000x144xf32, #tpu.memory_space<vmem_shared>> -> memref<625x144xf32, #tpu.memory_space<vmem_shared>>
      tpu.wait_dma2 semaphore(%run_scoped3A : memref<!tpu.dma_semaphore, #tpu.memory_space<semaphore_mem>>) src(%dma_wait3A_81 : memref<625x144xf32, #tpu.memory_space<vmem_shared>>) dst(%dma_wait3A_79 : memref<625x144xf32, #tpu.memory_space<hbm>>)
      tpu.yield
    }) : () -> ()
    %barrier3A_13 = arith.constant 0 : index
    tpu.barrier barrier_id(%barrier3A_13)
    %mul3A_14 = arith.constant 625 : i32
    %mul3A_15 = arith.muli %arg1, %mul3A_14 : i32
    "tpu.region"() ({
      %run_scoped3A = tpu.sem_alloc : memref<!tpu.dma_semaphore, #tpu.memory_space<semaphore_mem>>
      %dma_start3A = arith.constant 0 : i32
      %dma_start3A_74 = tpu.memref_slice %arg16[%mul3A_15, %dma_start3A] : memref<10000x144xf32, #tpu.memory_space<vmem_shared>> -> memref<625x144xf32, #tpu.memory_space<vmem_shared>>
      tpu.enqueue_dma source(%arg9 : memref<625x144xf32, #tpu.memory_space<hbm>>) target(%dma_start3A_74 : memref<625x144xf32, #tpu.memory_space<vmem_shared>>) target_semaphore(%run_scoped3A : memref<!tpu.dma_semaphore, #tpu.memory_space<semaphore_mem>>)
      %dma_wait3A = arith.constant 0 : i32
      %dma_wait3A_75 = tpu.memref_slice %arg16[%mul3A_15, %dma_wait3A] : memref<10000x144xf32, #tpu.memory_space<vmem_shared>> -> memref<625x144xf32, #tpu.memory_space<vmem_shared>>
      tpu.wait_dma2 semaphore(%run_scoped3A : memref<!tpu.dma_semaphore, #tpu.memory_space<semaphore_mem>>) src(%arg9 : memref<625x144xf32, #tpu.memory_space<hbm>>) dst(%dma_wait3A_75 : memref<625x144xf32, #tpu.memory_space<vmem_shared>>)
      tpu.yield
    }) : () -> ()
    %barrier3A_16 = arith.constant 0 : index
    tpu.barrier barrier_id(%barrier3A_16)
    %scan3A_17 = arith.constant 0 : i32
    %scan3A_18 = arith.constant 0 : i32
    %scan3A_19 = arith.constant 40 : i32
    %scan3A_20 = arith.addi %scan3A_18, %scan3A_19 : i32
    %scan3A_21 = arith.constant 1 : i32
    scf.for %scan3A_74 = %scan3A_18 to %scan3A_20 step %scan3A_21  : i32 {
      %mul3A_75 = arith.constant 32 : i32
      %mul3A_76 = arith.muli %scan3A_74, %mul3A_75 : i32
      %add3A_77 = arith.addi %mul3A_76, %add3A : i32
      %lt3A = arith.constant 1250 : i32
      %lt3A_78 = arith.cmpi slt, %add3A_77, %lt3A : i32
      %convert_element_type3A = arith.extui %lt3A_78 : i1 to i32
      %cond3A = arith.constant 0 : i32
      %cond3A_79 = arith.cmpi ne, %convert_element_type3A, %cond3A : i32
      scf.if %cond3A_79 {
        %mul3A_80 = arith.constant 128 : i32
        %mul3A_81 = arith.muli %add3A_77, %mul3A_80 : i32
        "tpu.region"() ({
          %run_scoped3A = tpu.sem_alloc : memref<!tpu.dma_semaphore, #tpu.memory_space<semaphore_mem>>
          %dma_start3A = tpu.memref_slice %arg7[%mul3A_81] : memref<160000xi32, #tpu.memory_space<hbm>> -> memref<128xi32, #tpu.memory_space<hbm>>
          %dma_start3A_82 = tpu.memref_slice %arg7[%mul3A_81] : memref<160000xi32, #tpu.memory_space<hbm>> -> memref<128xi32, #tpu.memory_space<hbm>>
          tpu.enqueue_dma source(%dma_start3A_82 : memref<128xi32, #tpu.memory_space<hbm>>) target(%arg19 : memref<128xi32, #tpu.memory_space<vmem>>) target_semaphore(%run_scoped3A : memref<!tpu.dma_semaphore, #tpu.memory_space<semaphore_mem>>)
          %dma_wait3A = tpu.memref_slice %arg7[%mul3A_81] : memref<160000xi32, #tpu.memory_space<hbm>> -> memref<128xi32, #tpu.memory_space<hbm>>
          %dma_wait3A_83 = tpu.memref_slice %arg7[%mul3A_81] : memref<160000xi32, #tpu.memory_space<hbm>> -> memref<128xi32, #tpu.memory_space<hbm>>
          tpu.wait_dma2 semaphore(%run_scoped3A : memref<!tpu.dma_semaphore, #tpu.memory_space<semaphore_mem>>) src(%dma_wait3A_83 : memref<128xi32, #tpu.memory_space<hbm>>) dst(%arg19 : memref<128xi32, #tpu.memory_space<vmem>>)
          tpu.yield
        }) : () -> ()
        "tpu.region"() ({
          %run_scoped3A = tpu.sem_alloc : memref<!tpu.dma_semaphore, #tpu.memory_space<semaphore_mem>>
          %dma_start3A = arith.constant 0 : i32
          %dma_start3A_82 = tpu.memref_slice %arg3[%mul3A_81, %dma_start3A] : memref<160000x144xf32, #tpu.memory_space<hbm>> -> memref<128x144xf32, #tpu.memory_space<hbm>>
          %dma_start3A_83 = arith.constant 0 : i32
          %dma_start3A_84 = tpu.memref_slice %arg3[%mul3A_81, %dma_start3A_83] : memref<160000x144xf32, #tpu.memory_space<hbm>> -> memref<128x144xf32, #tpu.memory_space<hbm>>
          tpu.enqueue_dma source(%dma_start3A_84 : memref<128x144xf32, #tpu.memory_space<hbm>>) target(%arg18 : memref<128x144xf32, #tpu.memory_space<vmem>>) target_semaphore(%run_scoped3A : memref<!tpu.dma_semaphore, #tpu.memory_space<semaphore_mem>>)
          %dma_wait3A = arith.constant 0 : i32
          %dma_wait3A_85 = tpu.memref_slice %arg3[%mul3A_81, %dma_wait3A] : memref<160000x144xf32, #tpu.memory_space<hbm>> -> memref<128x144xf32, #tpu.memory_space<hbm>>
          %dma_wait3A_86 = arith.constant 0 : i32
          %dma_wait3A_87 = tpu.memref_slice %arg3[%mul3A_81, %dma_wait3A_86] : memref<160000x144xf32, #tpu.memory_space<hbm>> -> memref<128x144xf32, #tpu.memory_space<hbm>>
          tpu.wait_dma2 semaphore(%run_scoped3A : memref<!tpu.dma_semaphore, #tpu.memory_space<semaphore_mem>>) src(%dma_wait3A_87 : memref<128x144xf32, #tpu.memory_space<hbm>>) dst(%arg18 : memref<128x144xf32, #tpu.memory_space<vmem>>)
          tpu.yield
        }) : () -> ()
        "tpu.region"() ({
          %run_scoped3A = tpu.sem_alloc : memref<!tpu.dma_semaphore, #tpu.memory_space<semaphore_mem>>
          %dma_start3A = arith.constant 0 : i32
          %dma_start3A_82 = arith.constant 0 : i32
          %dma_start3A_83 = tpu.memref_slice %arg16[%dma_start3A, %dma_start3A_82] : memref<10000x144xf32, #tpu.memory_space<vmem_shared>> -> memref<10000x144xf32, #tpu.memory_space<vmem_shared>>
          tpu.enqueue_indirect_dma source(%arg18 : memref<128x144xf32, #tpu.memory_space<vmem>>) target(%dma_start3A_83 : memref<10000x144xf32, #tpu.memory_space<vmem_shared>>) offsets(%arg19 : memref<128xi32, #tpu.memory_space<vmem>>) semaphore(%run_scoped3A : memref<!tpu.dma_semaphore, #tpu.memory_space<semaphore_mem>>) {add = true}
          %dma_wait3A = arith.constant 0 : i32
          %dma_wait3A_84 = arith.constant 0 : i32
          %dma_wait3A_85 = tpu.memref_slice %arg16[%dma_wait3A, %dma_wait3A_84] : memref<10000x144xf32, #tpu.memory_space<vmem_shared>> -> memref<10000x144xf32, #tpu.memory_space<vmem_shared>>
          tpu.wait_indirect_dma semaphore(%run_scoped3A : memref<!tpu.dma_semaphore, #tpu.memory_space<semaphore_mem>>) src(%arg18 : memref<128x144xf32, #tpu.memory_space<vmem>>) dst(%dma_wait3A_85 : memref<10000x144xf32, #tpu.memory_space<vmem_shared>>)
          tpu.yield
        }) : () -> ()
      } else {
      }
    }
    %scan3A_22 = arith.constant 40 : i32
    %barrier3A_23 = arith.constant 0 : index
    tpu.barrier barrier_id(%barrier3A_23)
    %mul3A_24 = arith.constant 625 : i32
    %mul3A_25 = arith.muli %arg1, %mul3A_24 : i32
    %mul3A_26 = arith.constant 625 : i32
    %mul3A_27 = arith.muli %arg1, %mul3A_26 : i32
    "tpu.region"() ({
      %run_scoped3A = tpu.sem_alloc : memref<!tpu.dma_semaphore, #tpu.memory_space<semaphore_mem>>
      %dma_start3A = arith.constant 0 : i32
      %dma_start3A_74 = tpu.memref_slice %arg11[%arg0, %mul3A_27, %dma_start3A] : memref<2x10000x144xf32, #tpu.memory_space<hbm>> -> memref<1x625x144xf32, #tpu.memory_space<hbm>>
      %dma_start3A_75 = tpu.memref_squeeze %dma_start3A_74 : memref<1x625x144xf32, #tpu.memory_space<hbm>> -> memref<625x144xf32, #tpu.memory_space<hbm>>
      %dma_start3A_76 = arith.constant 0 : i32
      %dma_start3A_77 = tpu.memref_slice %arg16[%mul3A_25, %dma_start3A_76] : memref<10000x144xf32, #tpu.memory_space<vmem_shared>> -> memref<625x144xf32, #tpu.memory_space<vmem_shared>>
      tpu.enqueue_dma source(%dma_start3A_77 : memref<625x144xf32, #tpu.memory_space<vmem_shared>>) target(%dma_start3A_75 : memref<625x144xf32, #tpu.memory_space<hbm>>) target_semaphore(%run_scoped3A : memref<!tpu.dma_semaphore, #tpu.memory_space<semaphore_mem>>)
      %dma_wait3A = arith.constant 0 : i32
      %dma_wait3A_78 = tpu.memref_slice %arg11[%arg0, %mul3A_27, %dma_wait3A] : memref<2x10000x144xf32, #tpu.memory_space<hbm>> -> memref<1x625x144xf32, #tpu.memory_space<hbm>>
      %dma_wait3A_79 = tpu.memref_squeeze %dma_wait3A_78 : memref<1x625x144xf32, #tpu.memory_space<hbm>> -> memref<625x144xf32, #tpu.memory_space<hbm>>
      %dma_wait3A_80 = arith.constant 0 : i32
      %dma_wait3A_81 = tpu.memref_slice %arg16[%mul3A_25, %dma_wait3A_80] : memref<10000x144xf32, #tpu.memory_space<vmem_shared>> -> memref<625x144xf32, #tpu.memory_space<vmem_shared>>
      tpu.wait_dma2 semaphore(%run_scoped3A : memref<!tpu.dma_semaphore, #tpu.memory_space<semaphore_mem>>) src(%dma_wait3A_81 : memref<625x144xf32, #tpu.memory_space<vmem_shared>>) dst(%dma_wait3A_79 : memref<625x144xf32, #tpu.memory_space<hbm>>)
      tpu.yield
    }) : () -> ()
    %barrier3A_28 = arith.constant 0 : index
    tpu.barrier barrier_id(%barrier3A_28)
    %mul3A_29 = arith.constant 625 : i32
    %mul3A_30 = arith.muli %arg1, %mul3A_29 : i32
    "tpu.region"() ({
      %run_scoped3A = tpu.sem_alloc : memref<!tpu.dma_semaphore, #tpu.memory_space<semaphore_mem>>
      %dma_start3A = arith.constant 0 : i32
      %dma_start3A_74 = tpu.memref_slice %arg16[%mul3A_30, %dma_start3A] : memref<10000x144xf32, #tpu.memory_space<vmem_shared>> -> memref<625x144xf32, #tpu.memory_space<vmem_shared>>
      tpu.enqueue_dma source(%arg9 : memref<625x144xf32, #tpu.memory_space<hbm>>) target(%dma_start3A_74 : memref<625x144xf32, #tpu.memory_space<vmem_shared>>) target_semaphore(%run_scoped3A : memref<!tpu.dma_semaphore, #tpu.memory_space<semaphore_mem>>)
      %dma_wait3A = arith.constant 0 : i32
      %dma_wait3A_75 = tpu.memref_slice %arg16[%mul3A_30, %dma_wait3A] : memref<10000x144xf32, #tpu.memory_space<vmem_shared>> -> memref<625x144xf32, #tpu.memory_space<vmem_shared>>
      tpu.wait_dma2 semaphore(%run_scoped3A : memref<!tpu.dma_semaphore, #tpu.memory_space<semaphore_mem>>) src(%arg9 : memref<625x144xf32, #tpu.memory_space<hbm>>) dst(%dma_wait3A_75 : memref<625x144xf32, #tpu.memory_space<vmem_shared>>)
      tpu.yield
    }) : () -> ()
    %barrier3A_31 = arith.constant 0 : index
    tpu.barrier barrier_id(%barrier3A_31)
    %scan3A_32 = arith.constant 0 : i32
    %scan3A_33 = arith.constant 0 : i32
    %scan3A_34 = arith.constant 40 : i32
    %scan3A_35 = arith.addi %scan3A_33, %scan3A_34 : i32
    %scan3A_36 = arith.constant 1 : i32
    scf.for %scan3A_74 = %scan3A_33 to %scan3A_35 step %scan3A_36  : i32 {
      %mul3A_75 = arith.constant 32 : i32
      %mul3A_76 = arith.muli %scan3A_74, %mul3A_75 : i32
      %add3A_77 = arith.addi %mul3A_76, %add3A : i32
      %lt3A = arith.constant 1250 : i32
      %lt3A_78 = arith.cmpi slt, %add3A_77, %lt3A : i32
      %convert_element_type3A = arith.extui %lt3A_78 : i1 to i32
      %cond3A = arith.constant 0 : i32
      %cond3A_79 = arith.cmpi ne, %convert_element_type3A, %cond3A : i32
      scf.if %cond3A_79 {
        %mul3A_80 = arith.constant 128 : i32
        %mul3A_81 = arith.muli %add3A_77, %mul3A_80 : i32
        "tpu.region"() ({
          %run_scoped3A = tpu.sem_alloc : memref<!tpu.dma_semaphore, #tpu.memory_space<semaphore_mem>>
          %dma_start3A = tpu.memref_slice %arg7[%mul3A_81] : memref<160000xi32, #tpu.memory_space<hbm>> -> memref<128xi32, #tpu.memory_space<hbm>>
          %dma_start3A_82 = tpu.memref_slice %arg7[%mul3A_81] : memref<160000xi32, #tpu.memory_space<hbm>> -> memref<128xi32, #tpu.memory_space<hbm>>
          tpu.enqueue_dma source(%dma_start3A_82 : memref<128xi32, #tpu.memory_space<hbm>>) target(%arg19 : memref<128xi32, #tpu.memory_space<vmem>>) target_semaphore(%run_scoped3A : memref<!tpu.dma_semaphore, #tpu.memory_space<semaphore_mem>>)
          %dma_wait3A = tpu.memref_slice %arg7[%mul3A_81] : memref<160000xi32, #tpu.memory_space<hbm>> -> memref<128xi32, #tpu.memory_space<hbm>>
          %dma_wait3A_83 = tpu.memref_slice %arg7[%mul3A_81] : memref<160000xi32, #tpu.memory_space<hbm>> -> memref<128xi32, #tpu.memory_space<hbm>>
          tpu.wait_dma2 semaphore(%run_scoped3A : memref<!tpu.dma_semaphore, #tpu.memory_space<semaphore_mem>>) src(%dma_wait3A_83 : memref<128xi32, #tpu.memory_space<hbm>>) dst(%arg19 : memref<128xi32, #tpu.memory_space<vmem>>)
          tpu.yield
        }) : () -> ()
        "tpu.region"() ({
          %run_scoped3A = tpu.sem_alloc : memref<!tpu.dma_semaphore, #tpu.memory_space<semaphore_mem>>
          %dma_start3A = arith.constant 0 : i32
          %dma_start3A_82 = tpu.memref_slice %arg4[%mul3A_81, %dma_start3A] : memref<160000x144xf32, #tpu.memory_space<hbm>> -> memref<128x144xf32, #tpu.memory_space<hbm>>
          %dma_start3A_83 = arith.constant 0 : i32
          %dma_start3A_84 = tpu.memref_slice %arg4[%mul3A_81, %dma_start3A_83] : memref<160000x144xf32, #tpu.memory_space<hbm>> -> memref<128x144xf32, #tpu.memory_space<hbm>>
          tpu.enqueue_dma source(%dma_start3A_84 : memref<128x144xf32, #tpu.memory_space<hbm>>) target(%arg18 : memref<128x144xf32, #tpu.memory_space<vmem>>) target_semaphore(%run_scoped3A : memref<!tpu.dma_semaphore, #tpu.memory_space<semaphore_mem>>)
          %dma_wait3A = arith.constant 0 : i32
          %dma_wait3A_85 = tpu.memref_slice %arg4[%mul3A_81, %dma_wait3A] : memref<160000x144xf32, #tpu.memory_space<hbm>> -> memref<128x144xf32, #tpu.memory_space<hbm>>
          %dma_wait3A_86 = arith.constant 0 : i32
          %dma_wait3A_87 = tpu.memref_slice %arg4[%mul3A_81, %dma_wait3A_86] : memref<160000x144xf32, #tpu.memory_space<hbm>> -> memref<128x144xf32, #tpu.memory_space<hbm>>
          tpu.wait_dma2 semaphore(%run_scoped3A : memref<!tpu.dma_semaphore, #tpu.memory_space<semaphore_mem>>) src(%dma_wait3A_87 : memref<128x144xf32, #tpu.memory_space<hbm>>) dst(%arg18 : memref<128x144xf32, #tpu.memory_space<vmem>>)
          tpu.yield
        }) : () -> ()
        "tpu.region"() ({
          %run_scoped3A = tpu.sem_alloc : memref<!tpu.dma_semaphore, #tpu.memory_space<semaphore_mem>>
          %dma_start3A = arith.constant 0 : i32
          %dma_start3A_82 = arith.constant 0 : i32
          %dma_start3A_83 = tpu.memref_slice %arg16[%dma_start3A, %dma_start3A_82] : memref<10000x144xf32, #tpu.memory_space<vmem_shared>> -> memref<10000x144xf32, #tpu.memory_space<vmem_shared>>
          tpu.enqueue_indirect_dma source(%arg18 : memref<128x144xf32, #tpu.memory_space<vmem>>) target(%dma_start3A_83 : memref<10000x144xf32, #tpu.memory_space<vmem_shared>>) offsets(%arg19 : memref<128xi32, #tpu.memory_space<vmem>>) semaphore(%run_scoped3A : memref<!tpu.dma_semaphore, #tpu.memory_space<semaphore_mem>>) {add = true}
          %dma_wait3A = arith.constant 0 : i32
          %dma_wait3A_84 = arith.constant 0 : i32
          %dma_wait3A_85 = tpu.memref_slice %arg16[%dma_wait3A, %dma_wait3A_84] : memref<10000x144xf32, #tpu.memory_space<vmem_shared>> -> memref<10000x144xf32, #tpu.memory_space<vmem_shared>>
          tpu.wait_indirect_dma semaphore(%run_scoped3A : memref<!tpu.dma_semaphore, #tpu.memory_space<semaphore_mem>>) src(%arg18 : memref<128x144xf32, #tpu.memory_space<vmem>>) dst(%dma_wait3A_85 : memref<10000x144xf32, #tpu.memory_space<vmem_shared>>)
          tpu.yield
        }) : () -> ()
      } else {
      }
    }
    %scan3A_37 = arith.constant 40 : i32
    %barrier3A_38 = arith.constant 0 : index
    tpu.barrier barrier_id(%barrier3A_38)
    %mul3A_39 = arith.constant 625 : i32
    %mul3A_40 = arith.muli %arg1, %mul3A_39 : i32
    %mul3A_41 = arith.constant 625 : i32
    %mul3A_42 = arith.muli %arg1, %mul3A_41 : i32
    "tpu.region"() ({
      %run_scoped3A = tpu.sem_alloc : memref<!tpu.dma_semaphore, #tpu.memory_space<semaphore_mem>>
      %dma_start3A = arith.constant 0 : i32
      %dma_start3A_74 = tpu.memref_slice %arg12[%arg0, %mul3A_42, %dma_start3A] : memref<2x10000x144xf32, #tpu.memory_space<hbm>> -> memref<1x625x144xf32, #tpu.memory_space<hbm>>
      %dma_start3A_75 = tpu.memref_squeeze %dma_start3A_74 : memref<1x625x144xf32, #tpu.memory_space<hbm>> -> memref<625x144xf32, #tpu.memory_space<hbm>>
      %dma_start3A_76 = arith.constant 0 : i32
      %dma_start3A_77 = tpu.memref_slice %arg16[%mul3A_40, %dma_start3A_76] : memref<10000x144xf32, #tpu.memory_space<vmem_shared>> -> memref<625x144xf32, #tpu.memory_space<vmem_shared>>
      tpu.enqueue_dma source(%dma_start3A_77 : memref<625x144xf32, #tpu.memory_space<vmem_shared>>) target(%dma_start3A_75 : memref<625x144xf32, #tpu.memory_space<hbm>>) target_semaphore(%run_scoped3A : memref<!tpu.dma_semaphore, #tpu.memory_space<semaphore_mem>>)
      %dma_wait3A = arith.constant 0 : i32
      %dma_wait3A_78 = tpu.memref_slice %arg12[%arg0, %mul3A_42, %dma_wait3A] : memref<2x10000x144xf32, #tpu.memory_space<hbm>> -> memref<1x625x144xf32, #tpu.memory_space<hbm>>
      %dma_wait3A_79 = tpu.memref_squeeze %dma_wait3A_78 : memref<1x625x144xf32, #tpu.memory_space<hbm>> -> memref<625x144xf32, #tpu.memory_space<hbm>>
      %dma_wait3A_80 = arith.constant 0 : i32
      %dma_wait3A_81 = tpu.memref_slice %arg16[%mul3A_40, %dma_wait3A_80] : memref<10000x144xf32, #tpu.memory_space<vmem_shared>> -> memref<625x144xf32, #tpu.memory_space<vmem_shared>>
      tpu.wait_dma2 semaphore(%run_scoped3A : memref<!tpu.dma_semaphore, #tpu.memory_space<semaphore_mem>>) src(%dma_wait3A_81 : memref<625x144xf32, #tpu.memory_space<vmem_shared>>) dst(%dma_wait3A_79 : memref<625x144xf32, #tpu.memory_space<hbm>>)
      tpu.yield
    }) : () -> ()
    %barrier3A_43 = arith.constant 0 : index
    tpu.barrier barrier_id(%barrier3A_43)
    %mul3A_44 = arith.constant 625 : i32
    %mul3A_45 = arith.muli %arg1, %mul3A_44 : i32
    "tpu.region"() ({
      %run_scoped3A = tpu.sem_alloc : memref<!tpu.dma_semaphore, #tpu.memory_space<semaphore_mem>>
      %dma_start3A = arith.constant 0 : i32
      %dma_start3A_74 = tpu.memref_slice %arg16[%mul3A_45, %dma_start3A] : memref<10000x144xf32, #tpu.memory_space<vmem_shared>> -> memref<625x144xf32, #tpu.memory_space<vmem_shared>>
      tpu.enqueue_dma source(%arg9 : memref<625x144xf32, #tpu.memory_space<hbm>>) target(%dma_start3A_74 : memref<625x144xf32, #tpu.memory_space<vmem_shared>>) target_semaphore(%run_scoped3A : memref<!tpu.dma_semaphore, #tpu.memory_space<semaphore_mem>>)
      %dma_wait3A = arith.constant 0 : i32
      %dma_wait3A_75 = tpu.memref_slice %arg16[%mul3A_45, %dma_wait3A] : memref<10000x144xf32, #tpu.memory_space<vmem_shared>> -> memref<625x144xf32, #tpu.memory_space<vmem_shared>>
      tpu.wait_dma2 semaphore(%run_scoped3A : memref<!tpu.dma_semaphore, #tpu.memory_space<semaphore_mem>>) src(%arg9 : memref<625x144xf32, #tpu.memory_space<hbm>>) dst(%dma_wait3A_75 : memref<625x144xf32, #tpu.memory_space<vmem_shared>>)
      tpu.yield
    }) : () -> ()
    %barrier3A_46 = arith.constant 0 : index
    tpu.barrier barrier_id(%barrier3A_46)
    %scan3A_47 = arith.constant 0 : i32
    %scan3A_48 = arith.constant 0 : i32
    %scan3A_49 = arith.constant 40 : i32
    %scan3A_50 = arith.addi %scan3A_48, %scan3A_49 : i32
    %scan3A_51 = arith.constant 1 : i32
    scf.for %scan3A_74 = %scan3A_48 to %scan3A_50 step %scan3A_51  : i32 {
      %mul3A_75 = arith.constant 32 : i32
      %mul3A_76 = arith.muli %scan3A_74, %mul3A_75 : i32
      %add3A_77 = arith.addi %mul3A_76, %add3A : i32
      %lt3A = arith.constant 1250 : i32
      %lt3A_78 = arith.cmpi slt, %add3A_77, %lt3A : i32
      %convert_element_type3A = arith.extui %lt3A_78 : i1 to i32
      %cond3A = arith.constant 0 : i32
      %cond3A_79 = arith.cmpi ne, %convert_element_type3A, %cond3A : i32
      scf.if %cond3A_79 {
        %mul3A_80 = arith.constant 128 : i32
        %mul3A_81 = arith.muli %add3A_77, %mul3A_80 : i32
        "tpu.region"() ({
          %run_scoped3A = tpu.sem_alloc : memref<!tpu.dma_semaphore, #tpu.memory_space<semaphore_mem>>
          %dma_start3A = tpu.memref_slice %arg7[%mul3A_81] : memref<160000xi32, #tpu.memory_space<hbm>> -> memref<128xi32, #tpu.memory_space<hbm>>
          %dma_start3A_82 = tpu.memref_slice %arg7[%mul3A_81] : memref<160000xi32, #tpu.memory_space<hbm>> -> memref<128xi32, #tpu.memory_space<hbm>>
          tpu.enqueue_dma source(%dma_start3A_82 : memref<128xi32, #tpu.memory_space<hbm>>) target(%arg19 : memref<128xi32, #tpu.memory_space<vmem>>) target_semaphore(%run_scoped3A : memref<!tpu.dma_semaphore, #tpu.memory_space<semaphore_mem>>)
          %dma_wait3A = tpu.memref_slice %arg7[%mul3A_81] : memref<160000xi32, #tpu.memory_space<hbm>> -> memref<128xi32, #tpu.memory_space<hbm>>
          %dma_wait3A_83 = tpu.memref_slice %arg7[%mul3A_81] : memref<160000xi32, #tpu.memory_space<hbm>> -> memref<128xi32, #tpu.memory_space<hbm>>
          tpu.wait_dma2 semaphore(%run_scoped3A : memref<!tpu.dma_semaphore, #tpu.memory_space<semaphore_mem>>) src(%dma_wait3A_83 : memref<128xi32, #tpu.memory_space<hbm>>) dst(%arg19 : memref<128xi32, #tpu.memory_space<vmem>>)
          tpu.yield
        }) : () -> ()
        "tpu.region"() ({
          %run_scoped3A = tpu.sem_alloc : memref<!tpu.dma_semaphore, #tpu.memory_space<semaphore_mem>>
          %dma_start3A = arith.constant 0 : i32
          %dma_start3A_82 = tpu.memref_slice %arg5[%mul3A_81, %dma_start3A] : memref<160000x144xf32, #tpu.memory_space<hbm>> -> memref<128x144xf32, #tpu.memory_space<hbm>>
          %dma_start3A_83 = arith.constant 0 : i32
          %dma_start3A_84 = tpu.memref_slice %arg5[%mul3A_81, %dma_start3A_83] : memref<160000x144xf32, #tpu.memory_space<hbm>> -> memref<128x144xf32, #tpu.memory_space<hbm>>
          tpu.enqueue_dma source(%dma_start3A_84 : memref<128x144xf32, #tpu.memory_space<hbm>>) target(%arg18 : memref<128x144xf32, #tpu.memory_space<vmem>>) target_semaphore(%run_scoped3A : memref<!tpu.dma_semaphore, #tpu.memory_space<semaphore_mem>>)
          %dma_wait3A = arith.constant 0 : i32
          %dma_wait3A_85 = tpu.memref_slice %arg5[%mul3A_81, %dma_wait3A] : memref<160000x144xf32, #tpu.memory_space<hbm>> -> memref<128x144xf32, #tpu.memory_space<hbm>>
          %dma_wait3A_86 = arith.constant 0 : i32
          %dma_wait3A_87 = tpu.memref_slice %arg5[%mul3A_81, %dma_wait3A_86] : memref<160000x144xf32, #tpu.memory_space<hbm>> -> memref<128x144xf32, #tpu.memory_space<hbm>>
          tpu.wait_dma2 semaphore(%run_scoped3A : memref<!tpu.dma_semaphore, #tpu.memory_space<semaphore_mem>>) src(%dma_wait3A_87 : memref<128x144xf32, #tpu.memory_space<hbm>>) dst(%arg18 : memref<128x144xf32, #tpu.memory_space<vmem>>)
          tpu.yield
        }) : () -> ()
        "tpu.region"() ({
          %run_scoped3A = tpu.sem_alloc : memref<!tpu.dma_semaphore, #tpu.memory_space<semaphore_mem>>
          %dma_start3A = arith.constant 0 : i32
          %dma_start3A_82 = arith.constant 0 : i32
          %dma_start3A_83 = tpu.memref_slice %arg16[%dma_start3A, %dma_start3A_82] : memref<10000x144xf32, #tpu.memory_space<vmem_shared>> -> memref<10000x144xf32, #tpu.memory_space<vmem_shared>>
          tpu.enqueue_indirect_dma source(%arg18 : memref<128x144xf32, #tpu.memory_space<vmem>>) target(%dma_start3A_83 : memref<10000x144xf32, #tpu.memory_space<vmem_shared>>) offsets(%arg19 : memref<128xi32, #tpu.memory_space<vmem>>) semaphore(%run_scoped3A : memref<!tpu.dma_semaphore, #tpu.memory_space<semaphore_mem>>) {add = true}
          %dma_wait3A = arith.constant 0 : i32
          %dma_wait3A_84 = arith.constant 0 : i32
          %dma_wait3A_85 = tpu.memref_slice %arg16[%dma_wait3A, %dma_wait3A_84] : memref<10000x144xf32, #tpu.memory_space<vmem_shared>> -> memref<10000x144xf32, #tpu.memory_space<vmem_shared>>
          tpu.wait_indirect_dma semaphore(%run_scoped3A : memref<!tpu.dma_semaphore, #tpu.memory_space<semaphore_mem>>) src(%arg18 : memref<128x144xf32, #tpu.memory_space<vmem>>) dst(%dma_wait3A_85 : memref<10000x144xf32, #tpu.memory_space<vmem_shared>>)
          tpu.yield
        }) : () -> ()
      } else {
      }
    }
    %scan3A_52 = arith.constant 40 : i32
    %barrier3A_53 = arith.constant 0 : index
    tpu.barrier barrier_id(%barrier3A_53)
    %mul3A_54 = arith.constant 625 : i32
    %mul3A_55 = arith.muli %arg1, %mul3A_54 : i32
    %mul3A_56 = arith.constant 625 : i32
    %mul3A_57 = arith.muli %arg1, %mul3A_56 : i32
    "tpu.region"() ({
      %run_scoped3A = tpu.sem_alloc : memref<!tpu.dma_semaphore, #tpu.memory_space<semaphore_mem>>
      %dma_start3A = arith.constant 0 : i32
      %dma_start3A_74 = tpu.memref_slice %arg13[%arg0, %mul3A_57, %dma_start3A] : memref<2x10000x144xf32, #tpu.memory_space<hbm>> -> memref<1x625x144xf32, #tpu.memory_space<hbm>>
      %dma_start3A_75 = tpu.memref_squeeze %dma_start3A_74 : memref<1x625x144xf32, #tpu.memory_space<hbm>> -> memref<625x144xf32, #tpu.memory_space<hbm>>
      %dma_start3A_76 = arith.constant 0 : i32
      %dma_start3A_77 = tpu.memref_slice %arg16[%mul3A_55, %dma_start3A_76] : memref<10000x144xf32, #tpu.memory_space<vmem_shared>> -> memref<625x144xf32, #tpu.memory_space<vmem_shared>>
      tpu.enqueue_dma source(%dma_start3A_77 : memref<625x144xf32, #tpu.memory_space<vmem_shared>>) target(%dma_start3A_75 : memref<625x144xf32, #tpu.memory_space<hbm>>) target_semaphore(%run_scoped3A : memref<!tpu.dma_semaphore, #tpu.memory_space<semaphore_mem>>)
      %dma_wait3A = arith.constant 0 : i32
      %dma_wait3A_78 = tpu.memref_slice %arg13[%arg0, %mul3A_57, %dma_wait3A] : memref<2x10000x144xf32, #tpu.memory_space<hbm>> -> memref<1x625x144xf32, #tpu.memory_space<hbm>>
      %dma_wait3A_79 = tpu.memref_squeeze %dma_wait3A_78 : memref<1x625x144xf32, #tpu.memory_space<hbm>> -> memref<625x144xf32, #tpu.memory_space<hbm>>
      %dma_wait3A_80 = arith.constant 0 : i32
      %dma_wait3A_81 = tpu.memref_slice %arg16[%mul3A_55, %dma_wait3A_80] : memref<10000x144xf32, #tpu.memory_space<vmem_shared>> -> memref<625x144xf32, #tpu.memory_space<vmem_shared>>
      tpu.wait_dma2 semaphore(%run_scoped3A : memref<!tpu.dma_semaphore, #tpu.memory_space<semaphore_mem>>) src(%dma_wait3A_81 : memref<625x144xf32, #tpu.memory_space<vmem_shared>>) dst(%dma_wait3A_79 : memref<625x144xf32, #tpu.memory_space<hbm>>)
      tpu.yield
    }) : () -> ()
    %barrier3A_58 = arith.constant 0 : index
    tpu.barrier barrier_id(%barrier3A_58)
    %mul3A_59 = arith.constant 625 : i32
    %mul3A_60 = arith.muli %arg1, %mul3A_59 : i32
    "tpu.region"() ({
      %run_scoped3A = tpu.sem_alloc : memref<!tpu.dma_semaphore, #tpu.memory_space<semaphore_mem>>
      %dma_start3A = arith.constant 0 : i32
      %dma_start3A_74 = tpu.memref_slice %arg15[%mul3A_60, %dma_start3A] : memref<10000x16xf32, #tpu.memory_space<vmem_shared>> -> memref<625x16xf32, #tpu.memory_space<vmem_shared>>
      tpu.enqueue_dma source(%arg8 : memref<625x16xf32, #tpu.memory_space<hbm>>) target(%dma_start3A_74 : memref<625x16xf32, #tpu.memory_space<vmem_shared>>) target_semaphore(%run_scoped3A : memref<!tpu.dma_semaphore, #tpu.memory_space<semaphore_mem>>)
      %dma_wait3A = arith.constant 0 : i32
      %dma_wait3A_75 = tpu.memref_slice %arg15[%mul3A_60, %dma_wait3A] : memref<10000x16xf32, #tpu.memory_space<vmem_shared>> -> memref<625x16xf32, #tpu.memory_space<vmem_shared>>
      tpu.wait_dma2 semaphore(%run_scoped3A : memref<!tpu.dma_semaphore, #tpu.memory_space<semaphore_mem>>) src(%arg8 : memref<625x16xf32, #tpu.memory_space<hbm>>) dst(%dma_wait3A_75 : memref<625x16xf32, #tpu.memory_space<vmem_shared>>)
      tpu.yield
    }) : () -> ()
    %barrier3A_61 = arith.constant 0 : index
    tpu.barrier barrier_id(%barrier3A_61)
    %scan3A_62 = arith.constant 0 : i32
    %scan3A_63 = arith.constant 0 : i32
    %scan3A_64 = arith.constant 40 : i32
    %scan3A_65 = arith.addi %scan3A_63, %scan3A_64 : i32
    %scan3A_66 = arith.constant 1 : i32
    scf.for %scan3A_74 = %scan3A_63 to %scan3A_65 step %scan3A_66  : i32 {
      %mul3A_75 = arith.constant 32 : i32
      %mul3A_76 = arith.muli %scan3A_74, %mul3A_75 : i32
      %add3A_77 = arith.addi %mul3A_76, %add3A : i32
      %lt3A = arith.constant 1250 : i32
      %lt3A_78 = arith.cmpi slt, %add3A_77, %lt3A : i32
      %convert_element_type3A = arith.extui %lt3A_78 : i1 to i32
      %cond3A = arith.constant 0 : i32
      %cond3A_79 = arith.cmpi ne, %convert_element_type3A, %cond3A : i32
      scf.if %cond3A_79 {
        %mul3A_80 = arith.constant 128 : i32
        %mul3A_81 = arith.muli %add3A_77, %mul3A_80 : i32
        "tpu.region"() ({
          %run_scoped3A = tpu.sem_alloc : memref<!tpu.dma_semaphore, #tpu.memory_space<semaphore_mem>>
          %dma_start3A = tpu.memref_slice %arg7[%mul3A_81] : memref<160000xi32, #tpu.memory_space<hbm>> -> memref<128xi32, #tpu.memory_space<hbm>>
          %dma_start3A_82 = tpu.memref_slice %arg7[%mul3A_81] : memref<160000xi32, #tpu.memory_space<hbm>> -> memref<128xi32, #tpu.memory_space<hbm>>
          tpu.enqueue_dma source(%dma_start3A_82 : memref<128xi32, #tpu.memory_space<hbm>>) target(%arg19 : memref<128xi32, #tpu.memory_space<vmem>>) target_semaphore(%run_scoped3A : memref<!tpu.dma_semaphore, #tpu.memory_space<semaphore_mem>>)
          %dma_wait3A = tpu.memref_slice %arg7[%mul3A_81] : memref<160000xi32, #tpu.memory_space<hbm>> -> memref<128xi32, #tpu.memory_space<hbm>>
          %dma_wait3A_83 = tpu.memref_slice %arg7[%mul3A_81] : memref<160000xi32, #tpu.memory_space<hbm>> -> memref<128xi32, #tpu.memory_space<hbm>>
          tpu.wait_dma2 semaphore(%run_scoped3A : memref<!tpu.dma_semaphore, #tpu.memory_space<semaphore_mem>>) src(%dma_wait3A_83 : memref<128xi32, #tpu.memory_space<hbm>>) dst(%arg19 : memref<128xi32, #tpu.memory_space<vmem>>)
          tpu.yield
        }) : () -> ()
        "tpu.region"() ({
          %run_scoped3A = tpu.sem_alloc : memref<!tpu.dma_semaphore, #tpu.memory_space<semaphore_mem>>
          %dma_start3A = arith.constant 0 : i32
          %dma_start3A_82 = tpu.memref_slice %arg6[%mul3A_81, %dma_start3A] : memref<160000x16xf32, #tpu.memory_space<hbm>> -> memref<128x16xf32, #tpu.memory_space<hbm>>
          %dma_start3A_83 = arith.constant 0 : i32
          %dma_start3A_84 = tpu.memref_slice %arg6[%mul3A_81, %dma_start3A_83] : memref<160000x16xf32, #tpu.memory_space<hbm>> -> memref<128x16xf32, #tpu.memory_space<hbm>>
          tpu.enqueue_dma source(%dma_start3A_84 : memref<128x16xf32, #tpu.memory_space<hbm>>) target(%arg17 : memref<128x16xf32, #tpu.memory_space<vmem>>) target_semaphore(%run_scoped3A : memref<!tpu.dma_semaphore, #tpu.memory_space<semaphore_mem>>)
          %dma_wait3A = arith.constant 0 : i32
          %dma_wait3A_85 = tpu.memref_slice %arg6[%mul3A_81, %dma_wait3A] : memref<160000x16xf32, #tpu.memory_space<hbm>> -> memref<128x16xf32, #tpu.memory_space<hbm>>
          %dma_wait3A_86 = arith.constant 0 : i32
          %dma_wait3A_87 = tpu.memref_slice %arg6[%mul3A_81, %dma_wait3A_86] : memref<160000x16xf32, #tpu.memory_space<hbm>> -> memref<128x16xf32, #tpu.memory_space<hbm>>
          tpu.wait_dma2 semaphore(%run_scoped3A : memref<!tpu.dma_semaphore, #tpu.memory_space<semaphore_mem>>) src(%dma_wait3A_87 : memref<128x16xf32, #tpu.memory_space<hbm>>) dst(%arg17 : memref<128x16xf32, #tpu.memory_space<vmem>>)
          tpu.yield
        }) : () -> ()
        "tpu.region"() ({
          %run_scoped3A = tpu.sem_alloc : memref<!tpu.dma_semaphore, #tpu.memory_space<semaphore_mem>>
          %dma_start3A = arith.constant 0 : i32
          %dma_start3A_82 = arith.constant 0 : i32
          %dma_start3A_83 = tpu.memref_slice %arg15[%dma_start3A, %dma_start3A_82] : memref<10000x16xf32, #tpu.memory_space<vmem_shared>> -> memref<10000x16xf32, #tpu.memory_space<vmem_shared>>
          tpu.enqueue_indirect_dma source(%arg17 : memref<128x16xf32, #tpu.memory_space<vmem>>) target(%dma_start3A_83 : memref<10000x16xf32, #tpu.memory_space<vmem_shared>>) offsets(%arg19 : memref<128xi32, #tpu.memory_space<vmem>>) semaphore(%run_scoped3A : memref<!tpu.dma_semaphore, #tpu.memory_space<semaphore_mem>>) {add = true}
          %dma_wait3A = arith.constant 0 : i32
          %dma_wait3A_84 = arith.constant 0 : i32
          %dma_wait3A_85 = tpu.memref_slice %arg15[%dma_wait3A, %dma_wait3A_84] : memref<10000x16xf32, #tpu.memory_space<vmem_shared>> -> memref<10000x16xf32, #tpu.memory_space<vmem_shared>>
          tpu.wait_indirect_dma semaphore(%run_scoped3A : memref<!tpu.dma_semaphore, #tpu.memory_space<semaphore_mem>>) src(%arg17 : memref<128x16xf32, #tpu.memory_space<vmem>>) dst(%dma_wait3A_85 : memref<10000x16xf32, #tpu.memory_space<vmem_shared>>)
          tpu.yield
        }) : () -> ()
      } else {
      }
    }
    %scan3A_67 = arith.constant 40 : i32
    %barrier3A_68 = arith.constant 0 : index
    tpu.barrier barrier_id(%barrier3A_68)
    %mul3A_69 = arith.constant 625 : i32
    %mul3A_70 = arith.muli %arg1, %mul3A_69 : i32
    %mul3A_71 = arith.constant 625 : i32
    %mul3A_72 = arith.muli %arg1, %mul3A_71 : i32
    "tpu.region"() ({
      %run_scoped3A = tpu.sem_alloc : memref<!tpu.dma_semaphore, #tpu.memory_space<semaphore_mem>>
      %dma_start3A = arith.constant 0 : i32
      %dma_start3A_74 = tpu.memref_slice %arg14[%arg0, %mul3A_72, %dma_start3A] : memref<2x10000x16xf32, #tpu.memory_space<hbm>> -> memref<1x625x16xf32, #tpu.memory_space<hbm>>
      %dma_start3A_75 = tpu.memref_squeeze %dma_start3A_74 : memref<1x625x16xf32, #tpu.memory_space<hbm>> -> memref<625x16xf32, #tpu.memory_space<hbm>>
      %dma_start3A_76 = arith.constant 0 : i32
      %dma_start3A_77 = tpu.memref_slice %arg15[%mul3A_70, %dma_start3A_76] : memref<10000x16xf32, #tpu.memory_space<vmem_shared>> -> memref<625x16xf32, #tpu.memory_space<vmem_shared>>
      tpu.enqueue_dma source(%dma_start3A_77 : memref<625x16xf32, #tpu.memory_space<vmem_shared>>) target(%dma_start3A_75 : memref<625x16xf32, #tpu.memory_space<hbm>>) target_semaphore(%run_scoped3A : memref<!tpu.dma_semaphore, #tpu.memory_space<semaphore_mem>>)
      %dma_wait3A = arith.constant 0 : i32
      %dma_wait3A_78 = tpu.memref_slice %arg14[%arg0, %mul3A_72, %dma_wait3A] : memref<2x10000x16xf32, #tpu.memory_space<hbm>> -> memref<1x625x16xf32, #tpu.memory_space<hbm>>
      %dma_wait3A_79 = tpu.memref_squeeze %dma_wait3A_78 : memref<1x625x16xf32, #tpu.memory_space<hbm>> -> memref<625x16xf32, #tpu.memory_space<hbm>>
      %dma_wait3A_80 = arith.constant 0 : i32
      %dma_wait3A_81 = tpu.memref_slice %arg15[%mul3A_70, %dma_wait3A_80] : memref<10000x16xf32, #tpu.memory_space<vmem_shared>> -> memref<625x16xf32, #tpu.memory_space<vmem_shared>>
      tpu.wait_dma2 semaphore(%run_scoped3A : memref<!tpu.dma_semaphore, #tpu.memory_space<semaphore_mem>>) src(%dma_wait3A_81 : memref<625x16xf32, #tpu.memory_space<vmem_shared>>) dst(%dma_wait3A_79 : memref<625x16xf32, #tpu.memory_space<hbm>>)
      tpu.yield
    }) : () -> ()
    %barrier3A_73 = arith.constant 0 : index
    tpu.barrier barrier_id(%barrier3A_73)
    return
  }
}

#map = affine_map<(d0, d1) -> (0, 0)>
#map1 = affine_map<(d0, d1) -> (0)>
module attributes {stable_mosaic.version = 14 : i64} {
  func.func @k(%arg0: i32, %arg1: i32, %arg2: memref<10000x128xf32, #tpu.memory_space<hbm>>, %arg3: memref<160000xi32, #tpu.memory_space<hbm>>, %arg4: memref<160000x128xf32, #tpu.memory_space<hbm>>, %arg5: memref<128xi32, #tpu.memory_space<vmem>>, %arg6: memref<128x128xf32, #tpu.memory_space<vmem>>, %arg7: memref<!tpu.dma_semaphore, #tpu.memory_space<semaphore_mem>>) attributes {dimension_semantics = [#tpu.dimension_semantics<core_parallel>, #tpu.dimension_semantics<subcore_parallel>], iteration_bounds = array<i64: 2, 16>, scalar_prefetch = 0 : i64, scratch_operands = 3 : i64, tpu.core_type = #tpu.core_type<sc_vector_subcore>, window_params = [{transform_indices = #map}, {transform_indices = #map1}, {transform_indices = #map}]} {
    %mul3A = arith.constant 2 : i32
    %mul3A_0 = arith.muli %arg1, %mul3A : i32
    %add3A = arith.addi %mul3A_0, %arg0 : i32
    %scan3A = arith.constant 0 : i32
    %scan3A_1 = arith.constant 0 : i32
    %scan3A_2 = arith.constant 40 : i32
    %scan3A_3 = arith.addi %scan3A_1, %scan3A_2 : i32
    %scan3A_4 = arith.constant 1 : i32
    scf.for %scan3A_6 = %scan3A_1 to %scan3A_3 step %scan3A_4  : i32 {
      %mul3A_7 = arith.constant 32 : i32
      %mul3A_8 = arith.muli %scan3A_6, %mul3A_7 : i32
      %add3A_9 = arith.addi %mul3A_8, %add3A : i32
      %lt3A = arith.constant 1250 : i32
      %lt3A_10 = arith.cmpi slt, %add3A_9, %lt3A : i32
      %convert_element_type3A = arith.extui %lt3A_10 : i1 to i32
      %cond3A = arith.constant 0 : i32
      %cond3A_11 = arith.cmpi ne, %convert_element_type3A, %cond3A : i32
      scf.if %cond3A_11 {
        %mul3A_12 = arith.constant 128 : i32
        %mul3A_13 = arith.muli %add3A_9, %mul3A_12 : i32
        "tpu.region"() ({
          %run_scoped3A = tpu.sem_alloc : memref<!tpu.dma_semaphore, #tpu.memory_space<semaphore_mem>>
          %dma_start3A_18 = tpu.memref_slice %arg3[%mul3A_13] : memref<160000xi32, #tpu.memory_space<hbm>> -> memref<128xi32, #tpu.memory_space<hbm>>
          %dma_start3A_19 = tpu.memref_slice %arg3[%mul3A_13] : memref<160000xi32, #tpu.memory_space<hbm>> -> memref<128xi32, #tpu.memory_space<hbm>>
          tpu.enqueue_dma source(%dma_start3A_19 : memref<128xi32, #tpu.memory_space<hbm>>) target(%arg5 : memref<128xi32, #tpu.memory_space<vmem>>) target_semaphore(%run_scoped3A : memref<!tpu.dma_semaphore, #tpu.memory_space<semaphore_mem>>)
          %dma_wait3A_20 = tpu.memref_slice %arg3[%mul3A_13] : memref<160000xi32, #tpu.memory_space<hbm>> -> memref<128xi32, #tpu.memory_space<hbm>>
          %dma_wait3A_21 = tpu.memref_slice %arg3[%mul3A_13] : memref<160000xi32, #tpu.memory_space<hbm>> -> memref<128xi32, #tpu.memory_space<hbm>>
          tpu.wait_dma2 semaphore(%run_scoped3A : memref<!tpu.dma_semaphore, #tpu.memory_space<semaphore_mem>>) src(%dma_wait3A_21 : memref<128xi32, #tpu.memory_space<hbm>>) dst(%arg5 : memref<128xi32, #tpu.memory_space<vmem>>)
          tpu.yield
        }) : () -> ()
        %dma_start3A = arith.constant 0 : i32
        %dma_start3A_14 = arith.constant 0 : i32
        %dma_start3A_15 = tpu.memref_slice %arg2[%dma_start3A, %dma_start3A_14] : memref<10000x128xf32, #tpu.memory_space<hbm>> -> memref<10000x128xf32, #tpu.memory_space<hbm>>
        tpu.enqueue_indirect_dma source(%dma_start3A_15 : memref<10000x128xf32, #tpu.memory_space<hbm>>) target(%arg6 : memref<128x128xf32, #tpu.memory_space<vmem>>) offsets(%arg5 : memref<128xi32, #tpu.memory_space<vmem>>) semaphore(%arg7 : memref<!tpu.dma_semaphore, #tpu.memory_space<semaphore_mem>>)
        %dma_wait3A = arith.constant 0 : i32
        %dma_wait3A_16 = arith.constant 0 : i32
        %dma_wait3A_17 = tpu.memref_slice %arg2[%dma_wait3A, %dma_wait3A_16] : memref<10000x128xf32, #tpu.memory_space<hbm>> -> memref<10000x128xf32, #tpu.memory_space<hbm>>
        tpu.wait_indirect_dma semaphore(%arg7 : memref<!tpu.dma_semaphore, #tpu.memory_space<semaphore_mem>>) src(%dma_wait3A_17 : memref<10000x128xf32, #tpu.memory_space<hbm>>) dst(%arg6 : memref<128x128xf32, #tpu.memory_space<vmem>>)
        "tpu.region"() ({
          %run_scoped3A = tpu.sem_alloc : memref<!tpu.dma_semaphore, #tpu.memory_space<semaphore_mem>>
          %dma_start3A_18 = arith.constant 0 : i32
          %dma_start3A_19 = tpu.memref_slice %arg4[%mul3A_13, %dma_start3A_18] : memref<160000x128xf32, #tpu.memory_space<hbm>> -> memref<128x128xf32, #tpu.memory_space<hbm>>
          %dma_start3A_20 = arith.constant 0 : i32
          %dma_start3A_21 = tpu.memref_slice %arg4[%mul3A_13, %dma_start3A_20] : memref<160000x128xf32, #tpu.memory_space<hbm>> -> memref<128x128xf32, #tpu.memory_space<hbm>>
          tpu.enqueue_dma source(%arg6 : memref<128x128xf32, #tpu.memory_space<vmem>>) target(%dma_start3A_21 : memref<128x128xf32, #tpu.memory_space<hbm>>) target_semaphore(%run_scoped3A : memref<!tpu.dma_semaphore, #tpu.memory_space<semaphore_mem>>)
          %dma_wait3A_22 = arith.constant 0 : i32
          %dma_wait3A_23 = tpu.memref_slice %arg4[%mul3A_13, %dma_wait3A_22] : memref<160000x128xf32, #tpu.memory_space<hbm>> -> memref<128x128xf32, #tpu.memory_space<hbm>>
          %dma_wait3A_24 = arith.constant 0 : i32
          %dma_wait3A_25 = tpu.memref_slice %arg4[%mul3A_13, %dma_wait3A_24] : memref<160000x128xf32, #tpu.memory_space<hbm>> -> memref<128x128xf32, #tpu.memory_space<hbm>>
          tpu.wait_dma2 semaphore(%run_scoped3A : memref<!tpu.dma_semaphore, #tpu.memory_space<semaphore_mem>>) src(%arg6 : memref<128x128xf32, #tpu.memory_space<vmem>>) dst(%dma_wait3A_25 : memref<128x128xf32, #tpu.memory_space<hbm>>)
          tpu.yield
        }) : () -> ()
      } else {
      }
    }
    %scan3A_5 = arith.constant 40 : i32
    return
  }
}

#map = affine_map<(d0, d1) -> (0, 0)>
#map1 = affine_map<(d0, d1) -> (0)>
#map2 = affine_map<(d0, d1) -> (0, 0, 0)>
module attributes {stable_mosaic.version = 14 : i64} {
  func.func @k(%arg0: i32, %arg1: i32, %arg2: memref<160000x144xf32, #tpu.memory_space<hbm>>, %arg3: memref<160000xi32, #tpu.memory_space<hbm>>, %arg4: memref<625x144xf32, #tpu.memory_space<hbm>>, %arg5: memref<2x10000x144xf32, #tpu.memory_space<hbm>>, %arg6: memref<10000x144xf32, #tpu.memory_space<vmem_shared>>, %arg7: memref<128x144xf32, #tpu.memory_space<vmem>>, %arg8: memref<128xi32, #tpu.memory_space<vmem>>, %arg9: memref<!tpu.dma_semaphore, #tpu.memory_space<semaphore_mem>>) attributes {dimension_semantics = [#tpu.dimension_semantics<core_parallel>, #tpu.dimension_semantics<subcore_parallel>], iteration_bounds = array<i64: 2, 16>, scalar_prefetch = 0 : i64, scratch_operands = 4 : i64, tpu.core_type = #tpu.core_type<sc_vector_subcore>, window_params = [{transform_indices = #map}, {transform_indices = #map1}, {transform_indices = #map}, {transform_indices = #map2}]} {
    %mul3A = arith.constant 2 : i32
    %mul3A_0 = arith.muli %arg1, %mul3A : i32
    %add3A = arith.addi %mul3A_0, %arg0 : i32
    %mul3A_1 = arith.constant 625 : i32
    %mul3A_2 = arith.muli %arg1, %mul3A_1 : i32
    "tpu.region"() ({
      %run_scoped3A = tpu.sem_alloc : memref<!tpu.dma_semaphore, #tpu.memory_space<semaphore_mem>>
      %dma_start3A = arith.constant 0 : i32
      %dma_start3A_14 = tpu.memref_slice %arg6[%mul3A_2, %dma_start3A] : memref<10000x144xf32, #tpu.memory_space<vmem_shared>> -> memref<625x144xf32, #tpu.memory_space<vmem_shared>>
      tpu.enqueue_dma source(%arg4 : memref<625x144xf32, #tpu.memory_space<hbm>>) target(%dma_start3A_14 : memref<625x144xf32, #tpu.memory_space<vmem_shared>>) target_semaphore(%run_scoped3A : memref<!tpu.dma_semaphore, #tpu.memory_space<semaphore_mem>>)
      %dma_wait3A = arith.constant 0 : i32
      %dma_wait3A_15 = tpu.memref_slice %arg6[%mul3A_2, %dma_wait3A] : memref<10000x144xf32, #tpu.memory_space<vmem_shared>> -> memref<625x144xf32, #tpu.memory_space<vmem_shared>>
      tpu.wait_dma2 semaphore(%run_scoped3A : memref<!tpu.dma_semaphore, #tpu.memory_space<semaphore_mem>>) src(%arg4 : memref<625x144xf32, #tpu.memory_space<hbm>>) dst(%dma_wait3A_15 : memref<625x144xf32, #tpu.memory_space<vmem_shared>>)
      tpu.yield
    }) : () -> ()
    %barrier3A = arith.constant 0 : index
    tpu.barrier barrier_id(%barrier3A)
    %scan3A = arith.constant 0 : i32
    %scan3A_3 = arith.constant 0 : i32
    %scan3A_4 = arith.constant 40 : i32
    %scan3A_5 = arith.addi %scan3A_3, %scan3A_4 : i32
    %scan3A_6 = arith.constant 1 : i32
    scf.for %scan3A_14 = %scan3A_3 to %scan3A_5 step %scan3A_6  : i32 {
      %mul3A_15 = arith.constant 32 : i32
      %mul3A_16 = arith.muli %scan3A_14, %mul3A_15 : i32
      %add3A_17 = arith.addi %mul3A_16, %add3A : i32
      %lt3A = arith.constant 1250 : i32
      %lt3A_18 = arith.cmpi slt, %add3A_17, %lt3A : i32
      %convert_element_type3A = arith.extui %lt3A_18 : i1 to i32
      %cond3A = arith.constant 0 : i32
      %cond3A_19 = arith.cmpi ne, %convert_element_type3A, %cond3A : i32
      scf.if %cond3A_19 {
        %mul3A_20 = arith.constant 128 : i32
        %mul3A_21 = arith.muli %add3A_17, %mul3A_20 : i32
        "tpu.region"() ({
          %run_scoped3A = tpu.sem_alloc : memref<!tpu.dma_semaphore, #tpu.memory_space<semaphore_mem>>
          %dma_start3A = tpu.memref_slice %arg3[%mul3A_21] : memref<160000xi32, #tpu.memory_space<hbm>> -> memref<128xi32, #tpu.memory_space<hbm>>
          %dma_start3A_22 = tpu.memref_slice %arg3[%mul3A_21] : memref<160000xi32, #tpu.memory_space<hbm>> -> memref<128xi32, #tpu.memory_space<hbm>>
          tpu.enqueue_dma source(%dma_start3A_22 : memref<128xi32, #tpu.memory_space<hbm>>) target(%arg8 : memref<128xi32, #tpu.memory_space<vmem>>) target_semaphore(%run_scoped3A : memref<!tpu.dma_semaphore, #tpu.memory_space<semaphore_mem>>)
          %dma_wait3A = tpu.memref_slice %arg3[%mul3A_21] : memref<160000xi32, #tpu.memory_space<hbm>> -> memref<128xi32, #tpu.memory_space<hbm>>
          %dma_wait3A_23 = tpu.memref_slice %arg3[%mul3A_21] : memref<160000xi32, #tpu.memory_space<hbm>> -> memref<128xi32, #tpu.memory_space<hbm>>
          tpu.wait_dma2 semaphore(%run_scoped3A : memref<!tpu.dma_semaphore, #tpu.memory_space<semaphore_mem>>) src(%dma_wait3A_23 : memref<128xi32, #tpu.memory_space<hbm>>) dst(%arg8 : memref<128xi32, #tpu.memory_space<vmem>>)
          tpu.yield
        }) : () -> ()
        "tpu.region"() ({
          %run_scoped3A = tpu.sem_alloc : memref<!tpu.dma_semaphore, #tpu.memory_space<semaphore_mem>>
          %dma_start3A = arith.constant 0 : i32
          %dma_start3A_22 = tpu.memref_slice %arg2[%mul3A_21, %dma_start3A] : memref<160000x144xf32, #tpu.memory_space<hbm>> -> memref<128x144xf32, #tpu.memory_space<hbm>>
          %dma_start3A_23 = arith.constant 0 : i32
          %dma_start3A_24 = tpu.memref_slice %arg2[%mul3A_21, %dma_start3A_23] : memref<160000x144xf32, #tpu.memory_space<hbm>> -> memref<128x144xf32, #tpu.memory_space<hbm>>
          tpu.enqueue_dma source(%dma_start3A_24 : memref<128x144xf32, #tpu.memory_space<hbm>>) target(%arg7 : memref<128x144xf32, #tpu.memory_space<vmem>>) target_semaphore(%run_scoped3A : memref<!tpu.dma_semaphore, #tpu.memory_space<semaphore_mem>>)
          %dma_wait3A = arith.constant 0 : i32
          %dma_wait3A_25 = tpu.memref_slice %arg2[%mul3A_21, %dma_wait3A] : memref<160000x144xf32, #tpu.memory_space<hbm>> -> memref<128x144xf32, #tpu.memory_space<hbm>>
          %dma_wait3A_26 = arith.constant 0 : i32
          %dma_wait3A_27 = tpu.memref_slice %arg2[%mul3A_21, %dma_wait3A_26] : memref<160000x144xf32, #tpu.memory_space<hbm>> -> memref<128x144xf32, #tpu.memory_space<hbm>>
          tpu.wait_dma2 semaphore(%run_scoped3A : memref<!tpu.dma_semaphore, #tpu.memory_space<semaphore_mem>>) src(%dma_wait3A_27 : memref<128x144xf32, #tpu.memory_space<hbm>>) dst(%arg7 : memref<128x144xf32, #tpu.memory_space<vmem>>)
          tpu.yield
        }) : () -> ()
        "tpu.region"() ({
          %run_scoped3A = tpu.sem_alloc : memref<!tpu.dma_semaphore, #tpu.memory_space<semaphore_mem>>
          %dma_start3A = arith.constant 0 : i32
          %dma_start3A_22 = arith.constant 0 : i32
          %dma_start3A_23 = tpu.memref_slice %arg6[%dma_start3A, %dma_start3A_22] : memref<10000x144xf32, #tpu.memory_space<vmem_shared>> -> memref<10000x144xf32, #tpu.memory_space<vmem_shared>>
          tpu.enqueue_indirect_dma source(%arg7 : memref<128x144xf32, #tpu.memory_space<vmem>>) target(%dma_start3A_23 : memref<10000x144xf32, #tpu.memory_space<vmem_shared>>) offsets(%arg8 : memref<128xi32, #tpu.memory_space<vmem>>) semaphore(%run_scoped3A : memref<!tpu.dma_semaphore, #tpu.memory_space<semaphore_mem>>) {add = true}
          %dma_wait3A = arith.constant 0 : i32
          %dma_wait3A_24 = arith.constant 0 : i32
          %dma_wait3A_25 = tpu.memref_slice %arg6[%dma_wait3A, %dma_wait3A_24] : memref<10000x144xf32, #tpu.memory_space<vmem_shared>> -> memref<10000x144xf32, #tpu.memory_space<vmem_shared>>
          tpu.wait_indirect_dma semaphore(%run_scoped3A : memref<!tpu.dma_semaphore, #tpu.memory_space<semaphore_mem>>) src(%arg7 : memref<128x144xf32, #tpu.memory_space<vmem>>) dst(%dma_wait3A_25 : memref<10000x144xf32, #tpu.memory_space<vmem_shared>>)
          tpu.yield
        }) : () -> ()
      } else {
      }
    }
    %scan3A_7 = arith.constant 40 : i32
    %barrier3A_8 = arith.constant 0 : index
    tpu.barrier barrier_id(%barrier3A_8)
    %mul3A_9 = arith.constant 625 : i32
    %mul3A_10 = arith.muli %arg1, %mul3A_9 : i32
    %mul3A_11 = arith.constant 625 : i32
    %mul3A_12 = arith.muli %arg1, %mul3A_11 : i32
    "tpu.region"() ({
      %run_scoped3A = tpu.sem_alloc : memref<!tpu.dma_semaphore, #tpu.memory_space<semaphore_mem>>
      %dma_start3A = arith.constant 0 : i32
      %dma_start3A_14 = tpu.memref_slice %arg5[%arg0, %mul3A_12, %dma_start3A] : memref<2x10000x144xf32, #tpu.memory_space<hbm>> -> memref<1x625x144xf32, #tpu.memory_space<hbm>>
      %dma_start3A_15 = tpu.memref_squeeze %dma_start3A_14 : memref<1x625x144xf32, #tpu.memory_space<hbm>> -> memref<625x144xf32, #tpu.memory_space<hbm>>
      %dma_start3A_16 = arith.constant 0 : i32
      %dma_start3A_17 = tpu.memref_slice %arg6[%mul3A_10, %dma_start3A_16] : memref<10000x144xf32, #tpu.memory_space<vmem_shared>> -> memref<625x144xf32, #tpu.memory_space<vmem_shared>>
      tpu.enqueue_dma source(%dma_start3A_17 : memref<625x144xf32, #tpu.memory_space<vmem_shared>>) target(%dma_start3A_15 : memref<625x144xf32, #tpu.memory_space<hbm>>) target_semaphore(%run_scoped3A : memref<!tpu.dma_semaphore, #tpu.memory_space<semaphore_mem>>)
      %dma_wait3A = arith.constant 0 : i32
      %dma_wait3A_18 = tpu.memref_slice %arg5[%arg0, %mul3A_12, %dma_wait3A] : memref<2x10000x144xf32, #tpu.memory_space<hbm>> -> memref<1x625x144xf32, #tpu.memory_space<hbm>>
      %dma_wait3A_19 = tpu.memref_squeeze %dma_wait3A_18 : memref<1x625x144xf32, #tpu.memory_space<hbm>> -> memref<625x144xf32, #tpu.memory_space<hbm>>
      %dma_wait3A_20 = arith.constant 0 : i32
      %dma_wait3A_21 = tpu.memref_slice %arg6[%mul3A_10, %dma_wait3A_20] : memref<10000x144xf32, #tpu.memory_space<vmem_shared>> -> memref<625x144xf32, #tpu.memory_space<vmem_shared>>
      tpu.wait_dma2 semaphore(%run_scoped3A : memref<!tpu.dma_semaphore, #tpu.memory_space<semaphore_mem>>) src(%dma_wait3A_21 : memref<625x144xf32, #tpu.memory_space<vmem_shared>>) dst(%dma_wait3A_19 : memref<625x144xf32, #tpu.memory_space<hbm>>)
      tpu.yield
    }) : () -> ()
    %barrier3A_13 = arith.constant 0 : index
    tpu.barrier barrier_id(%barrier3A_13)
    return
  }
}

module attributes {stable_mosaic.version = 14 : i64} {
  func.func @_t1_body(%arg0: i32, %arg1: memref<640x128xf32, #tpu.memory_space<vmem>>, %arg2: memref<640x128xf32, #tpu.memory_space<vmem>>, %arg3: memref<640x16xf32, #tpu.memory_space<vmem>>, %arg4: memref<640x1xf32, #tpu.memory_space<vmem>>, %arg5: memref<16x16xf32, #tpu.memory_space<vmem>>, %arg6: memref<128x16xf32, #tpu.memory_space<vmem>>, %arg7: memref<128x16xf32, #tpu.memory_space<vmem>>, %arg8: memref<16x16xf32, #tpu.memory_space<vmem>>, %arg9: memref<16x16xf32, #tpu.memory_space<vmem>>, %arg10: memref<1x16xf32, #tpu.memory_space<vmem>>, %arg11: memref<16x16xf32, #tpu.memory_space<vmem>>, %arg12: memref<1x16xf32, #tpu.memory_space<vmem>>, %arg13: memref<128x144xf32, #tpu.memory_space<vmem>>, %arg14: memref<16x144xf32, #tpu.memory_space<vmem>>, %arg15: memref<1x144xf32, #tpu.memory_space<vmem>>, %arg16: memref<144x144xf32, #tpu.memory_space<vmem>>, %arg17: memref<1x144xf32, #tpu.memory_space<vmem>>, %arg18: memref<640x16xf32, #tpu.memory_space<vmem>>, %arg19: memref<640x144xf32, #tpu.memory_space<vmem>>, %arg20: memref<640x144xf32, #tpu.memory_space<vmem>>, %arg21: memref<640x144xf32, #tpu.memory_space<vmem>>, %arg22: memref<640x144xf32, #tpu.memory_space<vmem>>) attributes {dimension_semantics = [#tpu.dimension_semantics<arbitrary>], iteration_bounds = array<i64: 250>, scalar_prefetch = 0 : i64, scratch_operands = 0 : i64, tpu.core_type = #tpu.core_type<tc>, window_params = [{transform_indices = @transform_0, window_bounds = array<i64: 640, 128>}, {transform_indices = @transform_1, window_bounds = array<i64: 640, 128>}, {transform_indices = @transform_2, window_bounds = array<i64: 640, 16>}, {transform_indices = @transform_3, window_bounds = array<i64: 640, 1>}, {pipeline_mode = #tpu.pipeline_mode<synchronous>, transform_indices = @transform_4, window_bounds = array<i64: 16, 16>}, {pipeline_mode = #tpu.pipeline_mode<synchronous>, transform_indices = @transform_5, window_bounds = array<i64: 128, 16>}, {pipeline_mode = #tpu.pipeline_mode<synchronous>, transform_indices = @transform_6, window_bounds = array<i64: 128, 16>}, {pipeline_mode = #tpu.pipeline_mode<synchronous>, transform_indices = @transform_7, window_bounds = array<i64: 16, 16>}, {pipeline_mode = #tpu.pipeline_mode<synchronous>, transform_indices = @transform_8, window_bounds = array<i64: 16, 16>}, {pipeline_mode = #tpu.pipeline_mode<synchronous>, transform_indices = @transform_9, window_bounds = array<i64: 1, 16>}, {pipeline_mode = #tpu.pipeline_mode<synchronous>, transform_indices = @transform_10, window_bounds = array<i64: 16, 16>}, {pipeline_mode = #tpu.pipeline_mode<synchronous>, transform_indices = @transform_11, window_bounds = array<i64: 1, 16>}, {pipeline_mode = #tpu.pipeline_mode<synchronous>, transform_indices = @transform_12, window_bounds = array<i64: 128, 144>}, {pipeline_mode = #tpu.pipeline_mode<synchronous>, transform_indices = @transform_13, window_bounds = array<i64: 16, 144>}, {pipeline_mode = #tpu.pipeline_mode<synchronous>, transform_indices = @transform_14, window_bounds = array<i64: 1, 144>}, {pipeline_mode = #tpu.pipeline_mode<synchronous>, transform_indices = @transform_15, window_bounds = array<i64: 144, 144>}, {pipeline_mode = #tpu.pipeline_mode<synchronous>, transform_indices = @transform_16, window_bounds = array<i64: 1, 144>}, {transform_indices = @transform_17, window_bounds = array<i64: 640, 16>}, {transform_indices = @transform_18, window_bounds = array<i64: 640, 144>}, {transform_indices = @transform_19, window_bounds = array<i64: 640, 144>}, {transform_indices = @transform_20, window_bounds = array<i64: 640, 144>}, {transform_indices = @transform_21, window_bounds = array<i64: 640, 144>}]} {
    %get3A = arith.constant 0 : index
    %get3A_0 = arith.constant 0 : index
    %get3A_1 = vector.load %arg1[%get3A, %get3A_0] : memref<640x128xf32, #tpu.memory_space<vmem>>, vector<640x128xf32>
    %get3A_2 = arith.constant 0 : index
    %get3A_3 = arith.constant 0 : index
    %get3A_4 = vector.load %arg2[%get3A_2, %get3A_3] : memref<640x128xf32, #tpu.memory_space<vmem>>, vector<640x128xf32>
    %iota3A = tpu.iota {dimensions = array<i32: 1>} : vector<1x16xi32>
    %convert_element_type3A = arith.sitofp %iota3A : vector<1x16xi32> to vector<1x16xf32>
    %get3A_5 = arith.constant 0 : index
    %get3A_6 = arith.constant 0 : index
    %get3A_7 = vector.load %arg4[%get3A_5, %get3A_6] : memref<640x1xf32, #tpu.memory_space<vmem>>, vector<640x1xf32>
    %eq3A = vector.broadcast %get3A_7 : vector<640x1xf32> to vector<640x16xf32>
    %eq3A_8 = vector.broadcast %convert_element_type3A : vector<1x16xf32> to vector<640x16xf32>
    %eq3A_9 = arith.cmpf oeq, %eq3A, %eq3A_8 : vector<640x16xf32>
    %convert_element_type3A_10 = arith.extui %eq3A_9 : vector<640x16xi1> to vector<640x16xi32>
    %convert_element_type3A_11 = arith.sitofp %convert_element_type3A_10 : vector<640x16xi32> to vector<640x16xf32>
    %get3A_12 = arith.constant 0 : index
    %get3A_13 = arith.constant 0 : index
    %get3A_14 = vector.load %arg5[%get3A_12, %get3A_13] : memref<16x16xf32, #tpu.memory_space<vmem>>, vector<16x16xf32>
    %dot_general3A = arith.constant dense<0.000000e+00> : vector<640x16xf32>
    %dot_general3A_15 = tpu.matmul %convert_element_type3A_11, %get3A_14, %dot_general3A {dimension_numbers = #tpu.dot_dimension_numbers<[1], [0], [0], [1], [0, 0, 1, 1], [], []>, transpose_lhs_hint = false} : vector<640x16xf32>, vector<16x16xf32>, vector<640x16xf32> -> vector<640x16xf32>
    %get3A_16 = arith.constant 0 : index
    %get3A_17 = arith.constant 0 : index
    %get3A_18 = vector.load %arg6[%get3A_16, %get3A_17] : memref<128x16xf32, #tpu.memory_space<vmem>>, vector<128x16xf32>
    %dot_general3A_19 = arith.constant dense<0.000000e+00> : vector<640x16xf32>
    %dot_general3A_20 = tpu.matmul %get3A_1, %get3A_18, %dot_general3A_19 {dimension_numbers = #tpu.dot_dimension_numbers<[1], [0], [0], [1], [0, 0, 1, 1], [], []>, transpose_lhs_hint = false} : vector<640x128xf32>, vector<128x16xf32>, vector<640x16xf32> -> vector<640x16xf32>
    %get3A_21 = arith.constant 0 : index
    %get3A_22 = arith.constant 0 : index
    %get3A_23 = vector.load %arg7[%get3A_21, %get3A_22] : memref<128x16xf32, #tpu.memory_space<vmem>>, vector<128x16xf32>
    %dot_general3A_24 = arith.constant dense<0.000000e+00> : vector<640x16xf32>
    %dot_general3A_25 = tpu.matmul %get3A_4, %get3A_23, %dot_general3A_24 {dimension_numbers = #tpu.dot_dimension_numbers<[1], [0], [0], [1], [0, 0, 1, 1], [], []>, transpose_lhs_hint = false} : vector<640x128xf32>, vector<128x16xf32>, vector<640x16xf32> -> vector<640x16xf32>
    %add3A = arith.addf %dot_general3A_20, %dot_general3A_25 : vector<640x16xf32>
    %get3A_26 = arith.constant 0 : index
    %get3A_27 = arith.constant 0 : index
    %get3A_28 = vector.load %arg3[%get3A_26, %get3A_27] : memref<640x16xf32, #tpu.memory_space<vmem>>, vector<640x16xf32>
    %get3A_29 = arith.constant 0 : index
    %get3A_30 = arith.constant 0 : index
    %get3A_31 = vector.load %arg8[%get3A_29, %get3A_30] : memref<16x16xf32, #tpu.memory_space<vmem>>, vector<16x16xf32>
    %dot_general3A_32 = arith.constant dense<0.000000e+00> : vector<640x16xf32>
    %dot_general3A_33 = tpu.matmul %get3A_28, %get3A_31, %dot_general3A_32 {dimension_numbers = #tpu.dot_dimension_numbers<[1], [0], [0], [1], [0, 0, 1, 1], [], []>, transpose_lhs_hint = false} : vector<640x16xf32>, vector<16x16xf32>, vector<640x16xf32> -> vector<640x16xf32>
    %add3A_34 = arith.addf %add3A, %dot_general3A_33 : vector<640x16xf32>
    %get3A_35 = arith.constant 0 : index
    %get3A_36 = arith.constant 0 : index
    %get3A_37 = vector.load %arg9[%get3A_35, %get3A_36] : memref<16x16xf32, #tpu.memory_space<vmem>>, vector<16x16xf32>
    %dot_general3A_38 = arith.constant dense<0.000000e+00> : vector<640x16xf32>
    %dot_general3A_39 = tpu.matmul %dot_general3A_15, %get3A_37, %dot_general3A_38 {dimension_numbers = #tpu.dot_dimension_numbers<[1], [0], [0], [1], [0, 0, 1, 1], [], []>, transpose_lhs_hint = false} : vector<640x16xf32>, vector<16x16xf32>, vector<640x16xf32> -> vector<640x16xf32>
    %add3A_40 = arith.addf %add3A_34, %dot_general3A_39 : vector<640x16xf32>
    %get3A_41 = arith.constant 0 : index
    %get3A_42 = arith.constant 0 : index
    %get3A_43 = vector.load %arg10[%get3A_41, %get3A_42] : memref<1x16xf32, #tpu.memory_space<vmem>>, vector<1x16xf32>
    %add3A_44 = vector.broadcast %get3A_43 : vector<1x16xf32> to vector<640x16xf32>
    %add3A_45 = arith.addf %add3A_40, %add3A_44 : vector<640x16xf32>
    %jit3A = arith.constant 1.000000e-01 : f32
    %ge3A = arith.constant 0.000000e+00 : f32
    %ge3A_46 = vector.broadcast %ge3A : f32 to vector<640x16xf32>
    %ge3A_47 = arith.cmpf oge, %add3A_45, %ge3A_46 : vector<640x16xf32>
    %mul3A = vector.broadcast %jit3A : f32 to vector<640x16xf32>
    %mul3A_48 = arith.mulf %mul3A, %add3A_45 : vector<640x16xf32>
    %select_n3A = arith.select %ge3A_47, %add3A_45, %mul3A_48 : vector<640x16xi1>, vector<640x16xf32>
    %get3A_49 = arith.constant 0 : index
    %get3A_50 = arith.constant 0 : index
    %get3A_51 = vector.load %arg11[%get3A_49, %get3A_50] : memref<16x16xf32, #tpu.memory_space<vmem>>, vector<16x16xf32>
    %dot_general3A_52 = arith.constant dense<0.000000e+00> : vector<640x16xf32>
    %dot_general3A_53 = tpu.matmul %select_n3A, %get3A_51, %dot_general3A_52 {dimension_numbers = #tpu.dot_dimension_numbers<[1], [0], [0], [1], [0, 0, 1, 1], [], []>, transpose_lhs_hint = false} : vector<640x16xf32>, vector<16x16xf32>, vector<640x16xf32> -> vector<640x16xf32>
    %get3A_54 = arith.constant 0 : index
    %get3A_55 = arith.constant 0 : index
    %get3A_56 = vector.load %arg12[%get3A_54, %get3A_55] : memref<1x16xf32, #tpu.memory_space<vmem>>, vector<1x16xf32>
    %add3A_57 = vector.broadcast %get3A_56 : vector<1x16xf32> to vector<640x16xf32>
    %add3A_58 = arith.addf %dot_general3A_53, %add3A_57 : vector<640x16xf32>
    %swap3A = arith.constant 0 : index
    %swap3A_59 = arith.constant 0 : index
    %swap3A_60 = vector.load %arg18[%swap3A, %swap3A_59] : memref<640x16xf32, #tpu.memory_space<vmem>>, vector<640x16xf32>
    tpu.vector_store %arg18[%swap3A, %swap3A_59], %add3A_58 {strides = array<i32>} : memref<640x16xf32, #tpu.memory_space<vmem>>, vector<640x16xf32>,
    %get3A_61 = arith.constant 0 : index
    %get3A_62 = arith.constant 0 : index
    %get3A_63 = vector.load %arg13[%get3A_61, %get3A_62] : memref<128x144xf32, #tpu.memory_space<vmem>>, vector<128x144xf32>
    %dot_general3A_64 = arith.constant dense<0.000000e+00> : vector<640x144xf32>
    %dot_general3A_65 = tpu.matmul %get3A_4, %get3A_63, %dot_general3A_64 {dimension_numbers = #tpu.dot_dimension_numbers<[1], [0], [0], [1], [0, 0, 1, 1], [], []>, transpose_lhs_hint = false} : vector<640x128xf32>, vector<128x144xf32>, vector<640x144xf32> -> vector<640x144xf32>
    %get3A_66 = arith.constant 0 : index
    %get3A_67 = arith.constant 0 : index
    %get3A_68 = vector.load %arg14[%get3A_66, %get3A_67] : memref<16x144xf32, #tpu.memory_space<vmem>>, vector<16x144xf32>
    %dot_general3A_69 = arith.constant dense<0.000000e+00> : vector<640x144xf32>
    %dot_general3A_70 = tpu.matmul %add3A_58, %get3A_68, %dot_general3A_69 {dimension_numbers = #tpu.dot_dimension_numbers<[1], [0], [0], [1], [0, 0, 1, 1], [], []>, transpose_lhs_hint = false} : vector<640x16xf32>, vector<16x144xf32>, vector<640x144xf32> -> vector<640x144xf32>
    %add3A_71 = arith.addf %dot_general3A_65, %dot_general3A_70 : vector<640x144xf32>
    %get3A_72 = arith.constant 0 : index
    %get3A_73 = arith.constant 0 : index
    %get3A_74 = vector.load %arg15[%get3A_72, %get3A_73] : memref<1x144xf32, #tpu.memory_space<vmem>>, vector<1x144xf32>
    %add3A_75 = vector.broadcast %get3A_74 : vector<1x144xf32> to vector<640x144xf32>
    %add3A_76 = arith.addf %add3A_71, %add3A_75 : vector<640x144xf32>
    %jit3A_77 = arith.constant 1.000000e-01 : f32
    %ge3A_78 = arith.constant 0.000000e+00 : f32
    %ge3A_79 = vector.broadcast %ge3A_78 : f32 to vector<640x144xf32>
    %ge3A_80 = arith.cmpf oge, %add3A_76, %ge3A_79 : vector<640x144xf32>
    %mul3A_81 = vector.broadcast %jit3A_77 : f32 to vector<640x144xf32>
    %mul3A_82 = arith.mulf %mul3A_81, %add3A_76 : vector<640x144xf32>
    %select_n3A_83 = arith.select %ge3A_80, %add3A_76, %mul3A_82 : vector<640x144xi1>, vector<640x144xf32>
    %get3A_84 = arith.constant 0 : index
    %get3A_85 = arith.constant 0 : index
    %get3A_86 = vector.load %arg16[%get3A_84, %get3A_85] : memref<144x144xf32, #tpu.memory_space<vmem>>, vector<144x144xf32>
    %dot_general3A_87 = arith.constant dense<0.000000e+00> : vector<640x144xf32>
    %dot_general3A_88 = tpu.matmul %select_n3A_83, %get3A_86, %dot_general3A_87 {dimension_numbers = #tpu.dot_dimension_numbers<[1], [0], [0], [1], [0, 0, 1, 1], [], []>, transpose_lhs_hint = false} : vector<640x144xf32>, vector<144x144xf32>, vector<640x144xf32> -> vector<640x144xf32>
    %get3A_89 = arith.constant 0 : index
    %get3A_90 = arith.constant 0 : index
    %get3A_91 = vector.load %arg17[%get3A_89, %get3A_90] : memref<1x144xf32, #tpu.memory_space<vmem>>, vector<1x144xf32>
    %add3A_92 = vector.broadcast %get3A_91 : vector<1x144xf32> to vector<640x144xf32>
    %add3A_93 = arith.addf %dot_general3A_88, %add3A_92 : vector<640x144xf32>
    %mul3A_94 = arith.mulf %add3A_93, %add3A_93 : vector<640x144xf32>
    %swap3A_95 = arith.constant 0 : index
    %swap3A_96 = arith.constant 0 : index
    %swap3A_97 = vector.load %arg19[%swap3A_95, %swap3A_96] : memref<640x144xf32, #tpu.memory_space<vmem>>, vector<640x144xf32>
    tpu.vector_store %arg19[%swap3A_95, %swap3A_96], %add3A_93 {strides = array<i32>} : memref<640x144xf32, #tpu.memory_space<vmem>>, vector<640x144xf32>,
    %swap3A_98 = arith.constant 0 : index
    %swap3A_99 = arith.constant 0 : index
    %swap3A_100 = vector.load %arg20[%swap3A_98, %swap3A_99] : memref<640x144xf32, #tpu.memory_space<vmem>>, vector<640x144xf32>
    tpu.vector_store %arg20[%swap3A_98, %swap3A_99], %mul3A_94 {strides = array<i32>} : memref<640x144xf32, #tpu.memory_space<vmem>>, vector<640x144xf32>,
    %mul3A_101 = arith.mulf %mul3A_94, %add3A_93 : vector<640x144xf32>
    %swap3A_102 = arith.constant 0 : index
    %swap3A_103 = arith.constant 0 : index
    %swap3A_104 = vector.load %arg21[%swap3A_102, %swap3A_103] : memref<640x144xf32, #tpu.memory_space<vmem>>, vector<640x144xf32>
    tpu.vector_store %arg21[%swap3A_102, %swap3A_103], %mul3A_101 {strides = array<i32>} : memref<640x144xf32, #tpu.memory_space<vmem>>, vector<640x144xf32>,
    %mul3A_105 = arith.mulf %mul3A_94, %mul3A_94 : vector<640x144xf32>
    %swap3A_106 = arith.constant 0 : index
    %swap3A_107 = arith.constant 0 : index
    %swap3A_108 = vector.load %arg22[%swap3A_106, %swap3A_107] : memref<640x144xf32, #tpu.memory_space<vmem>>, vector<640x144xf32>
    tpu.vector_store %arg22[%swap3A_106, %swap3A_107], %mul3A_105 {strides = array<i32>} : memref<640x144xf32, #tpu.memory_space<vmem>>, vector<640x144xf32>,
    return
  }
  func.func @transform_0(%arg0: i32) -> (i32, i32) {
    %c0_i32 = arith.constant 0 : i32
    %c0_i32_0 = arith.constant 0 : i32
    return %arg0, %c0_i32 : i32, i32
  }
  func.func @transform_1(%arg0: i32) -> (i32, i32) {
    %c0_i32 = arith.constant 0 : i32
    %c0_i32_0 = arith.constant 0 : i32
    return %arg0, %c0_i32 : i32, i32
  }
  func.func @transform_2(%arg0: i32) -> (i32, i32) {
    %c0_i32 = arith.constant 0 : i32
    %c0_i32_0 = arith.constant 0 : i32
    return %arg0, %c0_i32 : i32, i32
  }
  func.func @transform_3(%arg0: i32) -> (i32, i32) {
    %c0_i32 = arith.constant 0 : i32
    %c0_i32_0 = arith.constant 0 : i32
    return %arg0, %c0_i32 : i32, i32
  }
  func.func @transform_4(%arg0: i32) -> (i32, i32) {
    %c0_i32 = arith.constant 0 : i32
    %c0_i32_0 = arith.constant 0 : i32
    %c0_i32_1 = arith.constant 0 : i32
    return %c0_i32, %c0_i32_0 : i32, i32
  }
  func.func @transform_5(%arg0: i32) -> (i32, i32) {
    %c0_i32 = arith.constant 0 : i32
    %c0_i32_0 = arith.constant 0 : i32
    %c0_i32_1 = arith.constant 0 : i32
    return %c0_i32, %c0_i32_0 : i32, i32
  }
  func.func @transform_6(%arg0: i32) -> (i32, i32) {
    %c0_i32 = arith.constant 0 : i32
    %c0_i32_0 = arith.constant 0 : i32
    %c0_i32_1 = arith.constant 0 : i32
    return %c0_i32, %c0_i32_0 : i32, i32
  }
  func.func @transform_7(%arg0: i32) -> (i32, i32) {
    %c0_i32 = arith.constant 0 : i32
    %c0_i32_0 = arith.constant 0 : i32
    %c0_i32_1 = arith.constant 0 : i32
    return %c0_i32, %c0_i32_0 : i32, i32
  }
  func.func @transform_8(%arg0: i32) -> (i32, i32) {
    %c0_i32 = arith.constant 0 : i32
    %c0_i32_0 = arith.constant 0 : i32
    %c0_i32_1 = arith.constant 0 : i32
    return %c0_i32, %c0_i32_0 : i32, i32
  }
  func.func @transform_9(%arg0: i32) -> (i32, i32) {
    %c0_i32 = arith.constant 0 : i32
    %c0_i32_0 = arith.constant 0 : i32
    %c0_i32_1 = arith.constant 0 : i32
    return %c0_i32, %c0_i32_0 : i32, i32
  }
  func.func @transform_10(%arg0: i32) -> (i32, i32) {
    %c0_i32 = arith.constant 0 : i32
    %c0_i32_0 = arith.constant 0 : i32
    %c0_i32_1 = arith.constant 0 : i32
    return %c0_i32, %c0_i32_0 : i32, i32
  }
  func.func @transform_11(%arg0: i32) -> (i32, i32) {
    %c0_i32 = arith.constant 0 : i32
    %c0_i32_0 = arith.constant 0 : i32
    %c0_i32_1 = arith.constant 0 : i32
    return %c0_i32, %c0_i32_0 : i32, i32
  }
  func.func @transform_12(%arg0: i32) -> (i32, i32) {
    %c0_i32 = arith.constant 0 : i32
    %c0_i32_0 = arith.constant 0 : i32
    %c0_i32_1 = arith.constant 0 : i32
    return %c0_i32, %c0_i32_0 : i32, i32
  }
  func.func @transform_13(%arg0: i32) -> (i32, i32) {
    %c0_i32 = arith.constant 0 : i32
    %c0_i32_0 = arith.constant 0 : i32
    %c0_i32_1 = arith.constant 0 : i32
    return %c0_i32, %c0_i32_0 : i32, i32
  }
  func.func @transform_14(%arg0: i32) -> (i32, i32) {
    %c0_i32 = arith.constant 0 : i32
    %c0_i32_0 = arith.constant 0 : i32
    %c0_i32_1 = arith.constant 0 : i32
    return %c0_i32, %c0_i32_0 : i32, i32
  }
  func.func @transform_15(%arg0: i32) -> (i32, i32) {
    %c0_i32 = arith.constant 0 : i32
    %c0_i32_0 = arith.constant 0 : i32
    %c0_i32_1 = arith.constant 0 : i32
    return %c0_i32, %c0_i32_0 : i32, i32
  }
  func.func @transform_16(%arg0: i32) -> (i32, i32) {
    %c0_i32 = arith.constant 0 : i32
    %c0_i32_0 = arith.constant 0 : i32
    %c0_i32_1 = arith.constant 0 : i32
    return %c0_i32, %c0_i32_0 : i32, i32
  }
  func.func @transform_17(%arg0: i32) -> (i32, i32) {
    %c0_i32 = arith.constant 0 : i32
    %c0_i32_0 = arith.constant 0 : i32
    return %arg0, %c0_i32 : i32, i32
  }
  func.func @transform_18(%arg0: i32) -> (i32, i32) {
    %c0_i32 = arith.constant 0 : i32
    %c0_i32_0 = arith.constant 0 : i32
    return %arg0, %c0_i32 : i32, i32
  }
  func.func @transform_19(%arg0: i32) -> (i32, i32) {
    %c0_i32 = arith.constant 0 : i32
    %c0_i32_0 = arith.constant 0 : i32
    return %arg0, %c0_i32 : i32, i32
  }
  func.func @transform_20(%arg0: i32) -> (i32, i32) {
    %c0_i32 = arith.constant 0 : i32
    %c0_i32_0 = arith.constant 0 : i32
    return %arg0, %c0_i32 : i32, i32
  }
  func.func @transform_21(%arg0: i32) -> (i32, i32) {
    %c0_i32 = arith.constant 0 : i32
    %c0_i32_0 = arith.constant 0 : i32
    return %arg0, %c0_i32 : i32, i32
  }
}

module attributes {stable_mosaic.version = 14 : i64} {
  func.func @_t2_body(%arg0: i32, %arg1: memref<2x4x1000x144xf32, #tpu.memory_space<vmem>>, %arg2: memref<2x1000x16xf32, #tpu.memory_space<vmem>>, %arg3: memref<1000x128xf32, #tpu.memory_space<vmem>>, %arg4: memref<1000x1xf32, #tpu.memory_space<vmem>>, %arg5: memref<16x16xf32, #tpu.memory_space<vmem>>, %arg6: memref<128x128xf32, #tpu.memory_space<vmem>>, %arg7: memref<1x128xf32, #tpu.memory_space<vmem>>, %arg8: memref<144x128xf32, #tpu.memory_space<vmem>>, %arg9: memref<144x128xf32, #tpu.memory_space<vmem>>, %arg10: memref<144x128xf32, #tpu.memory_space<vmem>>, %arg11: memref<144x128xf32, #tpu.memory_space<vmem>>, %arg12: memref<16x128xf32, #tpu.memory_space<vmem>>, %arg13: memref<1x128xf32, #tpu.memory_space<vmem>>, %arg14: memref<128x128xf32, #tpu.memory_space<vmem>>, %arg15: memref<1x128xf32, #tpu.memory_space<vmem>>, %arg16: memref<1000x128xf32, #tpu.memory_space<vmem>>) attributes {dimension_semantics = [#tpu.dimension_semantics<arbitrary>], iteration_bounds = array<i64: 10>, scalar_prefetch = 0 : i64, scratch_operands = 0 : i64, tpu.core_type = #tpu.core_type<tc>, window_params = [{transform_indices = @transform_0, window_bounds = array<i64: 2, 4, 1000, 144>}, {transform_indices = @transform_1, window_bounds = array<i64: 2, 1000, 16>}, {transform_indices = @transform_2, window_bounds = array<i64: 1000, 128>}, {transform_indices = @transform_3, window_bounds = array<i64: 1000, 1>}, {pipeline_mode = #tpu.pipeline_mode<synchronous>, transform_indices = @transform_4, window_bounds = array<i64: 16, 16>}, {pipeline_mode = #tpu.pipeline_mode<synchronous>, transform_indices = @transform_5, window_bounds = array<i64: 128, 128>}, {pipeline_mode = #tpu.pipeline_mode<synchronous>, transform_indices = @transform_6, window_bounds = array<i64: 1, 128>}, {pipeline_mode = #tpu.pipeline_mode<synchronous>, transform_indices = @transform_7, window_bounds = array<i64: 144, 128>}, {pipeline_mode = #tpu.pipeline_mode<synchronous>, transform_indices = @transform_8, window_bounds = array<i64: 144, 128>}, {pipeline_mode = #tpu.pipeline_mode<synchronous>, transform_indices = @transform_9, window_bounds = array<i64: 144, 128>}, {pipeline_mode = #tpu.pipeline_mode<synchronous>, transform_indices = @transform_10, window_bounds = array<i64: 144, 128>}, {pipeline_mode = #tpu.pipeline_mode<synchronous>, transform_indices = @transform_11, window_bounds = array<i64: 16, 128>}, {pipeline_mode = #tpu.pipeline_mode<synchronous>, transform_indices = @transform_12, window_bounds = array<i64: 1, 128>}, {pipeline_mode = #tpu.pipeline_mode<synchronous>, transform_indices = @transform_13, window_bounds = array<i64: 128, 128>}, {pipeline_mode = #tpu.pipeline_mode<synchronous>, transform_indices = @transform_14, window_bounds = array<i64: 1, 128>}, {transform_indices = @transform_15, window_bounds = array<i64: 1000, 128>}]} {
    %get3A = arith.constant 0 : index
    %get3A_0 = arith.constant 0 : index
    %get3A_1 = arith.constant 0 : index
    %get3A_2 = vector.load %arg2[%get3A, %get3A_0, %get3A_1] : memref<2x1000x16xf32, #tpu.memory_space<vmem>>, vector<1x1000x1xf32>
    %get3A_3 = vector.shape_cast %get3A_2 : vector<1x1000x1xf32> to vector<1000x1xf32>
    %get3A_4 = arith.constant 1 : index
    %get3A_5 = arith.constant 0 : index
    %get3A_6 = arith.constant 0 : index
    %get3A_7 = vector.load %arg2[%get3A_4, %get3A_5, %get3A_6] : memref<2x1000x16xf32, #tpu.memory_space<vmem>>, vector<1x1000x1xf32>
    %get3A_8 = vector.shape_cast %get3A_7 : vector<1x1000x1xf32> to vector<1000x1xf32>
    %add3A = arith.addf %get3A_3, %get3A_8 : vector<1000x1xf32>
    %max3A = arith.constant 1.000000e+00 : f32
    %max3A_9 = vector.broadcast %max3A : f32 to vector<1000x1xf32>
    %max3A_10 = arith.maximumf %add3A, %max3A_9 : vector<1000x1xf32>
    %div3A = arith.constant 1.000000e+00 : f32
    %div3A_11 = vector.broadcast %div3A : f32 to vector<1000x1xf32>
    %div3A_12 = arith.divf %div3A_11, %max3A_10 : vector<1000x1xf32>
    %get3A_13 = arith.constant 0 : index
    %get3A_14 = arith.constant 0 : index
    %get3A_15 = arith.constant 0 : index
    %get3A_16 = arith.constant 0 : index
    %get3A_17 = vector.load %arg1[%get3A_13, %get3A_14, %get3A_15, %get3A_16] : memref<2x4x1000x144xf32, #tpu.memory_space<vmem>>, vector<1x1x1000x144xf32>
    %get3A_18 = vector.shape_cast %get3A_17 : vector<1x1x1000x144xf32> to vector<1000x144xf32>
    %get3A_19 = arith.constant 1 : index
    %get3A_20 = arith.constant 0 : index
    %get3A_21 = arith.constant 0 : index
    %get3A_22 = arith.constant 0 : index
    %get3A_23 = vector.load %arg1[%get3A_19, %get3A_20, %get3A_21, %get3A_22] : memref<2x4x1000x144xf32, #tpu.memory_space<vmem>>, vector<1x1x1000x144xf32>
    %get3A_24 = vector.shape_cast %get3A_23 : vector<1x1x1000x144xf32> to vector<1000x144xf32>
    %add3A_25 = arith.addf %get3A_18, %get3A_24 : vector<1000x144xf32>
    %mul3A = vector.broadcast %div3A_12 : vector<1000x1xf32> to vector<1000x144xf32>
    %mul3A_26 = arith.mulf %add3A_25, %mul3A : vector<1000x144xf32>
    %get3A_27 = arith.constant 0 : index
    %get3A_28 = arith.constant 1 : index
    %get3A_29 = arith.constant 0 : index
    %get3A_30 = arith.constant 0 : index
    %get3A_31 = vector.load %arg1[%get3A_27, %get3A_28, %get3A_29, %get3A_30] : memref<2x4x1000x144xf32, #tpu.memory_space<vmem>>, vector<1x1x1000x144xf32>
    %get3A_32 = vector.shape_cast %get3A_31 : vector<1x1x1000x144xf32> to vector<1000x144xf32>
    %get3A_33 = arith.constant 1 : index
    %get3A_34 = arith.constant 1 : index
    %get3A_35 = arith.constant 0 : index
    %get3A_36 = arith.constant 0 : index
    %get3A_37 = vector.load %arg1[%get3A_33, %get3A_34, %get3A_35, %get3A_36] : memref<2x4x1000x144xf32, #tpu.memory_space<vmem>>, vector<1x1x1000x144xf32>
    %get3A_38 = vector.shape_cast %get3A_37 : vector<1x1x1000x144xf32> to vector<1000x144xf32>
    %add3A_39 = arith.addf %get3A_32, %get3A_38 : vector<1000x144xf32>
    %mul3A_40 = vector.broadcast %div3A_12 : vector<1000x1xf32> to vector<1000x144xf32>
    %mul3A_41 = arith.mulf %add3A_39, %mul3A_40 : vector<1000x144xf32>
    %get3A_42 = arith.constant 0 : index
    %get3A_43 = arith.constant 2 : index
    %get3A_44 = arith.constant 0 : index
    %get3A_45 = arith.constant 0 : index
    %get3A_46 = vector.load %arg1[%get3A_42, %get3A_43, %get3A_44, %get3A_45] : memref<2x4x1000x144xf32, #tpu.memory_space<vmem>>, vector<1x1x1000x144xf32>
    %get3A_47 = vector.shape_cast %get3A_46 : vector<1x1x1000x144xf32> to vector<1000x144xf32>
    %get3A_48 = arith.constant 1 : index
    %get3A_49 = arith.constant 2 : index
    %get3A_50 = arith.constant 0 : index
    %get3A_51 = arith.constant 0 : index
    %get3A_52 = vector.load %arg1[%get3A_48, %get3A_49, %get3A_50, %get3A_51] : memref<2x4x1000x144xf32, #tpu.memory_space<vmem>>, vector<1x1x1000x144xf32>
    %get3A_53 = vector.shape_cast %get3A_52 : vector<1x1x1000x144xf32> to vector<1000x144xf32>
    %add3A_54 = arith.addf %get3A_47, %get3A_53 : vector<1000x144xf32>
    %mul3A_55 = vector.broadcast %div3A_12 : vector<1000x1xf32> to vector<1000x144xf32>
    %mul3A_56 = arith.mulf %add3A_54, %mul3A_55 : vector<1000x144xf32>
    %get3A_57 = arith.constant 0 : index
    %get3A_58 = arith.constant 3 : index
    %get3A_59 = arith.constant 0 : index
    %get3A_60 = arith.constant 0 : index
    %get3A_61 = vector.load %arg1[%get3A_57, %get3A_58, %get3A_59, %get3A_60] : memref<2x4x1000x144xf32, #tpu.memory_space<vmem>>, vector<1x1x1000x144xf32>
    %get3A_62 = vector.shape_cast %get3A_61 : vector<1x1x1000x144xf32> to vector<1000x144xf32>
    %get3A_63 = arith.constant 1 : index
    %get3A_64 = arith.constant 3 : index
    %get3A_65 = arith.constant 0 : index
    %get3A_66 = arith.constant 0 : index
    %get3A_67 = vector.load %arg1[%get3A_63, %get3A_64, %get3A_65, %get3A_66] : memref<2x4x1000x144xf32, #tpu.memory_space<vmem>>, vector<1x1x1000x144xf32>
    %get3A_68 = vector.shape_cast %get3A_67 : vector<1x1x1000x144xf32> to vector<1000x144xf32>
    %add3A_69 = arith.addf %get3A_62, %get3A_68 : vector<1000x144xf32>
    %mul3A_70 = vector.broadcast %div3A_12 : vector<1000x1xf32> to vector<1000x144xf32>
    %mul3A_71 = arith.mulf %add3A_69, %mul3A_70 : vector<1000x144xf32>
    %mul3A_72 = arith.mulf %mul3A_26, %mul3A_26 : vector<1000x144xf32>
    %sub3A = arith.subf %mul3A_41, %mul3A_72 : vector<1000x144xf32>
    %max3A_73 = arith.constant 0.000000e+00 : f32
    %max3A_74 = vector.broadcast %max3A_73 : f32 to vector<1000x144xf32>
    %max3A_75 = arith.maximumf %sub3A, %max3A_74 : vector<1000x144xf32>
    %add3A_76 = arith.constant 9.99999997E-7 : f32
    %add3A_77 = vector.broadcast %add3A_76 : f32 to vector<1000x144xf32>
    %add3A_78 = arith.addf %max3A_75, %add3A_77 : vector<1000x144xf32>
    %sqrt3A = math.sqrt %add3A_78 : vector<1000x144xf32>
    %mul3A_79 = arith.constant 3.000000e+00 : f32
    %mul3A_80 = vector.broadcast %mul3A_79 : f32 to vector<1000x144xf32>
    %mul3A_81 = arith.mulf %mul3A_80, %mul3A_26 : vector<1000x144xf32>
    %mul3A_82 = arith.mulf %mul3A_81, %mul3A_41 : vector<1000x144xf32>
    %sub3A_83 = arith.subf %mul3A_56, %mul3A_82 : vector<1000x144xf32>
    %mul3A_84 = arith.constant 2.000000e+00 : f32
    %mul3A_85 = vector.broadcast %mul3A_84 : f32 to vector<1000x144xf32>
    %mul3A_86 = arith.mulf %mul3A_85, %mul3A_26 : vector<1000x144xf32>
    %mul3A_87 = arith.mulf %mul3A_86, %mul3A_26 : vector<1000x144xf32>
    %mul3A_88 = arith.mulf %mul3A_87, %mul3A_26 : vector<1000x144xf32>
    %add3A_89 = arith.addf %sub3A_83, %mul3A_88 : vector<1000x144xf32>
    %mul3A_90 = arith.constant 4.000000e+00 : f32
    %mul3A_91 = vector.broadcast %mul3A_90 : f32 to vector<1000x144xf32>
    %mul3A_92 = arith.mulf %mul3A_91, %mul3A_26 : vector<1000x144xf32>
    %mul3A_93 = arith.mulf %mul3A_92, %mul3A_56 : vector<1000x144xf32>
    %sub3A_94 = arith.subf %mul3A_71, %mul3A_93 : vector<1000x144xf32>
    %mul3A_95 = arith.constant 6.000000e+00 : f32
    %mul3A_96 = vector.broadcast %mul3A_95 : f32 to vector<1000x144xf32>
    %mul3A_97 = arith.mulf %mul3A_96, %mul3A_26 : vector<1000x144xf32>
    %mul3A_98 = arith.mulf %mul3A_97, %mul3A_26 : vector<1000x144xf32>
    %mul3A_99 = arith.mulf %mul3A_98, %mul3A_41 : vector<1000x144xf32>
    %add3A_100 = arith.addf %sub3A_94, %mul3A_99 : vector<1000x144xf32>
    %mul3A_101 = arith.constant 3.000000e+00 : f32
    %mul3A_102 = vector.broadcast %mul3A_101 : f32 to vector<1000x144xf32>
    %mul3A_103 = arith.mulf %mul3A_102, %mul3A_26 : vector<1000x144xf32>
    %mul3A_104 = arith.mulf %mul3A_103, %mul3A_26 : vector<1000x144xf32>
    %mul3A_105 = arith.mulf %mul3A_104, %mul3A_26 : vector<1000x144xf32>
    %mul3A_106 = arith.mulf %mul3A_105, %mul3A_26 : vector<1000x144xf32>
    %sub3A_107 = arith.subf %add3A_100, %mul3A_106 : vector<1000x144xf32>
    %mul3A_108 = arith.mulf %add3A_78, %sqrt3A : vector<1000x144xf32>
    %div3A_109 = arith.divf %add3A_89, %mul3A_108 : vector<1000x144xf32>
    %mul3A_110 = arith.mulf %add3A_78, %add3A_78 : vector<1000x144xf32>
    %div3A_111 = arith.divf %sub3A_107, %mul3A_110 : vector<1000x144xf32>
    %iota3A = tpu.iota {dimensions = array<i32: 1>} : vector<1x16xi32>
    %convert_element_type3A = arith.sitofp %iota3A : vector<1x16xi32> to vector<1x16xf32>
    %get3A_112 = arith.constant 0 : index
    %get3A_113 = arith.constant 0 : index
    %get3A_114 = vector.load %arg4[%get3A_112, %get3A_113] : memref<1000x1xf32, #tpu.memory_space<vmem>>, vector<1000x1xf32>
    %eq3A = vector.broadcast %get3A_114 : vector<1000x1xf32> to vector<1000x16xf32>
    %eq3A_115 = vector.broadcast %convert_element_type3A : vector<1x16xf32> to vector<1000x16xf32>
    %eq3A_116 = arith.cmpf oeq, %eq3A, %eq3A_115 : vector<1000x16xf32>
    %convert_element_type3A_117 = arith.extui %eq3A_116 : vector<1000x16xi1> to vector<1000x16xi32>
    %convert_element_type3A_118 = arith.sitofp %convert_element_type3A_117 : vector<1000x16xi32> to vector<1000x16xf32>
    %get3A_119 = arith.constant 0 : index
    %get3A_120 = arith.constant 0 : index
    %get3A_121 = vector.load %arg5[%get3A_119, %get3A_120] : memref<16x16xf32, #tpu.memory_space<vmem>>, vector<16x16xf32>
    %dot_general3A = arith.constant dense<0.000000e+00> : vector<1000x16xf32>
    %dot_general3A_122 = tpu.matmul %convert_element_type3A_118, %get3A_121, %dot_general3A {dimension_numbers = #tpu.dot_dimension_numbers<[1], [0], [0], [1], [0, 0, 1, 1], [], []>, transpose_lhs_hint = false} : vector<1000x16xf32>, vector<16x16xf32>, vector<1000x16xf32> -> vector<1000x16xf32>
    %get3A_123 = arith.constant 0 : index
    %get3A_124 = arith.constant 0 : index
    %get3A_125 = vector.load %arg3[%get3A_123, %get3A_124] : memref<1000x128xf32, #tpu.memory_space<vmem>>, vector<1000x128xf32>
    %get3A_126 = arith.constant 0 : index
    %get3A_127 = arith.constant 0 : index
    %get3A_128 = vector.load %arg6[%get3A_126, %get3A_127] : memref<128x128xf32, #tpu.memory_space<vmem>>, vector<128x128xf32>
    %dot_general3A_129 = arith.constant dense<0.000000e+00> : vector<1000x128xf32>
    %dot_general3A_130 = tpu.matmul %get3A_125, %get3A_128, %dot_general3A_129 {dimension_numbers = #tpu.dot_dimension_numbers<[1], [0], [0], [1], [0, 0, 1, 1], [], []>, transpose_lhs_hint = false} : vector<1000x128xf32>, vector<128x128xf32>, vector<1000x128xf32> -> vector<1000x128xf32>
    %get3A_131 = arith.constant 0 : index
    %get3A_132 = arith.constant 0 : index
    %get3A_133 = vector.load %arg7[%get3A_131, %get3A_132] : memref<1x128xf32, #tpu.memory_space<vmem>>, vector<1x128xf32>
    %mul3A_134 = vector.broadcast %add3A : vector<1000x1xf32> to vector<1000x128xf32>
    %mul3A_135 = vector.broadcast %get3A_133 : vector<1x128xf32> to vector<1000x128xf32>
    %mul3A_136 = arith.mulf %mul3A_134, %mul3A_135 : vector<1000x128xf32>
    %add3A_137 = arith.addf %dot_general3A_130, %mul3A_136 : vector<1000x128xf32>
    %get3A_138 = arith.constant 0 : index
    %get3A_139 = arith.constant 0 : index
    %get3A_140 = vector.load %arg8[%get3A_138, %get3A_139] : memref<144x128xf32, #tpu.memory_space<vmem>>, vector<144x128xf32>
    %dot_general3A_141 = arith.constant dense<0.000000e+00> : vector<1000x128xf32>
    %dot_general3A_142 = tpu.matmul %mul3A_26, %get3A_140, %dot_general3A_141 {dimension_numbers = #tpu.dot_dimension_numbers<[1], [0], [0], [1], [0, 0, 1, 1], [], []>, transpose_lhs_hint = false} : vector<1000x144xf32>, vector<144x128xf32>, vector<1000x128xf32> -> vector<1000x128xf32>
    %add3A_143 = arith.addf %add3A_137, %dot_general3A_142 : vector<1000x128xf32>
    %get3A_144 = arith.constant 0 : index
    %get3A_145 = arith.constant 0 : index
    %get3A_146 = vector.load %arg9[%get3A_144, %get3A_145] : memref<144x128xf32, #tpu.memory_space<vmem>>, vector<144x128xf32>
    %dot_general3A_147 = arith.constant dense<0.000000e+00> : vector<1000x128xf32>
    %dot_general3A_148 = tpu.matmul %sqrt3A, %get3A_146, %dot_general3A_147 {dimension_numbers = #tpu.dot_dimension_numbers<[1], [0], [0], [1], [0, 0, 1, 1], [], []>, transpose_lhs_hint = false} : vector<1000x144xf32>, vector<144x128xf32>, vector<1000x128xf32> -> vector<1000x128xf32>
    %add3A_149 = arith.addf %add3A_143, %dot_general3A_148 : vector<1000x128xf32>
    %get3A_150 = arith.constant 0 : index
    %get3A_151 = arith.constant 0 : index
    %get3A_152 = vector.load %arg10[%get3A_150, %get3A_151] : memref<144x128xf32, #tpu.memory_space<vmem>>, vector<144x128xf32>
    %dot_general3A_153 = arith.constant dense<0.000000e+00> : vector<1000x128xf32>
    %dot_general3A_154 = tpu.matmul %div3A_109, %get3A_152, %dot_general3A_153 {dimension_numbers = #tpu.dot_dimension_numbers<[1], [0], [0], [1], [0, 0, 1, 1], [], []>, transpose_lhs_hint = false} : vector<1000x144xf32>, vector<144x128xf32>, vector<1000x128xf32> -> vector<1000x128xf32>
    %add3A_155 = arith.addf %add3A_149, %dot_general3A_154 : vector<1000x128xf32>
    %get3A_156 = arith.constant 0 : index
    %get3A_157 = arith.constant 0 : index
    %get3A_158 = vector.load %arg11[%get3A_156, %get3A_157] : memref<144x128xf32, #tpu.memory_space<vmem>>, vector<144x128xf32>
    %dot_general3A_159 = arith.constant dense<0.000000e+00> : vector<1000x128xf32>
    %dot_general3A_160 = tpu.matmul %div3A_111, %get3A_158, %dot_general3A_159 {dimension_numbers = #tpu.dot_dimension_numbers<[1], [0], [0], [1], [0, 0, 1, 1], [], []>, transpose_lhs_hint = false} : vector<1000x144xf32>, vector<144x128xf32>, vector<1000x128xf32> -> vector<1000x128xf32>
    %add3A_161 = arith.addf %add3A_155, %dot_general3A_160 : vector<1000x128xf32>
    %get3A_162 = arith.constant 0 : index
    %get3A_163 = arith.constant 0 : index
    %get3A_164 = vector.load %arg12[%get3A_162, %get3A_163] : memref<16x128xf32, #tpu.memory_space<vmem>>, vector<16x128xf32>
    %dot_general3A_165 = arith.constant dense<0.000000e+00> : vector<1000x128xf32>
    %dot_general3A_166 = tpu.matmul %dot_general3A_122, %get3A_164, %dot_general3A_165 {dimension_numbers = #tpu.dot_dimension_numbers<[1], [0], [0], [1], [0, 0, 1, 1], [], []>, transpose_lhs_hint = false} : vector<1000x16xf32>, vector<16x128xf32>, vector<1000x128xf32> -> vector<1000x128xf32>
    %add3A_167 = arith.addf %add3A_161, %dot_general3A_166 : vector<1000x128xf32>
    %get3A_168 = arith.constant 0 : index
    %get3A_169 = arith.constant 0 : index
    %get3A_170 = vector.load %arg13[%get3A_168, %get3A_169] : memref<1x128xf32, #tpu.memory_space<vmem>>, vector<1x128xf32>
    %add3A_171 = vector.broadcast %get3A_170 : vector<1x128xf32> to vector<1000x128xf32>
    %add3A_172 = arith.addf %add3A_167, %add3A_171 : vector<1000x128xf32>
    %jit3A = arith.constant 1.000000e-01 : f32
    %ge3A = arith.constant 0.000000e+00 : f32
    %ge3A_173 = vector.broadcast %ge3A : f32 to vector<1000x128xf32>
    %ge3A_174 = arith.cmpf oge, %add3A_172, %ge3A_173 : vector<1000x128xf32>
    %mul3A_175 = vector.broadcast %jit3A : f32 to vector<1000x128xf32>
    %mul3A_176 = arith.mulf %mul3A_175, %add3A_172 : vector<1000x128xf32>
    %select_n3A = arith.select %ge3A_174, %add3A_172, %mul3A_176 : vector<1000x128xi1>, vector<1000x128xf32>
    %get3A_177 = arith.constant 0 : index
    %get3A_178 = arith.constant 0 : index
    %get3A_179 = vector.load %arg14[%get3A_177, %get3A_178] : memref<128x128xf32, #tpu.memory_space<vmem>>, vector<128x128xf32>
    %dot_general3A_180 = arith.constant dense<0.000000e+00> : vector<1000x128xf32>
    %dot_general3A_181 = tpu.matmul %select_n3A, %get3A_179, %dot_general3A_180 {dimension_numbers = #tpu.dot_dimension_numbers<[1], [0], [0], [1], [0, 0, 1, 1], [], []>, transpose_lhs_hint = false} : vector<1000x128xf32>, vector<128x128xf32>, vector<1000x128xf32> -> vector<1000x128xf32>
    %get3A_182 = arith.constant 0 : index
    %get3A_183 = arith.constant 0 : index
    %get3A_184 = vector.load %arg15[%get3A_182, %get3A_183] : memref<1x128xf32, #tpu.memory_space<vmem>>, vector<1x128xf32>
    %add3A_185 = vector.broadcast %get3A_184 : vector<1x128xf32> to vector<1000x128xf32>
    %add3A_186 = arith.addf %dot_general3A_181, %add3A_185 : vector<1000x128xf32>
    %swap3A = arith.constant 0 : index
    %swap3A_187 = arith.constant 0 : index
    %swap3A_188 = vector.load %arg16[%swap3A, %swap3A_187] : memref<1000x128xf32, #tpu.memory_space<vmem>>, vector<1000x128xf32>
    tpu.vector_store %arg16[%swap3A, %swap3A_187], %add3A_186 {strides = array<i32>} : memref<1000x128xf32, #tpu.memory_space<vmem>>, vector<1000x128xf32>,
    return
  }
  func.func @transform_0(%arg0: i32) -> (i32, i32, i32, i32) {
    %c0_i32 = arith.constant 0 : i32
    %c0_i32_0 = arith.constant 0 : i32
    %c0_i32_1 = arith.constant 0 : i32
    %c0_i32_2 = arith.constant 0 : i32
    return %c0_i32, %c0_i32_0, %arg0, %c0_i32_1 : i32, i32, i32, i32
  }
  func.func @transform_1(%arg0: i32) -> (i32, i32, i32) {
    %c0_i32 = arith.constant 0 : i32
    %c0_i32_0 = arith.constant 0 : i32
    %c0_i32_1 = arith.constant 0 : i32
    return %c0_i32, %arg0, %c0_i32_0 : i32, i32, i32
  }
  func.func @transform_2(%arg0: i32) -> (i32, i32) {
    %c0_i32 = arith.constant 0 : i32
    %c0_i32_0 = arith.constant 0 : i32
    return %arg0, %c0_i32 : i32, i32
  }
  func.func @transform_3(%arg0: i32) -> (i32, i32) {
    %c0_i32 = arith.constant 0 : i32
    %c0_i32_0 = arith.constant 0 : i32
    return %arg0, %c0_i32 : i32, i32
  }
  func.func @transform_4(%arg0: i32) -> (i32, i32) {
    %c0_i32 = arith.constant 0 : i32
    %c0_i32_0 = arith.constant 0 : i32
    %c0_i32_1 = arith.constant 0 : i32
    return %c0_i32, %c0_i32_0 : i32, i32
  }
  func.func @transform_5(%arg0: i32) -> (i32, i32) {
    %c0_i32 = arith.constant 0 : i32
    %c0_i32_0 = arith.constant 0 : i32
    %c0_i32_1 = arith.constant 0 : i32
    return %c0_i32, %c0_i32_0 : i32, i32
  }
  func.func @transform_6(%arg0: i32) -> (i32, i32) {
    %c0_i32 = arith.constant 0 : i32
    %c0_i32_0 = arith.constant 0 : i32
    %c0_i32_1 = arith.constant 0 : i32
    return %c0_i32, %c0_i32_0 : i32, i32
  }
  func.func @transform_7(%arg0: i32) -> (i32, i32) {
    %c0_i32 = arith.constant 0 : i32
    %c0_i32_0 = arith.constant 0 : i32
    %c0_i32_1 = arith.constant 0 : i32
    return %c0_i32, %c0_i32_0 : i32, i32
  }
  func.func @transform_8(%arg0: i32) -> (i32, i32) {
    %c0_i32 = arith.constant 0 : i32
    %c0_i32_0 = arith.constant 0 : i32
    %c0_i32_1 = arith.constant 0 : i32
    return %c0_i32, %c0_i32_0 : i32, i32
  }
  func.func @transform_9(%arg0: i32) -> (i32, i32) {
    %c0_i32 = arith.constant 0 : i32
    %c0_i32_0 = arith.constant 0 : i32
    %c0_i32_1 = arith.constant 0 : i32
    return %c0_i32, %c0_i32_0 : i32, i32
  }
  func.func @transform_10(%arg0: i32) -> (i32, i32) {
    %c0_i32 = arith.constant 0 : i32
    %c0_i32_0 = arith.constant 0 : i32
    %c0_i32_1 = arith.constant 0 : i32
    return %c0_i32, %c0_i32_0 : i32, i32
  }
  func.func @transform_11(%arg0: i32) -> (i32, i32) {
    %c0_i32 = arith.constant 0 : i32
    %c0_i32_0 = arith.constant 0 : i32
    %c0_i32_1 = arith.constant 0 : i32
    return %c0_i32, %c0_i32_0 : i32, i32
  }
  func.func @transform_12(%arg0: i32) -> (i32, i32) {
    %c0_i32 = arith.constant 0 : i32
    %c0_i32_0 = arith.constant 0 : i32
    %c0_i32_1 = arith.constant 0 : i32
    return %c0_i32, %c0_i32_0 : i32, i32
  }
  func.func @transform_13(%arg0: i32) -> (i32, i32) {
    %c0_i32 = arith.constant 0 : i32
    %c0_i32_0 = arith.constant 0 : i32
    %c0_i32_1 = arith.constant 0 : i32
    return %c0_i32, %c0_i32_0 : i32, i32
  }
  func.func @transform_14(%arg0: i32) -> (i32, i32) {
    %c0_i32 = arith.constant 0 : i32
    %c0_i32_0 = arith.constant 0 : i32
    %c0_i32_1 = arith.constant 0 : i32
    return %c0_i32, %c0_i32_0 : i32, i32
  }
  func.func @transform_15(%arg0: i32) -> (i32, i32) {
    %c0_i32 = arith.constant 0 : i32
    %c0_i32_0 = arith.constant 0 : i32
    return %arg0, %c0_i32 : i32, i32
  }
}

module attributes {stable_mosaic.version = 14 : i64} {
  func.func @_t3_body(%arg0: i32, %arg1: memref<640x128xf32, #tpu.memory_space<vmem>>, %arg2: memref<640x16xf32, #tpu.memory_space<vmem>>, %arg3: memref<128x144xf32, #tpu.memory_space<vmem>>, %arg4: memref<16x144xf32, #tpu.memory_space<vmem>>, %arg5: memref<1x144xf32, #tpu.memory_space<vmem>>, %arg6: memref<144x144xf32, #tpu.memory_space<vmem>>, %arg7: memref<1x144xf32, #tpu.memory_space<vmem>>, %arg8: memref<640x144xf32, #tpu.memory_space<vmem>>) attributes {dimension_semantics = [#tpu.dimension_semantics<arbitrary>], iteration_bounds = array<i64: 250>, scalar_prefetch = 0 : i64, scratch_operands = 0 : i64, tpu.core_type = #tpu.core_type<tc>, window_params = [{transform_indices = @transform_0, window_bounds = array<i64: 640, 128>}, {transform_indices = @transform_1, window_bounds = array<i64: 640, 16>}, {pipeline_mode = #tpu.pipeline_mode<synchronous>, transform_indices = @transform_2, window_bounds = array<i64: 128, 144>}, {pipeline_mode = #tpu.pipeline_mode<synchronous>, transform_indices = @transform_3, window_bounds = array<i64: 16, 144>}, {pipeline_mode = #tpu.pipeline_mode<synchronous>, transform_indices = @transform_4, window_bounds = array<i64: 1, 144>}, {pipeline_mode = #tpu.pipeline_mode<synchronous>, transform_indices = @transform_5, window_bounds = array<i64: 144, 144>}, {pipeline_mode = #tpu.pipeline_mode<synchronous>, transform_indices = @transform_6, window_bounds = array<i64: 1, 144>}, {transform_indices = @transform_7, window_bounds = array<i64: 640, 144>}]} {
    %get3A = arith.constant 0 : index
    %get3A_0 = arith.constant 0 : index
    %get3A_1 = vector.load %arg1[%get3A, %get3A_0] : memref<640x128xf32, #tpu.memory_space<vmem>>, vector<640x128xf32>
    %get3A_2 = arith.constant 0 : index
    %get3A_3 = arith.constant 0 : index
    %get3A_4 = vector.load %arg3[%get3A_2, %get3A_3] : memref<128x144xf32, #tpu.memory_space<vmem>>, vector<128x144xf32>
    %dot_general3A = arith.constant dense<0.000000e+00> : vector<640x144xf32>
    %dot_general3A_5 = tpu.matmul %get3A_1, %get3A_4, %dot_general3A {dimension_numbers = #tpu.dot_dimension_numbers<[1], [0], [0], [1], [0, 0, 1, 1], [], []>, transpose_lhs_hint = false} : vector<640x128xf32>, vector<128x144xf32>, vector<640x144xf32> -> vector<640x144xf32>
    %get3A_6 = arith.constant 0 : index
    %get3A_7 = arith.constant 0 : index
    %get3A_8 = vector.load %arg2[%get3A_6, %get3A_7] : memref<640x16xf32, #tpu.memory_space<vmem>>, vector<640x16xf32>
    %get3A_9 = arith.constant 0 : index
    %get3A_10 = arith.constant 0 : index
    %get3A_11 = vector.load %arg4[%get3A_9, %get3A_10] : memref<16x144xf32, #tpu.memory_space<vmem>>, vector<16x144xf32>
    %dot_general3A_12 = arith.constant dense<0.000000e+00> : vector<640x144xf32>
    %dot_general3A_13 = tpu.matmul %get3A_8, %get3A_11, %dot_general3A_12 {dimension_numbers = #tpu.dot_dimension_numbers<[1], [0], [0], [1], [0, 0, 1, 1], [], []>, transpose_lhs_hint = false} : vector<640x16xf32>, vector<16x144xf32>, vector<640x144xf32> -> vector<640x144xf32>
    %add3A = arith.addf %dot_general3A_5, %dot_general3A_13 : vector<640x144xf32>
    %get3A_14 = arith.constant 0 : index
    %get3A_15 = arith.constant 0 : index
    %get3A_16 = vector.load %arg5[%get3A_14, %get3A_15] : memref<1x144xf32, #tpu.memory_space<vmem>>, vector<1x144xf32>
    %add3A_17 = vector.broadcast %get3A_16 : vector<1x144xf32> to vector<640x144xf32>
    %add3A_18 = arith.addf %add3A, %add3A_17 : vector<640x144xf32>
    %jit3A = arith.constant 1.000000e-01 : f32
    %ge3A = arith.constant 0.000000e+00 : f32
    %ge3A_19 = vector.broadcast %ge3A : f32 to vector<640x144xf32>
    %ge3A_20 = arith.cmpf oge, %add3A_18, %ge3A_19 : vector<640x144xf32>
    %mul3A = vector.broadcast %jit3A : f32 to vector<640x144xf32>
    %mul3A_21 = arith.mulf %mul3A, %add3A_18 : vector<640x144xf32>
    %select_n3A = arith.select %ge3A_20, %add3A_18, %mul3A_21 : vector<640x144xi1>, vector<640x144xf32>
    %get3A_22 = arith.constant 0 : index
    %get3A_23 = arith.constant 0 : index
    %get3A_24 = vector.load %arg6[%get3A_22, %get3A_23] : memref<144x144xf32, #tpu.memory_space<vmem>>, vector<144x144xf32>
    %dot_general3A_25 = arith.constant dense<0.000000e+00> : vector<640x144xf32>
    %dot_general3A_26 = tpu.matmul %select_n3A, %get3A_24, %dot_general3A_25 {dimension_numbers = #tpu.dot_dimension_numbers<[1], [0], [0], [1], [0, 0, 1, 1], [], []>, transpose_lhs_hint = false} : vector<640x144xf32>, vector<144x144xf32>, vector<640x144xf32> -> vector<640x144xf32>
    %get3A_27 = arith.constant 0 : index
    %get3A_28 = arith.constant 0 : index
    %get3A_29 = vector.load %arg7[%get3A_27, %get3A_28] : memref<1x144xf32, #tpu.memory_space<vmem>>, vector<1x144xf32>
    %add3A_30 = vector.broadcast %get3A_29 : vector<1x144xf32> to vector<640x144xf32>
    %add3A_31 = arith.addf %dot_general3A_26, %add3A_30 : vector<640x144xf32>
    %swap3A = arith.constant 0 : index
    %swap3A_32 = arith.constant 0 : index
    %swap3A_33 = vector.load %arg8[%swap3A, %swap3A_32] : memref<640x144xf32, #tpu.memory_space<vmem>>, vector<640x144xf32>
    tpu.vector_store %arg8[%swap3A, %swap3A_32], %add3A_31 {strides = array<i32>} : memref<640x144xf32, #tpu.memory_space<vmem>>, vector<640x144xf32>,
    return
  }
  func.func @transform_0(%arg0: i32) -> (i32, i32) {
    %c0_i32 = arith.constant 0 : i32
    %c0_i32_0 = arith.constant 0 : i32
    return %arg0, %c0_i32 : i32, i32
  }
  func.func @transform_1(%arg0: i32) -> (i32, i32) {
    %c0_i32 = arith.constant 0 : i32
    %c0_i32_0 = arith.constant 0 : i32
    return %arg0, %c0_i32 : i32, i32
  }
  func.func @transform_2(%arg0: i32) -> (i32, i32) {
    %c0_i32 = arith.constant 0 : i32
    %c0_i32_0 = arith.constant 0 : i32
    %c0_i32_1 = arith.constant 0 : i32
    return %c0_i32, %c0_i32_0 : i32, i32
  }
  func.func @transform_3(%arg0: i32) -> (i32, i32) {
    %c0_i32 = arith.constant 0 : i32
    %c0_i32_0 = arith.constant 0 : i32
    %c0_i32_1 = arith.constant 0 : i32
    return %c0_i32, %c0_i32_0 : i32, i32
  }
  func.func @transform_4(%arg0: i32) -> (i32, i32) {
    %c0_i32 = arith.constant 0 : i32
    %c0_i32_0 = arith.constant 0 : i32
    %c0_i32_1 = arith.constant 0 : i32
    return %c0_i32, %c0_i32_0 : i32, i32
  }
  func.func @transform_5(%arg0: i32) -> (i32, i32) {
    %c0_i32 = arith.constant 0 : i32
    %c0_i32_0 = arith.constant 0 : i32
    %c0_i32_1 = arith.constant 0 : i32
    return %c0_i32, %c0_i32_0 : i32, i32
  }
  func.func @transform_6(%arg0: i32) -> (i32, i32) {
    %c0_i32 = arith.constant 0 : i32
    %c0_i32_0 = arith.constant 0 : i32
    %c0_i32_1 = arith.constant 0 : i32
    return %c0_i32, %c0_i32_0 : i32, i32
  }
  func.func @transform_7(%arg0: i32) -> (i32, i32) {
    %c0_i32 = arith.constant 0 : i32
    %c0_i32_0 = arith.constant 0 : i32
    return %arg0, %c0_i32 : i32, i32
  }
}

module attributes {stable_mosaic.version = 14 : i64} {
  func.func @_t4_body(%arg0: i32, %arg1: memref<1000x128xf32, #tpu.memory_space<vmem>>, %arg2: memref<2x1000x144xf32, #tpu.memory_space<vmem>>, %arg3: memref<1000x1xf32, #tpu.memory_space<vmem>>, %arg4: memref<1000x1xf32, #tpu.memory_space<vmem>>, %arg5: memref<1000x128xf32, #tpu.memory_space<vmem>>, %arg6: memref<16x16xf32, #tpu.memory_space<vmem>>, %arg7: memref<128x128xf32, #tpu.memory_space<vmem>>, %arg8: memref<144x128xf32, #tpu.memory_space<vmem>>, %arg9: memref<16x128xf32, #tpu.memory_space<vmem>>, %arg10: memref<1x128xf32, #tpu.memory_space<vmem>>, %arg11: memref<128x128xf32, #tpu.memory_space<vmem>>, %arg12: memref<1x128xf32, #tpu.memory_space<vmem>>, %arg13: memref<1000x128xf32, #tpu.memory_space<vmem>>, %arg14: memref<16x128xf32, #tpu.memory_space<vmem>>, %arg15: memref<16x128xf32, #tpu.memory_space<vmem>>, %arg16: memref<16x128xf32, #tpu.memory_space<vmem>>, %arg17: memref<16x128xf32, #tpu.memory_space<vmem>>) attributes {dimension_semantics = [#tpu.dimension_semantics<arbitrary>], iteration_bounds = array<i64: 10>, scalar_prefetch = 0 : i64, scratch_operands = 0 : i64, tpu.core_type = #tpu.core_type<tc>, window_params = [{transform_indices = @transform_0, window_bounds = array<i64: 1000, 128>}, {transform_indices = @transform_1, window_bounds = array<i64: 2, 1000, 144>}, {transform_indices = @transform_2, window_bounds = array<i64: 1000, 1>}, {transform_indices = @transform_3, window_bounds = array<i64: 1000, 1>}, {transform_indices = @transform_4, window_bounds = array<i64: 1000, 128>}, {pipeline_mode = #tpu.pipeline_mode<synchronous>, transform_indices = @transform_5, window_bounds = array<i64: 16, 16>}, {pipeline_mode = #tpu.pipeline_mode<synchronous>, transform_indices = @transform_6, window_bounds = array<i64: 128, 128>}, {pipeline_mode = #tpu.pipeline_mode<synchronous>, transform_indices = @transform_7, window_bounds = array<i64: 144, 128>}, {pipeline_mode = #tpu.pipeline_mode<synchronous>, transform_indices = @transform_8, window_bounds = array<i64: 16, 128>}, {pipeline_mode = #tpu.pipeline_mode<synchronous>, transform_indices = @transform_9, window_bounds = array<i64: 1, 128>}, {pipeline_mode = #tpu.pipeline_mode<synchronous>, transform_indices = @transform_10, window_bounds = array<i64: 128, 128>}, {pipeline_mode = #tpu.pipeline_mode<synchronous>, transform_indices = @transform_11, window_bounds = array<i64: 1, 128>}, {transform_indices = @transform_12, window_bounds = array<i64: 1000, 128>}, {pipeline_mode = #tpu.pipeline_mode<synchronous>, transform_indices = @transform_13, window_bounds = array<i64: 16, 128>}, {pipeline_mode = #tpu.pipeline_mode<synchronous>, transform_indices = @transform_14, window_bounds = array<i64: 16, 128>}, {pipeline_mode = #tpu.pipeline_mode<synchronous>, transform_indices = @transform_15, window_bounds = array<i64: 16, 128>}, {pipeline_mode = #tpu.pipeline_mode<synchronous>, transform_indices = @transform_16, window_bounds = array<i64: 16, 128>}]} {
    %get3A = arith.constant 0 : index
    %get3A_0 = arith.constant 0 : index
    %get3A_1 = arith.constant 0 : index
    %get3A_2 = vector.load %arg2[%get3A, %get3A_0, %get3A_1] : memref<2x1000x144xf32, #tpu.memory_space<vmem>>, vector<1x1000x144xf32>
    %get3A_3 = vector.shape_cast %get3A_2 : vector<1x1000x144xf32> to vector<1000x144xf32>
    %get3A_4 = arith.constant 1 : index
    %get3A_5 = arith.constant 0 : index
    %get3A_6 = arith.constant 0 : index
    %get3A_7 = vector.load %arg2[%get3A_4, %get3A_5, %get3A_6] : memref<2x1000x144xf32, #tpu.memory_space<vmem>>, vector<1x1000x144xf32>
    %get3A_8 = vector.shape_cast %get3A_7 : vector<1x1000x144xf32> to vector<1000x144xf32>
    %add3A = arith.addf %get3A_3, %get3A_8 : vector<1000x144xf32>
    %iota3A = tpu.iota {dimensions = array<i32: 1>} : vector<1x16xi32>
    %convert_element_type3A = arith.sitofp %iota3A : vector<1x16xi32> to vector<1x16xf32>
    %get3A_9 = arith.constant 0 : index
    %get3A_10 = arith.constant 0 : index
    %get3A_11 = vector.load %arg3[%get3A_9, %get3A_10] : memref<1000x1xf32, #tpu.memory_space<vmem>>, vector<1000x1xf32>
    %eq3A = vector.broadcast %get3A_11 : vector<1000x1xf32> to vector<1000x16xf32>
    %eq3A_12 = vector.broadcast %convert_element_type3A : vector<1x16xf32> to vector<1000x16xf32>
    %eq3A_13 = arith.cmpf oeq, %eq3A, %eq3A_12 : vector<1000x16xf32>
    %convert_element_type3A_14 = arith.extui %eq3A_13 : vector<1000x16xi1> to vector<1000x16xi32>
    %convert_element_type3A_15 = arith.sitofp %convert_element_type3A_14 : vector<1000x16xi32> to vector<1000x16xf32>
    %get3A_16 = arith.constant 0 : index
    %get3A_17 = arith.constant 0 : index
    %get3A_18 = vector.load %arg4[%get3A_16, %get3A_17] : memref<1000x1xf32, #tpu.memory_space<vmem>>, vector<1000x1xf32>
    %eq3A_19 = vector.broadcast %get3A_18 : vector<1000x1xf32> to vector<1000x16xf32>
    %eq3A_20 = vector.broadcast %convert_element_type3A : vector<1x16xf32> to vector<1000x16xf32>
    %eq3A_21 = arith.cmpf oeq, %eq3A_19, %eq3A_20 : vector<1000x16xf32>
    %convert_element_type3A_22 = arith.extui %eq3A_21 : vector<1000x16xi1> to vector<1000x16xi32>
    %convert_element_type3A_23 = arith.sitofp %convert_element_type3A_22 : vector<1000x16xi32> to vector<1000x16xf32>
    %get3A_24 = arith.constant 0 : index
    %get3A_25 = arith.constant 0 : index
    %get3A_26 = vector.load %arg6[%get3A_24, %get3A_25] : memref<16x16xf32, #tpu.memory_space<vmem>>, vector<16x16xf32>
    %dot_general3A = arith.constant dense<0.000000e+00> : vector<1000x16xf32>
    %dot_general3A_27 = tpu.matmul %convert_element_type3A_15, %get3A_26, %dot_general3A {dimension_numbers = #tpu.dot_dimension_numbers<[1], [0], [0], [1], [0, 0, 1, 1], [], []>, transpose_lhs_hint = false} : vector<1000x16xf32>, vector<16x16xf32>, vector<1000x16xf32> -> vector<1000x16xf32>
    %get3A_28 = arith.constant 0 : index
    %get3A_29 = arith.constant 0 : index
    %get3A_30 = vector.load %arg1[%get3A_28, %get3A_29] : memref<1000x128xf32, #tpu.memory_space<vmem>>, vector<1000x128xf32>
    %get3A_31 = arith.constant 0 : index
    %get3A_32 = arith.constant 0 : index
    %get3A_33 = vector.load %arg7[%get3A_31, %get3A_32] : memref<128x128xf32, #tpu.memory_space<vmem>>, vector<128x128xf32>
    %dot_general3A_34 = arith.constant dense<0.000000e+00> : vector<1000x128xf32>
    %dot_general3A_35 = tpu.matmul %get3A_30, %get3A_33, %dot_general3A_34 {dimension_numbers = #tpu.dot_dimension_numbers<[1], [0], [0], [1], [0, 0, 1, 1], [], []>, transpose_lhs_hint = false} : vector<1000x128xf32>, vector<128x128xf32>, vector<1000x128xf32> -> vector<1000x128xf32>
    %get3A_36 = arith.constant 0 : index
    %get3A_37 = arith.constant 0 : index
    %get3A_38 = vector.load %arg8[%get3A_36, %get3A_37] : memref<144x128xf32, #tpu.memory_space<vmem>>, vector<144x128xf32>
    %dot_general3A_39 = arith.constant dense<0.000000e+00> : vector<1000x128xf32>
    %dot_general3A_40 = tpu.matmul %add3A, %get3A_38, %dot_general3A_39 {dimension_numbers = #tpu.dot_dimension_numbers<[1], [0], [0], [1], [0, 0, 1, 1], [], []>, transpose_lhs_hint = false} : vector<1000x144xf32>, vector<144x128xf32>, vector<1000x128xf32> -> vector<1000x128xf32>
    %add3A_41 = arith.addf %dot_general3A_35, %dot_general3A_40 : vector<1000x128xf32>
    %get3A_42 = arith.constant 0 : index
    %get3A_43 = arith.constant 0 : index
    %get3A_44 = vector.load %arg9[%get3A_42, %get3A_43] : memref<16x128xf32, #tpu.memory_space<vmem>>, vector<16x128xf32>
    %dot_general3A_45 = arith.constant dense<0.000000e+00> : vector<1000x128xf32>
    %dot_general3A_46 = tpu.matmul %dot_general3A_27, %get3A_44, %dot_general3A_45 {dimension_numbers = #tpu.dot_dimension_numbers<[1], [0], [0], [1], [0, 0, 1, 1], [], []>, transpose_lhs_hint = false} : vector<1000x16xf32>, vector<16x128xf32>, vector<1000x128xf32> -> vector<1000x128xf32>
    %add3A_47 = arith.addf %add3A_41, %dot_general3A_46 : vector<1000x128xf32>
    %get3A_48 = arith.constant 0 : index
    %get3A_49 = arith.constant 0 : index
    %get3A_50 = vector.load %arg10[%get3A_48, %get3A_49] : memref<1x128xf32, #tpu.memory_space<vmem>>, vector<1x128xf32>
    %add3A_51 = vector.broadcast %get3A_50 : vector<1x128xf32> to vector<1000x128xf32>
    %add3A_52 = arith.addf %add3A_47, %add3A_51 : vector<1000x128xf32>
    %jit3A = arith.constant 1.000000e-01 : f32
    %ge3A = arith.constant 0.000000e+00 : f32
    %ge3A_53 = vector.broadcast %ge3A : f32 to vector<1000x128xf32>
    %ge3A_54 = arith.cmpf oge, %add3A_52, %ge3A_53 : vector<1000x128xf32>
    %mul3A = vector.broadcast %jit3A : f32 to vector<1000x128xf32>
    %mul3A_55 = arith.mulf %mul3A, %add3A_52 : vector<1000x128xf32>
    %select_n3A = arith.select %ge3A_54, %add3A_52, %mul3A_55 : vector<1000x128xi1>, vector<1000x128xf32>
    %get3A_56 = arith.constant 0 : index
    %get3A_57 = arith.constant 0 : index
    %get3A_58 = vector.load %arg11[%get3A_56, %get3A_57] : memref<128x128xf32, #tpu.memory_space<vmem>>, vector<128x128xf32>
    %dot_general3A_59 = arith.constant dense<0.000000e+00> : vector<1000x128xf32>
    %dot_general3A_60 = tpu.matmul %select_n3A, %get3A_58, %dot_general3A_59 {dimension_numbers = #tpu.dot_dimension_numbers<[1], [0], [0], [1], [0, 0, 1, 1], [], []>, transpose_lhs_hint = false} : vector<1000x128xf32>, vector<128x128xf32>, vector<1000x128xf32> -> vector<1000x128xf32>
    %get3A_61 = arith.constant 0 : index
    %get3A_62 = arith.constant 0 : index
    %get3A_63 = vector.load %arg12[%get3A_61, %get3A_62] : memref<1x128xf32, #tpu.memory_space<vmem>>, vector<1x128xf32>
    %add3A_64 = vector.broadcast %get3A_63 : vector<1x128xf32> to vector<1000x128xf32>
    %add3A_65 = arith.addf %dot_general3A_60, %add3A_64 : vector<1000x128xf32>
    %swap3A = arith.constant 0 : index
    %swap3A_66 = arith.constant 0 : index
    %swap3A_67 = vector.load %arg13[%swap3A, %swap3A_66] : memref<1000x128xf32, #tpu.memory_space<vmem>>, vector<1000x128xf32>
    tpu.vector_store %arg13[%swap3A, %swap3A_66], %add3A_65 {strides = array<i32>} : memref<1000x128xf32, #tpu.memory_space<vmem>>, vector<1000x128xf32>,
    %broadcast_in_dim3A = arith.constant 1.000000e+00 : f32
    %broadcast_in_dim3A_68 = vector.broadcast %broadcast_in_dim3A : f32 to vector<1000x128xf32>
    %get3A_69 = arith.constant 0 : index
    %get3A_70 = arith.constant 0 : index
    %get3A_71 = vector.load %arg5[%get3A_69, %get3A_70] : memref<1000x128xf32, #tpu.memory_space<vmem>>, vector<1000x128xf32>
    %dot_general3A_72 = arith.constant dense<0.000000e+00> : vector<16x128xf32>
    %dot_general3A_73 = tpu.matmul %convert_element_type3A_23, %get3A_71, %dot_general3A_72 {dimension_numbers = #tpu.dot_dimension_numbers<[0], [0], [1], [1], [0, 1, 1, 1], [], []>, transpose_lhs_hint = false} : vector<1000x16xf32>, vector<1000x128xf32>, vector<16x128xf32> -> vector<16x128xf32>
    %dot_general3A_74 = arith.constant dense<0.000000e+00> : vector<16x128xf32>
    %dot_general3A_75 = tpu.matmul %convert_element_type3A_15, %add3A_65, %dot_general3A_74 {dimension_numbers = #tpu.dot_dimension_numbers<[0], [0], [1], [1], [0, 1, 1, 1], [], []>, transpose_lhs_hint = false} : vector<1000x16xf32>, vector<1000x128xf32>, vector<16x128xf32> -> vector<16x128xf32>
    %dot_general3A_76 = arith.constant dense<0.000000e+00> : vector<16x128xf32>
    %dot_general3A_77 = tpu.matmul %convert_element_type3A_23, %broadcast_in_dim3A_68, %dot_general3A_76 {dimension_numbers = #tpu.dot_dimension_numbers<[0], [0], [1], [1], [0, 1, 1, 1], [], []>, transpose_lhs_hint = false} : vector<1000x16xf32>, vector<1000x128xf32>, vector<16x128xf32> -> vector<16x128xf32>
    %dot_general3A_78 = arith.constant dense<0.000000e+00> : vector<16x128xf32>
    %dot_general3A_79 = tpu.matmul %convert_element_type3A_15, %broadcast_in_dim3A_68, %dot_general3A_78 {dimension_numbers = #tpu.dot_dimension_numbers<[0], [0], [1], [1], [0, 1, 1, 1], [], []>, transpose_lhs_hint = false} : vector<1000x16xf32>, vector<1000x128xf32>, vector<16x128xf32> -> vector<16x128xf32>
    %eq3A_80 = arith.constant 0 : i32
    %eq3A_81 = arith.cmpi eq, %arg0, %eq3A_80 : i32
    %convert_element_type3A_82 = arith.extui %eq3A_81 : i1 to i32
    %cond3A = arith.constant 0 : i32
    %cond3A_83 = arith.cmpi ne, %convert_element_type3A_82, %cond3A : i32
    scf.if %cond3A_83 {
      %swap3A_88 = arith.constant 0 : index
      %swap3A_89 = arith.constant 0 : index
      %swap3A_90 = vector.load %arg14[%swap3A_88, %swap3A_89] : memref<16x128xf32, #tpu.memory_space<vmem>>, vector<16x128xf32>
      tpu.vector_store %arg14[%swap3A_88, %swap3A_89], %dot_general3A_73 {strides = array<i32>} : memref<16x128xf32, #tpu.memory_space<vmem>>, vector<16x128xf32>,
      %swap3A_91 = arith.constant 0 : index
      %swap3A_92 = arith.constant 0 : index
      %swap3A_93 = vector.load %arg16[%swap3A_91, %swap3A_92] : memref<16x128xf32, #tpu.memory_space<vmem>>, vector<16x128xf32>
      tpu.vector_store %arg16[%swap3A_91, %swap3A_92], %dot_general3A_75 {strides = array<i32>} : memref<16x128xf32, #tpu.memory_space<vmem>>, vector<16x128xf32>,
      %swap3A_94 = arith.constant 0 : index
      %swap3A_95 = arith.constant 0 : index
      %swap3A_96 = vector.load %arg15[%swap3A_94, %swap3A_95] : memref<16x128xf32, #tpu.memory_space<vmem>>, vector<16x128xf32>
      tpu.vector_store %arg15[%swap3A_94, %swap3A_95], %dot_general3A_77 {strides = array<i32>} : memref<16x128xf32, #tpu.memory_space<vmem>>, vector<16x128xf32>,
      %swap3A_97 = arith.constant 0 : index
      %swap3A_98 = arith.constant 0 : index
      %swap3A_99 = vector.load %arg17[%swap3A_97, %swap3A_98] : memref<16x128xf32, #tpu.memory_space<vmem>>, vector<16x128xf32>
      tpu.vector_store %arg17[%swap3A_97, %swap3A_98], %dot_general3A_79 {strides = array<i32>} : memref<16x128xf32, #tpu.memory_space<vmem>>, vector<16x128xf32>,
    } else {
    }
    %gt3A = arith.constant 0 : i32
    %gt3A_84 = arith.cmpi sgt, %arg0, %gt3A : i32
    %convert_element_type3A_85 = arith.extui %gt3A_84 : i1 to i32
    %cond3A_86 = arith.constant 0 : i32
    %cond3A_87 = arith.cmpi ne, %convert_element_type3A_85, %cond3A_86 : i32
    scf.if %cond3A_87 {
      %get3A_88 = arith.constant 0 : index
      %get3A_89 = arith.constant 0 : index
      %get3A_90 = vector.load %arg14[%get3A_88, %get3A_89] : memref<16x128xf32, #tpu.memory_space<vmem>>, vector<16x128xf32>
      %add3A_91 = arith.addf %get3A_90, %dot_general3A_73 : vector<16x128xf32>
      %swap3A_92 = arith.constant 0 : index
      %swap3A_93 = arith.constant 0 : index
      %swap3A_94 = vector.load %arg14[%swap3A_92, %swap3A_93] : memref<16x128xf32, #tpu.memory_space<vmem>>, vector<16x128xf32>
      tpu.vector_store %arg14[%swap3A_92, %swap3A_93], %add3A_91 {strides = array<i32>} : memref<16x128xf32, #tpu.memory_space<vmem>>, vector<16x128xf32>,
      %get3A_95 = arith.constant 0 : index
      %get3A_96 = arith.constant 0 : index
      %get3A_97 = vector.load %arg16[%get3A_95, %get3A_96] : memref<16x128xf32, #tpu.memory_space<vmem>>, vector<16x128xf32>
      %add3A_98 = arith.addf %get3A_97, %dot_general3A_75 : vector<16x128xf32>
      %swap3A_99 = arith.constant 0 : index
      %swap3A_100 = arith.constant 0 : index
      %swap3A_101 = vector.load %arg16[%swap3A_99, %swap3A_100] : memref<16x128xf32, #tpu.memory_space<vmem>>, vector<16x128xf32>
      tpu.vector_store %arg16[%swap3A_99, %swap3A_100], %add3A_98 {strides = array<i32>} : memref<16x128xf32, #tpu.memory_space<vmem>>, vector<16x128xf32>,
      %get3A_102 = arith.constant 0 : index
      %get3A_103 = arith.constant 0 : index
      %get3A_104 = vector.load %arg15[%get3A_102, %get3A_103] : memref<16x128xf32, #tpu.memory_space<vmem>>, vector<16x128xf32>
      %add3A_105 = arith.addf %get3A_104, %dot_general3A_77 : vector<16x128xf32>
      %swap3A_106 = arith.constant 0 : index
      %swap3A_107 = arith.constant 0 : index
      %swap3A_108 = vector.load %arg15[%swap3A_106, %swap3A_107] : memref<16x128xf32, #tpu.memory_space<vmem>>, vector<16x128xf32>
      tpu.vector_store %arg15[%swap3A_106, %swap3A_107], %add3A_105 {strides = array<i32>} : memref<16x128xf32, #tpu.memory_space<vmem>>, vector<16x128xf32>,
      %get3A_109 = arith.constant 0 : index
      %get3A_110 = arith.constant 0 : index
      %get3A_111 = vector.load %arg17[%get3A_109, %get3A_110] : memref<16x128xf32, #tpu.memory_space<vmem>>, vector<16x128xf32>
      %add3A_112 = arith.addf %get3A_111, %dot_general3A_79 : vector<16x128xf32>
      %swap3A_113 = arith.constant 0 : index
      %swap3A_114 = arith.constant 0 : index
      %swap3A_115 = vector.load %arg17[%swap3A_113, %swap3A_114] : memref<16x128xf32, #tpu.memory_space<vmem>>, vector<16x128xf32>
      tpu.vector_store %arg17[%swap3A_113, %swap3A_114], %add3A_112 {strides = array<i32>} : memref<16x128xf32, #tpu.memory_space<vmem>>, vector<16x128xf32>,
    } else {
    }
    return
  }
  func.func @transform_0(%arg0: i32) -> (i32, i32) {
    %c0_i32 = arith.constant 0 : i32
    %c0_i32_0 = arith.constant 0 : i32
    return %arg0, %c0_i32 : i32, i32
  }
  func.func @transform_1(%arg0: i32) -> (i32, i32, i32) {
    %c0_i32 = arith.constant 0 : i32
    %c0_i32_0 = arith.constant 0 : i32
    %c0_i32_1 = arith.constant 0 : i32
    return %c0_i32, %arg0, %c0_i32_0 : i32, i32, i32
  }
  func.func @transform_2(%arg0: i32) -> (i32, i32) {
    %c0_i32 = arith.constant 0 : i32
    %c0_i32_0 = arith.constant 0 : i32
    return %arg0, %c0_i32 : i32, i32
  }
  func.func @transform_3(%arg0: i32) -> (i32, i32) {
    %c0_i32 = arith.constant 0 : i32
    %c0_i32_0 = arith.constant 0 : i32
    return %arg0, %c0_i32 : i32, i32
  }
  func.func @transform_4(%arg0: i32) -> (i32, i32) {
    %c0_i32 = arith.constant 0 : i32
    %c0_i32_0 = arith.constant 0 : i32
    return %arg0, %c0_i32 : i32, i32
  }
  func.func @transform_5(%arg0: i32) -> (i32, i32) {
    %c0_i32 = arith.constant 0 : i32
    %c0_i32_0 = arith.constant 0 : i32
    %c0_i32_1 = arith.constant 0 : i32
    return %c0_i32, %c0_i32_0 : i32, i32
  }
  func.func @transform_6(%arg0: i32) -> (i32, i32) {
    %c0_i32 = arith.constant 0 : i32
    %c0_i32_0 = arith.constant 0 : i32
    %c0_i32_1 = arith.constant 0 : i32
    return %c0_i32, %c0_i32_0 : i32, i32
  }
  func.func @transform_7(%arg0: i32) -> (i32, i32) {
    %c0_i32 = arith.constant 0 : i32
    %c0_i32_0 = arith.constant 0 : i32
    %c0_i32_1 = arith.constant 0 : i32
    return %c0_i32, %c0_i32_0 : i32, i32
  }
  func.func @transform_8(%arg0: i32) -> (i32, i32) {
    %c0_i32 = arith.constant 0 : i32
    %c0_i32_0 = arith.constant 0 : i32
    %c0_i32_1 = arith.constant 0 : i32
    return %c0_i32, %c0_i32_0 : i32, i32
  }
  func.func @transform_9(%arg0: i32) -> (i32, i32) {
    %c0_i32 = arith.constant 0 : i32
    %c0_i32_0 = arith.constant 0 : i32
    %c0_i32_1 = arith.constant 0 : i32
    return %c0_i32, %c0_i32_0 : i32, i32
  }
  func.func @transform_10(%arg0: i32) -> (i32, i32) {
    %c0_i32 = arith.constant 0 : i32
    %c0_i32_0 = arith.constant 0 : i32
    %c0_i32_1 = arith.constant 0 : i32
    return %c0_i32, %c0_i32_0 : i32, i32
  }
  func.func @transform_11(%arg0: i32) -> (i32, i32) {
    %c0_i32 = arith.constant 0 : i32
    %c0_i32_0 = arith.constant 0 : i32
    %c0_i32_1 = arith.constant 0 : i32
    return %c0_i32, %c0_i32_0 : i32, i32
  }
  func.func @transform_12(%arg0: i32) -> (i32, i32) {
    %c0_i32 = arith.constant 0 : i32
    %c0_i32_0 = arith.constant 0 : i32
    return %arg0, %c0_i32 : i32, i32
  }
  func.func @transform_13(%arg0: i32) -> (i32, i32) {
    %c0_i32 = arith.constant 0 : i32
    %c0_i32_0 = arith.constant 0 : i32
    %c0_i32_1 = arith.constant 0 : i32
    return %c0_i32, %c0_i32_0 : i32, i32
  }
  func.func @transform_14(%arg0: i32) -> (i32, i32) {
    %c0_i32 = arith.constant 0 : i32
    %c0_i32_0 = arith.constant 0 : i32
    %c0_i32_1 = arith.constant 0 : i32
    return %c0_i32, %c0_i32_0 : i32, i32
  }
  func.func @transform_15(%arg0: i32) -> (i32, i32) {
    %c0_i32 = arith.constant 0 : i32
    %c0_i32_0 = arith.constant 0 : i32
    %c0_i32_1 = arith.constant 0 : i32
    return %c0_i32, %c0_i32_0 : i32, i32
  }
  func.func @transform_16(%arg0: i32) -> (i32, i32) {
    %c0_i32 = arith.constant 0 : i32
    %c0_i32_0 = arith.constant 0 : i32
    %c0_i32_1 = arith.constant 0 : i32
    return %c0_i32, %c0_i32_0 : i32, i32
  }
}

module attributes {stable_mosaic.version = 14 : i64} {
  func.func @_t5_body(%arg0: i32, %arg1: memref<16x16xf32, #tpu.memory_space<vmem>>, %arg2: memref<16x128xf32, #tpu.memory_space<vmem>>, %arg3: memref<16x128xf32, #tpu.memory_space<vmem>>, %arg4: memref<16x128xf32, #tpu.memory_space<vmem>>, %arg5: memref<16x128xf32, #tpu.memory_space<vmem>>, %arg6: memref<16x16xf32, #tpu.memory_space<vmem>>, %arg7: memref<128x16xf32, #tpu.memory_space<vmem>>, %arg8: memref<128x16xf32, #tpu.memory_space<vmem>>, %arg9: memref<1x16xf32, #tpu.memory_space<vmem>>, %arg10: memref<16x16xf32, #tpu.memory_space<vmem>>, %arg11: memref<1x16xf32, #tpu.memory_space<vmem>>, %arg12: memref<16x16xf32, #tpu.memory_space<vmem>>) attributes {dimension_semantics = [#tpu.dimension_semantics<arbitrary>], iteration_bounds = array<i64: 1>, scalar_prefetch = 0 : i64, scratch_operands = 0 : i64, tpu.core_type = #tpu.core_type<tc>, window_params = [{pipeline_mode = #tpu.pipeline_mode<synchronous>, transform_indices = @transform_0, window_bounds = array<i64: 16, 16>}, {pipeline_mode = #tpu.pipeline_mode<synchronous>, transform_indices = @transform_1, window_bounds = array<i64: 16, 128>}, {pipeline_mode = #tpu.pipeline_mode<synchronous>, transform_indices = @transform_2, window_bounds = array<i64: 16, 128>}, {pipeline_mode = #tpu.pipeline_mode<synchronous>, transform_indices = @transform_3, window_bounds = array<i64: 16, 128>}, {pipeline_mode = #tpu.pipeline_mode<synchronous>, transform_indices = @transform_4, window_bounds = array<i64: 16, 128>}, {pipeline_mode = #tpu.pipeline_mode<synchronous>, transform_indices = @transform_5, window_bounds = array<i64: 16, 16>}, {pipeline_mode = #tpu.pipeline_mode<synchronous>, transform_indices = @transform_6, window_bounds = array<i64: 128, 16>}, {pipeline_mode = #tpu.pipeline_mode<synchronous>, transform_indices = @transform_7, window_bounds = array<i64: 128, 16>}, {pipeline_mode = #tpu.pipeline_mode<synchronous>, transform_indices = @transform_8, window_bounds = array<i64: 1, 16>}, {pipeline_mode = #tpu.pipeline_mode<synchronous>, transform_indices = @transform_9, window_bounds = array<i64: 16, 16>}, {pipeline_mode = #tpu.pipeline_mode<synchronous>, transform_indices = @transform_10, window_bounds = array<i64: 1, 16>}, {pipeline_mode = #tpu.pipeline_mode<synchronous>, transform_indices = @transform_11, window_bounds = array<i64: 16, 16>}]} {
    %get3A = arith.constant 0 : index
    %get3A_0 = arith.constant 0 : index
    %get3A_1 = vector.load %arg2[%get3A, %get3A_0] : memref<16x128xf32, #tpu.memory_space<vmem>>, vector<16x128xf32>
    %get3A_2 = arith.constant 0 : index
    %get3A_3 = arith.constant 0 : index
    %get3A_4 = vector.load %arg3[%get3A_2, %get3A_3] : memref<16x128xf32, #tpu.memory_space<vmem>>, vector<16x128xf32>
    %max3A = arith.constant 1.000000e+00 : f32
    %max3A_5 = vector.broadcast %max3A : f32 to vector<16x128xf32>
    %max3A_6 = arith.maximumf %get3A_4, %max3A_5 : vector<16x128xf32>
    %div3A = arith.divf %get3A_1, %max3A_6 : vector<16x128xf32>
    %get3A_7 = arith.constant 0 : index
    %get3A_8 = arith.constant 0 : index
    %get3A_9 = vector.load %arg4[%get3A_7, %get3A_8] : memref<16x128xf32, #tpu.memory_space<vmem>>, vector<16x128xf32>
    %get3A_10 = arith.constant 0 : index
    %get3A_11 = arith.constant 0 : index
    %get3A_12 = vector.load %arg5[%get3A_10, %get3A_11] : memref<16x128xf32, #tpu.memory_space<vmem>>, vector<16x128xf32>
    %max3A_13 = arith.constant 1.000000e+00 : f32
    %max3A_14 = vector.broadcast %max3A_13 : f32 to vector<16x128xf32>
    %max3A_15 = arith.maximumf %get3A_12, %max3A_14 : vector<16x128xf32>
    %div3A_16 = arith.divf %get3A_9, %max3A_15 : vector<16x128xf32>
    %get3A_17 = arith.constant 0 : index
    %get3A_18 = arith.constant 0 : index
    %get3A_19 = vector.load %arg1[%get3A_17, %get3A_18] : memref<16x16xf32, #tpu.memory_space<vmem>>, vector<16x16xf32>
    %get3A_20 = arith.constant 0 : index
    %get3A_21 = arith.constant 0 : index
    %get3A_22 = vector.load %arg6[%get3A_20, %get3A_21] : memref<16x16xf32, #tpu.memory_space<vmem>>, vector<16x16xf32>
    %dot_general3A = arith.constant dense<0.000000e+00> : vector<16x16xf32>
    %dot_general3A_23 = tpu.matmul %get3A_19, %get3A_22, %dot_general3A {dimension_numbers = #tpu.dot_dimension_numbers<[1], [0], [0], [1], [0, 0, 1, 1], [], []>, transpose_lhs_hint = false} : vector<16x16xf32>, vector<16x16xf32>, vector<16x16xf32> -> vector<16x16xf32>
    %get3A_24 = arith.constant 0 : index
    %get3A_25 = arith.constant 0 : index
    %get3A_26 = vector.load %arg7[%get3A_24, %get3A_25] : memref<128x16xf32, #tpu.memory_space<vmem>>, vector<128x16xf32>
    %dot_general3A_27 = arith.constant dense<0.000000e+00> : vector<16x16xf32>
    %dot_general3A_28 = tpu.matmul %div3A, %get3A_26, %dot_general3A_27 {dimension_numbers = #tpu.dot_dimension_numbers<[1], [0], [0], [1], [0, 0, 1, 1], [], []>, transpose_lhs_hint = false} : vector<16x128xf32>, vector<128x16xf32>, vector<16x16xf32> -> vector<16x16xf32>
    %add3A = arith.addf %dot_general3A_23, %dot_general3A_28 : vector<16x16xf32>
    %get3A_29 = arith.constant 0 : index
    %get3A_30 = arith.constant 0 : index
    %get3A_31 = vector.load %arg8[%get3A_29, %get3A_30] : memref<128x16xf32, #tpu.memory_space<vmem>>, vector<128x16xf32>
    %dot_general3A_32 = arith.constant dense<0.000000e+00> : vector<16x16xf32>
    %dot_general3A_33 = tpu.matmul %div3A_16, %get3A_31, %dot_general3A_32 {dimension_numbers = #tpu.dot_dimension_numbers<[1], [0], [0], [1], [0, 0, 1, 1], [], []>, transpose_lhs_hint = false} : vector<16x128xf32>, vector<128x16xf32>, vector<16x16xf32> -> vector<16x16xf32>
    %add3A_34 = arith.addf %add3A, %dot_general3A_33 : vector<16x16xf32>
    %get3A_35 = arith.constant 0 : index
    %get3A_36 = arith.constant 0 : index
    %get3A_37 = vector.load %arg9[%get3A_35, %get3A_36] : memref<1x16xf32, #tpu.memory_space<vmem>>, vector<1x16xf32>
    %add3A_38 = vector.broadcast %get3A_37 : vector<1x16xf32> to vector<16x16xf32>
    %add3A_39 = arith.addf %add3A_34, %add3A_38 : vector<16x16xf32>
    %jit3A = arith.constant 1.000000e-01 : f32
    %ge3A = arith.constant 0.000000e+00 : f32
    %ge3A_40 = vector.broadcast %ge3A : f32 to vector<16x16xf32>
    %ge3A_41 = arith.cmpf oge, %add3A_39, %ge3A_40 : vector<16x16xf32>
    %mul3A = vector.broadcast %jit3A : f32 to vector<16x16xf32>
    %mul3A_42 = arith.mulf %mul3A, %add3A_39 : vector<16x16xf32>
    %select_n3A = arith.select %ge3A_41, %add3A_39, %mul3A_42 : vector<16x16xi1>, vector<16x16xf32>
    %get3A_43 = arith.constant 0 : index
    %get3A_44 = arith.constant 0 : index
    %get3A_45 = vector.load %arg10[%get3A_43, %get3A_44] : memref<16x16xf32, #tpu.memory_space<vmem>>, vector<16x16xf32>
    %dot_general3A_46 = arith.constant dense<0.000000e+00> : vector<16x16xf32>
    %dot_general3A_47 = tpu.matmul %select_n3A, %get3A_45, %dot_general3A_46 {dimension_numbers = #tpu.dot_dimension_numbers<[1], [0], [0], [1], [0, 0, 1, 1], [], []>, transpose_lhs_hint = false} : vector<16x16xf32>, vector<16x16xf32>, vector<16x16xf32> -> vector<16x16xf32>
    %get3A_48 = arith.constant 0 : index
    %get3A_49 = arith.constant 0 : index
    %get3A_50 = vector.load %arg11[%get3A_48, %get3A_49] : memref<1x16xf32, #tpu.memory_space<vmem>>, vector<1x16xf32>
    %add3A_51 = vector.broadcast %get3A_50 : vector<1x16xf32> to vector<16x16xf32>
    %add3A_52 = arith.addf %dot_general3A_47, %add3A_51 : vector<16x16xf32>
    %swap3A = arith.constant 0 : index
    %swap3A_53 = arith.constant 0 : index
    %swap3A_54 = vector.load %arg12[%swap3A, %swap3A_53] : memref<16x16xf32, #tpu.memory_space<vmem>>, vector<16x16xf32>
    tpu.vector_store %arg12[%swap3A, %swap3A_53], %add3A_52 {strides = array<i32>} : memref<16x16xf32, #tpu.memory_space<vmem>>, vector<16x16xf32>,
    return
  }
  func.func @transform_0(%arg0: i32) -> (i32, i32) {
    %c0_i32 = arith.constant 0 : i32
    %c0_i32_0 = arith.constant 0 : i32
    %c0_i32_1 = arith.constant 0 : i32
    return %c0_i32, %c0_i32_0 : i32, i32
  }
  func.func @transform_1(%arg0: i32) -> (i32, i32) {
    %c0_i32 = arith.constant 0 : i32
    %c0_i32_0 = arith.constant 0 : i32
    %c0_i32_1 = arith.constant 0 : i32
    return %c0_i32, %c0_i32_0 : i32, i32
  }
  func.func @transform_2(%arg0: i32) -> (i32, i32) {
    %c0_i32 = arith.constant 0 : i32
    %c0_i32_0 = arith.constant 0 : i32
    %c0_i32_1 = arith.constant 0 : i32
    return %c0_i32, %c0_i32_0 : i32, i32
  }
  func.func @transform_3(%arg0: i32) -> (i32, i32) {
    %c0_i32 = arith.constant 0 : i32
    %c0_i32_0 = arith.constant 0 : i32
    %c0_i32_1 = arith.constant 0 : i32
    return %c0_i32, %c0_i32_0 : i32, i32
  }
  func.func @transform_4(%arg0: i32) -> (i32, i32) {
    %c0_i32 = arith.constant 0 : i32
    %c0_i32_0 = arith.constant 0 : i32
    %c0_i32_1 = arith.constant 0 : i32
    return %c0_i32, %c0_i32_0 : i32, i32
  }
  func.func @transform_5(%arg0: i32) -> (i32, i32) {
    %c0_i32 = arith.constant 0 : i32
    %c0_i32_0 = arith.constant 0 : i32
    %c0_i32_1 = arith.constant 0 : i32
    return %c0_i32, %c0_i32_0 : i32, i32
  }
  func.func @transform_6(%arg0: i32) -> (i32, i32) {
    %c0_i32 = arith.constant 0 : i32
    %c0_i32_0 = arith.constant 0 : i32
    %c0_i32_1 = arith.constant 0 : i32
    return %c0_i32, %c0_i32_0 : i32, i32
  }
  func.func @transform_7(%arg0: i32) -> (i32, i32) {
    %c0_i32 = arith.constant 0 : i32
    %c0_i32_0 = arith.constant 0 : i32
    %c0_i32_1 = arith.constant 0 : i32
    return %c0_i32, %c0_i32_0 : i32, i32
  }
  func.func @transform_8(%arg0: i32) -> (i32, i32) {
    %c0_i32 = arith.constant 0 : i32
    %c0_i32_0 = arith.constant 0 : i32
    %c0_i32_1 = arith.constant 0 : i32
    return %c0_i32, %c0_i32_0 : i32, i32
  }
  func.func @transform_9(%arg0: i32) -> (i32, i32) {
    %c0_i32 = arith.constant 0 : i32
    %c0_i32_0 = arith.constant 0 : i32
    %c0_i32_1 = arith.constant 0 : i32
    return %c0_i32, %c0_i32_0 : i32, i32
  }
  func.func @transform_10(%arg0: i32) -> (i32, i32) {
    %c0_i32 = arith.constant 0 : i32
    %c0_i32_0 = arith.constant 0 : i32
    %c0_i32_1 = arith.constant 0 : i32
    return %c0_i32, %c0_i32_0 : i32, i32
  }
  func.func @transform_11(%arg0: i32) -> (i32, i32) {
    %c0_i32 = arith.constant 0 : i32
    %c0_i32_0 = arith.constant 0 : i32
    %c0_i32_1 = arith.constant 0 : i32
    return %c0_i32, %c0_i32_0 : i32, i32
  }
}

</mosaic_0001>

<sc_bundles>
// kernel: kernel.11.cloned.1.call-start
scs
__scs_entry_jumppad:
0x0: {  	(pc) =	sbr.rel $0x88, $3  }
0x1: {  	(tag) =	ssettag $0x0;
	lr =	simm.s32 $0x1  }
0x2: {  	[smem:$0x3F81] =	sst lr;
	_ =	strace $0xD0000000  }
0x3: {  	_ = 	snop  }
0x4: {  	_ = 	snop  }
0x5: {  	_ = 	snop  }
0x6: {  	_ = 	snop  }
0x7: {  	_ = 	snop  }
__scs_overlays_trampoline_lowered:
0x8: {  	[smem:$0x3F90] =	sst s0  }
0x9: {  	[smem:$0x3F91] =	sst s1  }
0xa: {  	[smem:$0x3F92] =	sst s2  }
0xb: {  	[smem:$0x3F93] =	sst s3  }
0xc: {  	[smem:$0x3F94] =	sst s4  }
0xd: {  	[smem:$0x3F95] =	sst s5  }
0xe: {  	[smem:$0x3F96] =	sst s6  }
0xf: {  	[smem:$0x3F97] =	sst s7  }
0x10: {  	[smem:$0x3F98] =	sst s8  }
0x11: {  	[smem:$0x3F99] =	sst s9;
	s0 =	simm.s32 @!p0 $0x0  }
0x12: {  	s1 =	sld [smem:$0x3F7F];
	s0 =	simm.s32 @p0 $0x1  }
0x13: {  	[smem:$0x3F9A] =	sst s0;
	s0 =	simm.s32 @!p1 $0x0  }
0x14: {  	s2 =	sld [smem:$0x3F7E];
	s0 =	simm.s32 @p1 $0x1  }
0x15: {  	[smem:$0x3F9B] =	sst s0;
	s0 =	simm.s32 @!p2 $0x0  }
0x16: {  	s3 =	sld [smem:$0x3FDB];
	s0 =	simm.s32 @p2 $0x1  }
0x17: {  	s4 =	simm.s32 $0x1BF5;
	[smem:$0x3F9D] =	sst s0  }
0x18: {  	s0 =	sld [smem:$0x3F80];
	_ =	swait.ge [sflag:s4], $0x0  }
0x19: {  	s7 =	sld [smem:$0x3F81]  }
0x1a: {  	s8 =	sadd.s32 $0xFFFFE003, lr  }
0x1b: {  	s9 =	sadd.s32 $0xFFFFFEF7, lr;
	s5 =	simm.s32 $0xFFFFFFFF;
	p2 =	slt.u32 s8, $0xFFFFF086  }
0x1c: {  	p1 =	slt.u32 s9, $0xF7A;
	s5 =	simm.s32 @!p2 $0x0  }
0x1d: {  	s5 =	simm.s32 @p1 $0x1;
	p0 =	seq.s32 s7, s2  }
0x1e: {  	s7 =	smul.u32 @!p0 $0xF7A, s2;
	p2 =	seq.s32 @!p0 s5, $0x0  }
0x1f: {  	s9 =	smul.u32 $0xF7A, s1;
	s8 =	simm.s32 @!p0 $0x1BF5;
	p2 =	por !p2, p0  }
0x20: {  	[sflag:s8] =	ssyncset.s32 @!p0 $0xFFFFF086;
	s6 =	sadd.s32 @!p0 s3, s7;
	s7 =	simm.s32 @!p0 $0x108  }
0x21: {  	s3 =	sadd.s32 s3, s9;
	s6 =	sadd.s32 @!p0 $0x88, s6;
	s7 =	simm.s32 @p2 $0x1082  }
0x22: {  	[simem:s7], [sflag:s8] =	dma.local @!p0 [hbm:s6], $0xF7A  }
0x23: {  	s9 =	sor.u32 $0xD0000000, s2;
	s6 =	simm.s32 $0x108;
	_ =	swait.ge @!p0 [sflag:s8], $0x0  }
0x24: {  	s3 =	sadd.s32 $0x88, s3;
	s6 =	simm.s32 @!p1 $0x1082;
	[sflag:s4] =	ssyncset.s32 $0xFFFFF086  }
0x25: {  	[simem:s6], [sflag:s4] =	dma.local [hbm:s3], $0xF7A  }
0x26: {  	[smem:$0x3F81] =	sst s1;
	(tag) =	ssettag s2;
	_ =	strace s9  }
0x27: {  	s1 =	sld [smem:$0x3F91]  }
0x28: {  	s2 =	sld [smem:$0x3F92]  }
0x29: {  	s4 =	sld [smem:$0x3F94]  }
0x2a: {  	p0 =	seq.s32 s5, $0x0;
	s5 =	sld [smem:$0x3F95]  }
0x2b: {  	s6 =	sld [smem:$0x3F96]  }
0x2c: {  	s7 =	sld [smem:$0x3F97]  }
0x2d: {  	s3 =	simm.s32 $0x108;
	s8 =	sld [smem:$0x3F98]  }
0x2e: {  	s3 =	simm.s32 @!p0 $0x1082;
	s9 =	sld [smem:$0x3F99]  }
0x2f: {  	lr =	sadd.s32 s0, s3;
	s0 =	sld [smem:$0x3F90]  }
0x30: {  	s3 =	sld [smem:$0x3F93]  }
0x31: {  	[smem:$0x3F9C] =	sst s10  }
0x32: {  	s10 =	sld [smem:$0x3F9A];
	_ =	sdelay $0x3  }
0x33: {  	p0 =	seq.s32 s10, $0x1;
	s10 =	sld [smem:$0x3F9C];
	_ =	sdelay $0x3  }
0x34: {  	[smem:$0x3F9C] =	sst s10  }
0x35: {  	s10 =	sld [smem:$0x3F9B];
	_ =	sdelay $0x3  }
0x36: {  	p1 =	seq.s32 s10, $0x1;
	s10 =	sld [smem:$0x3F9C];
	_ =	sdelay $0x3  }
0x37: {  	[smem:$0x3F9C] =	sst s10  }
0x38: {  	s10 =	sld [smem:$0x3F9D]  }
0x39: {  	_ = 	snop;
	(pc) =	sbr.ind lr, $3  }
0x3a: {  	_ = 	snop  }
0x3b: {  	_ = 	snop  }
0x3c: {  	p2 =	seq.s32 s10, $0x1;
	s10 =	sld [smem:$0x3F9C]  }
0x3d: {  	_ =	shalt  }
0x3e: {  	_ =	shalt  }
0x3f: {  	_ =	shalt  }
0x40: {  	_ =	shalt  }
0x41: {  	_ =	shalt  }
0x42: {  	_ =	shalt  }
0x43: {  	_ =	shalt  }
0x44: {  	_ =	shalt  }
0x45: {  	_ =	shalt  }
0x46: {  	_ =	shalt  }
0x47: {  	_ =	shalt  }
0x48: {  	_ =	shalt  }
0x49: {  	_ =	shalt  }
0x4a: {  	_ =	shalt  }
0x4b: {  	_ =	shalt  }
0x4c: {  	_ =	shalt  }
0x4d: {  	_ =	shalt  }
0x4e: {  	_ =	shalt  }
0x4f: {  	_ =	shalt  }
0x50: {  	_ =	shalt  }
0x51: {  	_ =	shalt  }
0x52: {  	_ =	shalt  }
0x53: {  	_ =	shalt  }
0x54: {  	_ =	shalt  }
0x55: {  	_ =	shalt  }
0x56: {  	_ =	shalt  }
0x57: {  	_ =	shalt  }
0x58: {  	_ =	shalt  }
0x59: {  	_ =	shalt  }
0x5a: {  	_ =	shalt  }
0x5b: {  	_ =	shalt  }
0x5c: {  	_ =	shalt  }
0x5d: {  	_ =	shalt  }
0x5e: {  	_ =	shalt  }
0x5f: {  	_ =	shalt  }
0x60: {  	_ =	shalt  }
0x61: {  	_ =	shalt  }
0x62: {  	_ =	shalt  }
0x63: {  	_ =	shalt  }
0x64: {  	_ =	shalt  }
0x65: {  	_ =	shalt  }
0x66: {  	_ =	shalt  }
0x67: {  	_ =	shalt  }
0x68: {  	_ =	shalt  }
0x69: {  	_ =	shalt  }
0x6a: {  	_ =	shalt  }
0x6b: {  	_ =	shalt  }
0x6c: {  	_ =	shalt  }
0x6d: {  	_ =	shalt  }
0x6e: {  	_ =	shalt  }
0x6f: {  	_ =	shalt  }
0x70: {  	_ =	shalt  }
0x71: {  	_ =	shalt  }
0x72: {  	_ =	shalt  }
0x73: {  	_ =	shalt  }
0x74: {  	_ =	shalt  }
0x75: {  	_ =	shalt  }
0x76: {  	_ =	shalt  }
0x77: {  	_ =	shalt  }
0x78: {  	_ =	shalt  }
0x79: {  	_ =	shalt  }
0x7a: {  	_ =	shalt  }
0x7b: {  	_ =	shalt  }
0x7c: {  	_ =	shalt  }
0x7d: {  	_ =	shalt  }
0x7e: {  	_ =	shalt  }
0x7f: {  	_ =	shalt  }
0x80: {  	_ =	shalt  }
0x81: {  	_ =	shalt  }
0x82: {  	_ =	shalt  }
0x83: {  	_ =	shalt  }
0x84: {  	_ =	shalt  }
0x85: {  	_ =	shalt  }
0x86: {  	_ =	shalt  }
0x87: {  	_ =	shalt  }
.Lfunc_end0:
.L_simem_size_0:
called_computation_lowered:
.L_overlay_start_0:
0x88: {  	s2 =	sld [smem:$0x3FD9]  }
0x89: {  	s3 =	sld [smem:$0x3FFE];
	_ =	sdelay $0x1  }
0x8a: {  	s1 =	srdreg.scid  }
0x8b: {  	s0 =	sand.u32 $0x1, s1  }
0x8c: {  	s17 =	sshll.u32 s0, $0xA;
	s2 =	sadd.s32 s3, s2  }
0x8d: {  	s2 =	sadd.s32 s2, s17  }
0x8e: {  	[smem:$0x3FA8] =	sst s2  }
0x8f: {  	_ = 	snop  }
0x90: {  	s2 =	sld [smem:$0x3FC9]  }
0x91: {  	s18 =	sld [smem:$0x3FC8];
	(tm) =	ssettm $0x1  }
0x92: {  	s4 =	sld [smem:$0x3FFB];
	_ =	sdelay $0x3  }
0x93: {  	_ =	strace s4  }
0x94: {  	s4 =	sld [smem:$0x3FFC];
	_ =	sdelay $0x3  }
0x95: {  	_ =	strace s4  }
0x96: {  	s4 =	sld [smem:$0x3FFD];
	_ =	sdelay $0x3  }
0x97: {  	_ =	strace s4  }
0x98: {  	_ =	strace $0x8FFFFFFF  }
0x99: {  	s19 =	sld [smem:$0x3FDB];
	_ =	sdelay $0x1  }
0x9a: {  	s5 =	simm.s32 $_scs_section_size  }
0x9b: {  	s6 =	simm.s32 $_size__tile_overlayer_lowered;
	s7 =	simm.s32 $_tile_overlayer_lowered  }
0x9c: {  	s22 =	simm.s32 $0x1BFF;
	s21 =	sshll.u32 s7, $0x1;
	s4 =	sadd.s32 s5, s19  }
0x9d: {  	s8 =	simm.s32 $0x0;
	s20 =	sshll.u32 s6, $0x1;
	s6 =	sadd.s32 s21, s4  }
0x9e: {  	[timem:s8], [sflag:s22] =	dma.local [hbm:s6], s20  }
0x9f: {  	_ =	swait.ge [sflag:s22], s20  }
0xa0: {  	s5 =	ssub.s32 $0x0, s20;
	[sflag:s22] =	ssyncset.done $0x0  }
0xa1: {  	[sflag:s22] =	ssyncadd.s32 s5;
	_ =	sdelay $0x1  }
0xa2: {  	s23 =	simm.s32 $0x1B8B  }
0xa3: {  	_ =	swait.ge [sflag:s23], $0x1  }
0xa4: {  	[sflag:s23] =	ssyncset.done $0x0  }
0xa5: {  	s25 =	simm.s32 $0x1B8E;
	s24 =	sld [smem:$0x3FFE];
	[sflag:s23] =	ssyncadd.s32 $0xFFFFFFFF  }
0xa6: {  	s26 =	simm.s32 $execute0_lowered;
	[smem:$0x3FD2] =	sst s25  }
0xa7: {  	s6 =	sshll.u32 s26, $0x1;
	_ =	strace $0x80000046;
	[dreg:$0x1] =	wrdreg $0xFFFFFFFF  }
0xa8: {  	s28 =	simm.s32 $_size_execute0_lowered;
	s4 =	sadd.s32 s4, s6;
	[dreg:$0x0] =	wrdreg $0x0  }
0xa9: {  	s6 =	sshll.u32 s28, $0x1;
	[dreg:$0x2] =	wrdreg s4  }
0xaa: {  	[dreg:$0x3] =	wrdreg s6  }
0xab: {  	[dreg:$0x4] =	wrdreg $0xC0  }
0xac: {  	_ =	task [dreg:s8], $0x5FFFF  }
0xad: {  	[dreg:$0x1] =	wrdreg $0xFFFFFFFF  }
0xae: {  	[dreg:$0x0] =	wrdreg $0x60  }
0xaf: {  	[dreg:$0x2] =	wrdreg s2  }
0xb0: {  	[dreg:$0x3] =	wrdreg s24  }
0xb1: {  	[dreg:$0x4] =	wrdreg s18  }
0xb2: {  	[dreg:$0x5] =	wrdreg $0x9  }
0xb3: {  	_ =	task.clear_ibuf [dreg:s8], $0x6FFFF;
	_ =	strace $0x90000046  }
0xb4: {  	s29 =	simm.s32 $0x9;
	_ =	strace $0x80000048  }
0xb5: {  	_ =	swait.ge [sflag:s29], $0x1  }
0xb6: {  	[sflag:s29] =	ssyncadd.s32 $0xFFFFFFFF  }
0xb7: {  	_ =	strace $0x90000048  }
0xb8: {  	_ =	sfence  }
0xb9: {  	s30 =	sld [smem:$0x0];
	_ =	sdelay $0x2  }
0xba: {  	s31 =	sshll.u32 s1, $0xD;
	s1 =	sshrl.u32 s1, $0x2  }
0xbb: {  	s3 =	sand.u32 $0x4000, s31;
	s1 =	sadd.s32 s1, s30  }
0xbc: {  	s0 =	sor.u32 s3, s0;
	s1 =	sshll.u32 s1, $0x11  }
0xbd: {  	s0 =	sor.u32 s1, s0  }
0xbe: {  	s0 =	sadd.s32 $0x8F2B, s0  }
0xbf: {  	[sflag:s0] =	ssyncadd.remote.s32 $0x1  }
0xc0: {  	_ =	sfence.sel $0xFFFF  }
0xc1: {  	[dreg:$0x0] =	wrdreg $0xFFFFFFFF;
	(pc) =	sbr.abs _section_cstart, $3  }
0xc2: {  	[dreg:$0x1] =	wrdreg $0xFFFFFFFF  }
0xc3: {  	_ =	task.clear_ibuf [dreg:s8], $0x2FFFF;
	_ =	strace $0x9FFFFFFF  }
0xc4: {  	(tm) =	ssettm $0x7FFFFFFF  }
0xc5: {  	_ =	shalt  }
tec
execute0_lowered:
.L_overlay_start_1:
0x0: {  	(tag) =	ssettag $0x1  }
0x1: {  	s1 =	rddreg [dreg:$0x0]  }
0x2: {  	s5 =	rddreg [dreg:$0x1]  }
0x3: {  	s2 =	rddreg [dreg:$0x2]  }
0x4: {  	s0 =	rddreg [dreg:$0x3];
	s4 =	simm.s32 $0x0;
	s6 =	srdreg.scid  }
0x5: {  	s3 =	stileid.u32;
	[smem:$0x7FF] =	sst s4;
	s6 =	sand.u32 $0x1, s6  }
0x6: {  	s7 =	sshll.u32 s3, $0x5;
	s9 =	sshll.u32 s3, $0xC;
	_ =	strace $0x80000047  }
0x7: {  	s8 =	ssub.s32 $0x2, s6;
	s7 =	sadd.s32 s7, s5;
	s9 =	sadd.s32 s9, s5  }
0x8: {  	s31 =	sshll.u32 s6, $0x4;
	s11 =	sshll.u32 s6, $0xB;
	s10 =	sshrl.u32 s8, $0x1  }
0x9: {  	s5 =	sshll.u32 s3, $0x1;
	s11 =	sadd.s32 s11, s9;
	s8 =	ssub.s32 s8, s10  }
0xa: {  	s10 =	sadd.s32 s31, s7;
	s9 =	sadd.s32 $0x284200, s11;
	s6 =	smax.u32 s8, $0x1  }
0xb: {  	s7 =	sadd.s32 $0xE200, s10;
	s8 =	sadd.s32 $0x9200, s10;
	s10 =	sadd.s32 $0x13200, s11  }
.LBB2_1:
0xc: {  	p0 =	sgt.u32 s5, $0x4E1  }
0xd: {  	s11 =	sadd.s32 @!p0 $0x0, s8;
	s13 =	simm.s32 @!p0 $0x0;
	s12 =	simm.s32 @!p0 $0x3  }
0xe: {  	[tilespmem:s13], [sflag:$0x3] =	stream.linear.gather @!p0 [hbm4b:s11+s13], $0x80, $0x38;
	[tilespmem:$0x8100] =	vst v63  }
0xf: {  	_ =	swait.ge @!p0 [sflag:s12], $0x80;
	p0 =	por p0, p0  }
0x10: {  	[sflag:s12] =	ssyncset.done @!p0 $0x0  }
0x11: {  	s11 =	simm.s32 @!p0 $0x80;
	s15 =	simm.s32 @!p0 $0x1;
	[sflag:s12] =	ssyncadd.s32 @!p0 $0xFFFFFF80  }
0x12: {  	[tilespmem:s11], [sflag:$0x1] =	stream.indirect.gather @!p0 [hbm4b:s1+s11], $0x80, s13, s11, $0xb8;
	[tilespmem:$0x8100] =	vst v63  }
0x13: {  	_ =	swait.ge @!p0 [sflag:s15], $0x4000  }
0x14: {  	[sflag:s15] =	ssyncset.done @!p0 $0x0  }
0x15: {  	[sflag:s15] =	ssyncadd.s32 @!p0 $0xFFFFC000  }
0x16: {  	[hbm4b:s10+s13] =	stream.linear.scatter @!p0 [tilespmem:s11], [sflag:$0x3], $0x4000, $0x38;
	[tilespmem:$0x8100] =	vst v63  }
0x17: {  	_ =	swait.ge @!p0 [sflag:s12], $0x4000  }
0x18: {  	[sflag:s12] =	ssyncset.done @!p0 $0x0  }
0x19: {  	s14 =	sadd.s32 @!p0 $0x0, s7;
	s16 =	simm.s32 @!p0 $0x4080;
	[sflag:s12] =	ssyncadd.s32 @!p0 $0xFFFFC000  }
0x1a: {  	[tilespmem:s16], [sflag:$0x3] =	stream.linear.gather @!p0 [hbm4b:s14+s13], $0x80, $0x38;
	[tilespmem:$0x8100] =	vst v63  }
0x1b: {  	_ =	swait.ge @!p0 [sflag:s12], $0x80  }
0x1c: {  	[sflag:s12] =	ssyncset.done @!p0 $0x0  }
0x1d: {  	s17 =	simm.s32 @!p0 $0x4100;
	[sflag:s12] =	ssyncadd.s32 @!p0 $0xFFFFFF80  }
0x1e: {  	[tilespmem:s17], [sflag:$0x1] =	stream.indirect.gather @!p0 [hbm4b:s2+s11], $0x80, s16, s11, $0xb8;
	[tilespmem:$0x8100] =	vst v63  }
0x1f: {  	s14 =	simm.s32 $0x400;
	_ =	swait.ge @!p0 [sflag:s15], $0x4000  }
0x20: {  	s12 =	simm.s32 $0x200;
	s16 =	simm.s32 @!p0 $0x2;
	[sflag:s15] =	ssyncset.done @!p0 $0x0  }
0x21: {  	s11 =	sadd.s32 $0x10000, s9;
	[sflag:s15] =	ssyncadd.s32 @!p0 $0xFFFFC000;
	s15 =	sadd.s32 $0x20, s5  }
0x22: {  	[hbm4b:s9+s13] =	stream.linear.scatter @!p0 [tilespmem:s17], [sflag:$0x2], $0x4000, $0x38;
	[tilespmem:$0x8100] =	vst v63  }
0x23: {  	s13 =	sadd.s32 $0x10000, s10;
	p2 =	sgt.u32 s15, $0x4E1;
	_ =	swait.ge @!p0 [sflag:s16], $0x4000  }
.LBB2_2:
0x24: {  	s17 =	sadd.s32 @!p2 s12, s8  }
0x25: {  	s18 =	simm.s32 @!p2 $0x0;
	[sflag:s16] =	ssyncset.done @!p0 $0x0;
	s19 =	smov.u32 s14  }
0x26: {  	s14 =	sadd.s32 $0x200, s14;
	s20 =	simm.s32 @!p2 $0x3;
	[sflag:s16] =	ssyncadd.s32 @!p0 $0xFFFFC000  }
0x27: {  	[tilespmem:s18], [sflag:$0x3] =	stream.linear.gather @!p2 [hbm4b:s17+s18], $0x80, $0x38;
	[tilespmem:$0x8100] =	vst v63  }
0x28: {  	p1 =	sne.s32 s14, $0x5000;
	p0 =	por p2, p2;
	_ =	swait.ge @!p2 [sflag:s20], $0x80  }
0x29: {  	[sflag:s20] =	ssyncset.done @!p0 $0x0  }
0x2a: {  	s16 =	simm.s32 @!p0 $0x80;
	s17 =	simm.s32 @!p0 $0x1;
	[sflag:s20] =	ssyncadd.s32 @!p0 $0xFFFFFF80  }
0x2b: {  	[tilespmem:s16], [sflag:$0x1] =	stream.indirect.gather @!p0 [hbm4b:s1+s16], $0x80, s18, s16, $0xb8;
	[tilespmem:$0x8100] =	vst v63  }
0x2c: {  	_ =	swait.ge @!p0 [sflag:s17], $0x4000  }
0x2d: {  	[sflag:s17] =	ssyncset.done @!p0 $0x0  }
0x2e: {  	[sflag:s17] =	ssyncadd.s32 @!p0 $0xFFFFC000  }
0x2f: {  	[hbm4b:s13+s18] =	stream.linear.scatter @!p0 [tilespmem:s16], [sflag:$0x3], $0x4000, $0x38;
	[tilespmem:$0x8100] =	vst v63  }
0x30: {  	_ =	swait.ge @!p0 [sflag:s20], $0x4000  }
0x31: {  	[sflag:s20] =	ssyncset.done @!p0 $0x0  }
0x32: {  	s12 =	sadd.s32 @!p0 s12, s7;
	s21 =	simm.s32 @!p0 $0x4080;
	[sflag:s20] =	ssyncadd.s32 @!p0 $0xFFFFC000  }
0x33: {  	[tilespmem:s21], [sflag:$0x3] =	stream.linear.gather @!p0 [hbm4b:s12+s18], $0x80, $0x38;
	[tilespmem:$0x8100] =	vst v63  }
0x34: {  	s12 =	smov.u32 s19;
	_ =	swait.ge @!p0 [sflag:s20], $0x80  }
0x35: {  	[sflag:s20] =	ssyncset.done @!p0 $0x0  }
0x36: {  	s19 =	simm.s32 @!p0 $0x4100;
	[sflag:s20] =	ssyncadd.s32 @!p0 $0xFFFFFF80  }
0x37: {  	[tilespmem:s19], [sflag:$0x1] =	stream.indirect.gather @!p0 [hbm4b:s2+s16], $0x80, s21, s16, $0xb8;
	[tilespmem:$0x8100] =	vst v63  }
.Ltmp0:
0x38: {  	_ =	swait.ge @!p0 [sflag:s17], $0x4000;
	(pc) =	sbr.rel @p1 .LBB2_2-.Ltmp0, $4  }
0x39: {  	s13 =	sadd.s32 $0x10000, s13;
	[sflag:s17] =	ssyncset.done @!p0 $0x0  }
0x3a: {  	s15 =	sadd.s32 $0x20, s15;
	s16 =	simm.s32 @!p0 $0x2;
	[sflag:s17] =	ssyncadd.s32 @!p0 $0xFFFFC000  }
0x3b: {  	[hbm4b:s11+s18] =	stream.linear.scatter @!p0 [tilespmem:s19], [sflag:$0x2], $0x4000, $0x38;
	[tilespmem:$0x8100] =	vst v63  }
0x3c: {  	p2 =	sgt.u32 s15, $0x4E1;
	s11 =	sadd.s32 $0x10000, s11;
	_ =	swait.ge @!p0 [sflag:s16], $0x4000  }
0x3d: {  	s14 =	sadd.s32 @!p2 s12, s8;
	[sflag:s16] =	ssyncset.done @!p0 $0x0  }
0x3e: {  	s15 =	simm.s32 @!p2 $0x0;
	s17 =	simm.s32 @!p2 $0x3;
	[sflag:s16] =	ssyncadd.s32 @!p0 $0xFFFFC000  }
0x3f: {  	[tilespmem:s15], [sflag:$0x3] =	stream.linear.gather @!p2 [hbm4b:s14+s15], $0x80, $0x38;
	[tilespmem:$0x8100] =	vst v63  }
0x40: {  	p0 =	por p2, p2;
	_ =	swait.ge @!p2 [sflag:s17], $0x80  }
0x41: {  	[sflag:s17] =	ssyncset.done @!p0 $0x0  }
0x42: {  	s14 =	simm.s32 @!p0 $0x80;
	s16 =	simm.s32 @!p0 $0x1;
	[sflag:s17] =	ssyncadd.s32 @!p0 $0xFFFFFF80  }
0x43: {  	[tilespmem:s14], [sflag:$0x1] =	stream.indirect.gather @!p0 [hbm4b:s1+s14], $0x80, s15, s14, $0xb8;
	[tilespmem:$0x8100] =	vst v63  }
0x44: {  	_ =	swait.ge @!p0 [sflag:s16], $0x4000  }
0x45: {  	[sflag:s16] =	ssyncset.done @!p0 $0x0  }
0x46: {  	[sflag:s16] =	ssyncadd.s32 @!p0 $0xFFFFC000  }
0x47: {  	[hbm4b:s13+s15] =	stream.linear.scatter @!p0 [tilespmem:s14], [sflag:$0x3], $0x4000, $0x38;
	[tilespmem:$0x8100] =	vst v63  }
0x48: {  	_ =	swait.ge @!p0 [sflag:s17], $0x4000  }
0x49: {  	[sflag:s17] =	ssyncset.done @!p0 $0x0  }
0x4a: {  	s12 =	sadd.s32 @!p0 s12, s7;
	s13 =	simm.s32 @!p0 $0x4080;
	[sflag:s17] =	ssyncadd.s32 @!p0 $0xFFFFC000  }
0x4b: {  	[tilespmem:s13], [sflag:$0x3] =	stream.linear.gather @!p0 [hbm4b:s12+s15], $0x80, $0x38;
	[tilespmem:$0x8100] =	vst v63  }
0x4c: {  	_ =	swait.ge @!p0 [sflag:s17], $0x80  }
0x4d: {  	[sflag:s17] =	ssyncset.done @!p0 $0x0  }
0x4e: {  	s12 =	simm.s32 @!p0 $0x4100;
	[sflag:s17] =	ssyncadd.s32 @!p0 $0xFFFFFF80  }
0x4f: {  	[tilespmem:s12], [sflag:$0x1] =	stream.indirect.gather @!p0 [hbm4b:s2+s14], $0x80, s13, s14, $0xb8;
	[tilespmem:$0x8100] =	vst v63  }
0x50: {  	s4 =	sadd.s32 $0x1, s4;
	_ =	swait.ge @!p0 [sflag:s16], $0x4000  }
0x51: {  	p1 =	sne.s32 s4, s6;
	[sflag:s16] =	ssyncset.done @!p0 $0x0  }
.Ltmp1:
0x52: {  	s13 =	simm.s32 @!p0 $0x2;
	[sflag:s16] =	ssyncadd.s32 @!p0 $0xFFFFC000;
	(pc) =	sbr.rel @p1 .LBB2_1-.Ltmp1, $4  }
0x53: {  	[hbm4b:s11+s15] =	stream.linear.scatter @!p0 [tilespmem:s12], [sflag:$0x2], $0x4000, $0x38;
	[tilespmem:$0x8100] =	vst v63  }
0x54: {  	_ =	swait.ge @!p0 [sflag:s13], $0x4000  }
0x55: {  	[sflag:s13] =	ssyncset.done @!p0 $0x0  }
0x56: {  	[sflag:s13] =	ssyncadd.s32 @!p0 $0xFFFFC000  }
0x57: {  	_ =	sfence.sel $0x180000  }
0x58: {  	[bflag:$0x0] =	sbarrier.arrive $0xFFFF  }
0x59: {  	p0 =	sne.s32 s3, $0x0;
	_ =	strace $0x90000047  }
0x5a: {  	s0 =	sadd.s32 @!p0 $0x100000, s0;
	[bflag:$0x2] =	sbarrier.arrive $0xFFFF  }
0x5b: {  	[sflag:s0] =	ssyncadd.tile.s32 @!p0 $0x1;
	_ =	shalt  }
.Lfunc_end2:
_tile_overlayer_lowered:
.L_overlay_start_2:
0x5c: {  	(tag) =	ssettag $0x2  }
0x5d: {  	s0 =	rddreg [dreg:$0x0];
	s2 =	stileid.u32  }
0x5e: {  	s1 =	rddreg [dreg:$0x1];
	p0 =	sne.s32 s2, $0x0  }
0x5f: {  	s3 =	rddreg [dreg:$0x2];
	[bflag:$0x3] =	sbarrier.arrive $0xFFFF;
	s2 =	simm.s32 @!p0 $0x1C02  }
0x60: {  	[timem:s3], [sflag:s2] =	dma.local @!p0 [hbm:s0], s1  }
0x61: {  	s0 =	simm.s32 @!p0 $0x2  }
0x62: {  	_ =	swait.ge @!p0 [sflag:s0], s1  }
0x63: {  	s1 =	ssub.s32 @!p0 $0x0, s1;
	[sflag:s0] =	ssyncset.done @!p0 $0x0  }
0x64: {  	[sflag:s0] =	ssyncadd.s32 @!p0 s1  }
0x65: {  	[bflag:$0x3] =	sbarrier.arrive $0xFFFF  }
0x66: {  	_ =	shalt  }

// kernel: kernel.14.cloned.1.call-start
scs
__scs_entry_jumppad:
0x0: {  	(pc) =	sbr.rel $0x88, $3  }
0x1: {  	(tag) =	ssettag $0x0;
	lr =	simm.s32 $0x1  }
0x2: {  	[smem:$0x3F81] =	sst lr;
	_ =	strace $0xD0000000  }
0x3: {  	_ = 	snop  }
0x4: {  	_ = 	snop  }
0x5: {  	_ = 	snop  }
0x6: {  	_ = 	snop  }
0x7: {  	_ = 	snop  }
__scs_overlays_trampoline_lowered:
0x8: {  	[smem:$0x3F90] =	sst s0  }
0x9: {  	[smem:$0x3F91] =	sst s1  }
0xa: {  	[smem:$0x3F92] =	sst s2  }
0xb: {  	[smem:$0x3F93] =	sst s3  }
0xc: {  	[smem:$0x3F94] =	sst s4  }
0xd: {  	[smem:$0x3F95] =	sst s5  }
0xe: {  	[smem:$0x3F96] =	sst s6  }
0xf: {  	[smem:$0x3F97] =	sst s7  }
0x10: {  	[smem:$0x3F98] =	sst s8  }
0x11: {  	[smem:$0x3F99] =	sst s9;
	s0 =	simm.s32 @!p0 $0x0  }
0x12: {  	s1 =	sld [smem:$0x3F7F];
	s0 =	simm.s32 @p0 $0x1  }
0x13: {  	[smem:$0x3F9A] =	sst s0;
	s0 =	simm.s32 @!p1 $0x0  }
0x14: {  	s2 =	sld [smem:$0x3F7E];
	s0 =	simm.s32 @p1 $0x1  }
0x15: {  	[smem:$0x3F9B] =	sst s0;
	s0 =	simm.s32 @!p2 $0x0  }
0x16: {  	s3 =	sld [smem:$0x3FDB];
	s0 =	simm.s32 @p2 $0x1  }
0x17: {  	s4 =	simm.s32 $0x1BF5;
	[smem:$0x3F9D] =	sst s0  }
0x18: {  	s0 =	sld [smem:$0x3F80];
	_ =	swait.ge [sflag:s4], $0x0  }
0x19: {  	s7 =	sld [smem:$0x3F81]  }
0x1a: {  	s8 =	sadd.s32 $0xFFFFE003, lr  }
0x1b: {  	s9 =	sadd.s32 $0xFFFFFEF7, lr;
	s5 =	simm.s32 $0xFFFFFFFF;
	p2 =	slt.u32 s8, $0xFFFFF086  }
0x1c: {  	p1 =	slt.u32 s9, $0xF7A;
	s5 =	simm.s32 @!p2 $0x0  }
0x1d: {  	s5 =	simm.s32 @p1 $0x1;
	p0 =	seq.s32 s7, s2  }
0x1e: {  	s7 =	smul.u32 @!p0 $0xF7A, s2;
	p2 =	seq.s32 @!p0 s5, $0x0  }
0x1f: {  	s9 =	smul.u32 $0xF7A, s1;
	s8 =	simm.s32 @!p0 $0x1BF5;
	p2 =	por !p2, p0  }
0x20: {  	[sflag:s8] =	ssyncset.s32 @!p0 $0xFFFFF086;
	s6 =	sadd.s32 @!p0 s3, s7;
	s7 =	simm.s32 @!p0 $0x108  }
0x21: {  	s3 =	sadd.s32 s3, s9;
	s6 =	sadd.s32 @!p0 $0x88, s6;
	s7 =	simm.s32 @p2 $0x1082  }
0x22: {  	[simem:s7], [sflag:s8] =	dma.local @!p0 [hbm:s6], $0xF7A  }
0x23: {  	s9 =	sor.u32 $0xD0000000, s2;
	s6 =	simm.s32 $0x108;
	_ =	swait.ge @!p0 [sflag:s8], $0x0  }
0x24: {  	s3 =	sadd.s32 $0x88, s3;
	s6 =	simm.s32 @!p1 $0x1082;
	[sflag:s4] =	ssyncset.s32 $0xFFFFF086  }
0x25: {  	[simem:s6], [sflag:s4] =	dma.local [hbm:s3], $0xF7A  }
0x26: {  	[smem:$0x3F81] =	sst s1;
	(tag) =	ssettag s2;
	_ =	strace s9  }
0x27: {  	s1 =	sld [smem:$0x3F91]  }
0x28: {  	s2 =	sld [smem:$0x3F92]  }
0x29: {  	s4 =	sld [smem:$0x3F94]  }
0x2a: {  	p0 =	seq.s32 s5, $0x0;
	s5 =	sld [smem:$0x3F95]  }
0x2b: {  	s6 =	sld [smem:$0x3F96]  }
0x2c: {  	s7 =	sld [smem:$0x3F97]  }
0x2d: {  	s3 =	simm.s32 $0x108;
	s8 =	sld [smem:$0x3F98]  }
0x2e: {  	s3 =	simm.s32 @!p0 $0x1082;
	s9 =	sld [smem:$0x3F99]  }
0x2f: {  	lr =	sadd.s32 s0, s3;
	s0 =	sld [smem:$0x3F90]  }
0x30: {  	s3 =	sld [smem:$0x3F93]  }
0x31: {  	[smem:$0x3F9C] =	sst s10  }
0x32: {  	s10 =	sld [smem:$0x3F9A];
	_ =	sdelay $0x3  }
0x33: {  	p0 =	seq.s32 s10, $0x1;
	s10 =	sld [smem:$0x3F9C];
	_ =	sdelay $0x3  }
0x34: {  	[smem:$0x3F9C] =	sst s10  }
0x35: {  	s10 =	sld [smem:$0x3F9B];
	_ =	sdelay $0x3  }
0x36: {  	p1 =	seq.s32 s10, $0x1;
	s10 =	sld [smem:$0x3F9C];
	_ =	sdelay $0x3  }
0x37: {  	[smem:$0x3F9C] =	sst s10  }
0x38: {  	s10 =	sld [smem:$0x3F9D]  }
0x39: {  	_ = 	snop;
	(pc) =	sbr.ind lr, $3  }
0x3a: {  	_ = 	snop  }
0x3b: {  	_ = 	snop  }
0x3c: {  	p2 =	seq.s32 s10, $0x1;
	s10 =	sld [smem:$0x3F9C]  }
0x3d: {  	_ =	shalt  }
0x3e: {  	_ =	shalt  }
0x3f: {  	_ =	shalt  }
0x40: {  	_ =	shalt  }
0x41: {  	_ =	shalt  }
0x42: {  	_ =	shalt  }
0x43: {  	_ =	shalt  }
0x44: {  	_ =	shalt  }
0x45: {  	_ =	shalt  }
0x46: {  	_ =	shalt  }
0x47: {  	_ =	shalt  }
0x48: {  	_ =	shalt  }
0x49: {  	_ =	shalt  }
0x4a: {  	_ =	shalt  }
0x4b: {  	_ =	shalt  }
0x4c: {  	_ =	shalt  }
0x4d: {  	_ =	shalt  }
0x4e: {  	_ =	shalt  }
0x4f: {  	_ =	shalt  }
0x50: {  	_ =	shalt  }
0x51: {  	_ =	shalt  }
0x52: {  	_ =	shalt  }
0x53: {  	_ =	shalt  }
0x54: {  	_ =	shalt  }
0x55: {  	_ =	shalt  }
0x56: {  	_ =	shalt  }
0x57: {  	_ =	shalt  }
0x58: {  	_ =	shalt  }
0x59: {  	_ =	shalt  }
0x5a: {  	_ =	shalt  }
0x5b: {  	_ =	shalt  }
0x5c: {  	_ =	shalt  }
0x5d: {  	_ =	shalt  }
0x5e: {  	_ =	shalt  }
0x5f: {  	_ =	shalt  }
0x60: {  	_ =	shalt  }
0x61: {  	_ =	shalt  }
0x62: {  	_ =	shalt  }
0x63: {  	_ =	shalt  }
0x64: {  	_ =	shalt  }
0x65: {  	_ =	shalt  }
0x66: {  	_ =	shalt  }
0x67: {  	_ =	shalt  }
0x68: {  	_ =	shalt  }
0x69: {  	_ =	shalt  }
0x6a: {  	_ =	shalt  }
0x6b: {  	_ =	shalt  }
0x6c: {  	_ =	shalt  }
0x6d: {  	_ =	shalt  }
0x6e: {  	_ =	shalt  }
0x6f: {  	_ =	shalt  }
0x70: {  	_ =	shalt  }
0x71: {  	_ =	shalt  }
0x72: {  	_ =	shalt  }
0x73: {  	_ =	shalt  }
0x74: {  	_ =	shalt  }
0x75: {  	_ =	shalt  }
0x76: {  	_ =	shalt  }
0x77: {  	_ =	shalt  }
0x78: {  	_ =	shalt  }
0x79: {  	_ =	shalt  }
0x7a: {  	_ =	shalt  }
0x7b: {  	_ =	shalt  }
0x7c: {  	_ =	shalt  }
0x7d: {  	_ =	shalt  }
0x7e: {  	_ =	shalt  }
0x7f: {  	_ =	shalt  }
0x80: {  	_ =	shalt  }
0x81: {  	_ =	shalt  }
0x82: {  	_ =	shalt  }
0x83: {  	_ =	shalt  }
0x84: {  	_ =	shalt  }
0x85: {  	_ =	shalt  }
0x86: {  	_ =	shalt  }
0x87: {  	_ =	shalt  }
.Lfunc_end0:
.L_simem_size_0:
called_computation.1_lowered:
.L_overlay_start_0:
0x88: {  	s2 =	sld [smem:$0x3FD9]  }
0x89: {  	s3 =	sld [smem:$0x3FFE];
	_ =	sdelay $0x1  }
0x8a: {  	s1 =	srdreg.scid  }
0x8b: {  	s0 =	sand.u32 $0x1, s1  }
0x8c: {  	s14 =	sshll.u32 s0, $0xA;
	s2 =	sadd.s32 s3, s2  }
0x8d: {  	s2 =	sadd.s32 s2, s14  }
0x8e: {  	[smem:$0x3FA8] =	sst s2  }
0x8f: {  	_ = 	snop  }
0x90: {  	s2 =	sld [smem:$0x3FD0];
	_ =	sdelay $0x2  }
0x91: {  	s15 =	simm.s32 $0xA;
	s4 =	simm.s32 $0x10  }
0x92: {  	[smem:s4], [sflag:s15] =	dma.local [hbm:s2], $0x1  }
0x93: {  	_ =	swait.eq [sflag:s15], $0x1  }
0x94: {  	[sflag:s15] =	ssyncset.done $0x0  }
0x95: {  	s16 =	sld [smem:$0x10];
	[sflag:s15] =	ssyncadd.s32 $0xFFFFFFFF  }
0x96: {  	s17 =	sld [smem:$0x12];
	(tm) =	ssettm $0x1  }
0x97: {  	s18 =	sld [smem:$0x3FFB];
	_ =	sdelay $0x3  }
0x98: {  	_ =	strace s18  }
0x99: {  	s4 =	sld [smem:$0x3FFC];
	_ =	sdelay $0x3  }
0x9a: {  	_ =	strace s4  }
0x9b: {  	s4 =	sld [smem:$0x3FFD];
	_ =	sdelay $0x3  }
0x9c: {  	_ =	strace s4  }
0x9d: {  	_ =	strace $0x8FFFFFFF  }
0x9e: {  	s19 =	sld [smem:$0x3FDB];
	_ =	sdelay $0x1  }
0x9f: {  	s5 =	simm.s32 $_scs_section_size  }
0xa0: {  	s6 =	simm.s32 $_size__tile_overlayer_lowered;
	s7 =	simm.s32 $_tile_overlayer_lowered  }
0xa1: {  	s22 =	simm.s32 $0x1BFF;
	s21 =	sshll.u32 s7, $0x1;
	s4 =	sadd.s32 s5, s19  }
0xa2: {  	s8 =	simm.s32 $0x0;
	s20 =	sshll.u32 s6, $0x1;
	s6 =	sadd.s32 s21, s4  }
0xa3: {  	[timem:s8], [sflag:s22] =	dma.local [hbm:s6], s20  }
0xa4: {  	_ =	swait.ge [sflag:s22], s20  }
0xa5: {  	s5 =	ssub.s32 $0x0, s20;
	[sflag:s22] =	ssyncset.done $0x0  }
0xa6: {  	[sflag:s22] =	ssyncadd.s32 s5;
	_ =	sdelay $0x1  }
0xa7: {  	s23 =	simm.s32 $0x1B8B  }
0xa8: {  	_ =	swait.ge [sflag:s23], $0x1  }
0xa9: {  	[sflag:s23] =	ssyncset.done $0x0  }
0xaa: {  	s25 =	simm.s32 $0x1B8E;
	s24 =	sld [smem:$0x3FFE];
	[sflag:s23] =	ssyncadd.s32 $0xFFFFFFFF  }
0xab: {  	s26 =	simm.s32 $execute0_lowered;
	[smem:$0x3FD2] =	sst s25  }
0xac: {  	s6 =	sshll.u32 s26, $0x1;
	_ =	strace $0x80000049;
	[dreg:$0x1] =	wrdreg $0xFFFFFFFF  }
0xad: {  	s28 =	simm.s32 $_size_execute0_lowered;
	s4 =	sadd.s32 s4, s6;
	[dreg:$0x0] =	wrdreg $0x0  }
0xae: {  	s6 =	sshll.u32 s28, $0x1;
	[dreg:$0x2] =	wrdreg s4  }
0xaf: {  	[dreg:$0x3] =	wrdreg s6  }
0xb0: {  	[dreg:$0x4] =	wrdreg $0xC0  }
0xb1: {  	_ =	task [dreg:s8], $0x5FFFF  }
0xb2: {  	[dreg:$0x1] =	wrdreg $0xFFFFFFFF  }
0xb3: {  	[dreg:$0x0] =	wrdreg $0x60  }
0xb4: {  	[dreg:$0x2] =	wrdreg s24  }
0xb5: {  	[dreg:$0x3] =	wrdreg s17  }
0xb6: {  	[dreg:$0x4] =	wrdreg s16  }
0xb7: {  	[dreg:$0x5] =	wrdreg $0x27100  }
0xb8: {  	[dreg:$0x6] =	wrdreg $0x0  }
0xb9: {  	[dreg:$0x7] =	wrdreg $0x9  }
0xba: {  	_ =	task.clear_ibuf [dreg:s8], $0x8FFFF;
	_ =	strace $0x90000049  }
0xbb: {  	s29 =	simm.s32 $0x9;
	_ =	strace $0x8000004B  }
0xbc: {  	_ =	swait.ge [sflag:s29], $0x1  }
0xbd: {  	[sflag:s29] =	ssyncadd.s32 $0xFFFFFFFF  }
0xbe: {  	_ =	strace $0x9000004B  }
0xbf: {  	_ =	sfence  }
0xc0: {  	s30 =	sld [smem:$0x0];
	_ =	sdelay $0x2  }
0xc1: {  	s31 =	sshll.u32 s1, $0xD;
	s1 =	sshrl.u32 s1, $0x2  }
0xc2: {  	s3 =	sand.u32 $0x4000, s31;
	s1 =	sadd.s32 s1, s30  }
0xc3: {  	s0 =	sor.u32 s3, s0;
	s1 =	sshll.u32 s1, $0x11  }
0xc4: {  	s0 =	sor.u32 s1, s0  }
0xc5: {  	s0 =	sadd.s32 $0x8F2B, s0  }
0xc6: {  	[sflag:s0] =	ssyncadd.remote.s32 $0x1  }
0xc7: {  	_ =	sfence.sel $0xFFFF  }
0xc8: {  	[dreg:$0x0] =	wrdreg $0xFFFFFFFF;
	(pc) =	sbr.abs _section_cstart, $3  }
0xc9: {  	[dreg:$0x1] =	wrdreg $0xFFFFFFFF  }
0xca: {  	_ =	task.clear_ibuf [dreg:s8], $0x2FFFF;
	_ =	strace $0x9FFFFFFF  }
0xcb: {  	(tm) =	ssettm $0x7FFFFFFF  }
tec
execute0_lowered:
.L_overlay_start_1:
0x0: {  	(tag) =	ssettag $0x1  }
0x1: {  	s7 =	rddreg [dreg:$0x0]  }
0x2: {  	s21 =	rddreg [dreg:$0x1]  }
0x3: {  	s13 =	rddreg [dreg:$0x2]  }
0x4: {  	s2 =	rddreg [dreg:$0x3]  }
0x5: {  	s3 =	rddreg [dreg:$0x4];
	s0 =	stileid.u32  }
0x6: {  	s6 =	srdreg.scid;
	s4 =	simm.s32 $0x0;
	s5 =	smul.u32 $0x1200, s0  }
0x7: {  	s22 =	sand.u32 $0x1, s6;
	s10 =	smul.u32 $0x15F90, s0;
	[smem:$0x7FF] =	sst s4  }
0x8: {  	s26 =	sshll.u32 s0, $0x5;
	s1 =	sadd.s32 $0xB12600, s7;
	s6 =	sadd.s32 $0xB0FA00, s7  }
0x9: {  	s18 =	sshll.u32 s0, $0x1;
	s17 =	smul.u32 $0x2710, s0;
	s31 =	sshll.u32 s0, $0x9  }
0xa: {  	s28 =	sshll.u32 s0, $0x6;
	s8 =	smul.u32 $0x15F900, s22;
	_ =	strace $0x8000004A  }
0xb: {  	s14 =	sadd.s32 s26, s7;
	[dreg:$0x6] =	wrdreg s1;
	s19 =	smul.u32 $0x27100, s22  }
0xc: {  	s9 =	ssub.s32 $0x2, s22;
	s20 =	sshll.u32 s22, $0x4;
	s24 =	smul.u32 $0x900, s22  }
0xd: {  	s18 =	sor.u32 s22, s18;
	s21 =	sadd.s32 s31, s21;
	s22 =	sshll.u32 s22, $0x8  }
0xe: {  	s15 =	sadd.s32 s5, s7;
	s11 =	sshrl.u32 s9, $0x1;
	s23 =	sadd.s32 s10, s2  }
0xf: {  	s14 =	sadd.s32 s20, s14;
	s21 =	sadd.s32 s22, s21;
	s8 =	sadd.s32 s10, s8  }
0x10: {  	s16 =	ssub.s32 s9, s11;
	s19 =	sadd.s32 s17, s19;
	s14 =	sadd.s32 $0x9200, s14  }
0x11: {  	s30 =	sadd.s32 s24, s15;
	s22 =	sshrl.u32 s23, $0x3;
	s23 =	simm.s32 $0x1  }
0x12: {  	s8 =	sshrl.u32 s8, $0x3;
	s29 =	sshrl.u32 s19, $0x3;
	s15 =	smax.u32 s16, $0x1  }
0x13: {  	s16 =	sadd.s32 $0x850800, s30;
	s19 =	sadd.s32 $0x2D2400, s30;
	s12 =	sadd.s32 s8, s7  }
0x14: {  	s20 =	sadd.s32 $0x13200, s30;
	s8 =	sor.u32 $0x1C01, s28;
	s7 =	sadd.s32 $0xB12C00, s12  }
0x15: {  	s13 =	sadd.s32 s13, s29;
	s9 =	sadd.s32 $0xB6AC00, s12;
	s10 =	sadd.s32 $0xBC2C00, s12  }
0x16: {  	s11 =	sadd.s32 $0xC1AC00, s12;
	s12 =	sadd.s32 s17, s3;
	s17 =	sadd.s32 $0x591600, s30  }
.LBB2_1:
0x17: {  	[spmem:s22], [sflag:s8] =	dma.local [hbm:s6], $0x2BF2  }
0x18: {  	s24 =	sadd.s32 $0x0, s18;
	_ =	swait.ge [sflag:s23], $0x2BF2  }
0x19: {  	p0 =	sgt.u32 s24, $0x4E1;
	[sflag:s23] =	ssyncset.done $0x0  }
0x1a: {  	s24 =	simm.s32 @!p0 $0x0;
	[sflag:s23] =	ssyncadd.s32 $0xFFFFD40E  }
0x1b: {  	s26 =	simm.s32 @!p0 $0x1D6A0;
	s28 =	simm.s32 @!p0 $0x2;
	[bflag:$0x0] =	sbarrier.arrive $0xFFFF  }
0x1c: {  	[tilespmem:s26], [sflag:$0x2] =	stream.linear.gather @!p0 [hbm4b:s14+s24], $0x80, $0x38;
	[tilespmem:$0x1D720] =	vst v63  }
0x1d: {  	_ =	swait.ge @!p0 [sflag:s28], $0x80;
	p0 =	por p0, p0  }
0x1e: {  	[sflag:s28] =	ssyncset.done @!p0 $0x0  }
0x1f: {  	s29 =	simm.s32 @!p0 $0x18EA0;
	[sflag:s28] =	ssyncadd.s32 @!p0 $0xFFFFFF80  }
0x20: {  	[tilespmem:s29], [sflag:$0x2] =	stream.linear.gather @!p0 [hbm4b:s16+s24], $0x4800, $0x38;
	[tilespmem:$0x1D720] =	vst v63  }
0x21: {  	s31 =	sadd.s32 $0x20, s18;
	_ =	swait.ge @!p0 [sflag:s28], $0x4800  }
0x22: {  	s25 =	simm.s32 $0x40;
	p1 =	sgt.u32 s31, $0x4E1;
	[sflag:s28] =	ssyncset.done @!p0 $0x0  }
0x23: {  	s24 =	simm.s32 @!p0 $0x80;
	[sflag:s28] =	ssyncadd.s32 @!p0 $0xFFFFB800;
	s28 =	simm.s32 @!p0 $0x1  }
0x24: {  	[spmem:s2] =	stream.indirect.scatter.add.f32 @!p0 [tilespmem:s29], [sflag:$0x1], $0x90, s26, s24, $0xb8;
	[tilespmem:$0x1D720] =	vst v63  }
0x25: {  	s24 =	sadd.s32 $0x12000, s16;
	s26 =	sadd.s32 $0x200, s14;
	_ =	swait.ge @!p0 [sflag:s28], $0x4800  }
.LBB2_2:
0x26: {  	s29 =	simm.s32 @!p1 $0x0  }
0x27: {  	s30 =	simm.s32 @!p1 $0x1D6A0;
	[sflag:s28] =	ssyncset.done @!p0 $0x0;
	s31 =	smov.u32 s25  }
0x28: {  	s25 =	sadd.s32 $0x20, s25;
	s0 =	simm.s32 @!p1 $0x2;
	[sflag:s28] =	ssyncadd.s32 @!p0 $0xFFFFB800  }
0x29: {  	[tilespmem:s30], [sflag:$0x2] =	stream.linear.gather @!p1 [hbm4b:s26+s29], $0x80, $0x38;
	[tilespmem:$0x1D720] =	vst v63  }
0x2a: {  	p2 =	sne.s32 s25, $0x500;
	p0 =	por p1, p1;
	_ =	swait.ge @!p1 [sflag:s0], $0x80  }
0x2b: {  	[sflag:s0] =	ssyncset.done @!p0 $0x0  }
0x2c: {  	s1 =	simm.s32 @!p0 $0x18EA0;
	[sflag:s0] =	ssyncadd.s32 @!p0 $0xFFFFFF80  }
0x2d: {  	[tilespmem:s1], [sflag:$0x2] =	stream.linear.gather @!p0 [hbm4b:s24+s29], $0x4800, $0x38;
	[tilespmem:$0x1D720] =	vst v63  }
.Ltmp0:
0x2e: {  	_ =	swait.ge @!p0 [sflag:s0], $0x4800;
	(pc) =	sbr.rel @p2 .LBB2_2-.Ltmp0, $4  }
0x2f: {  	s28 =	simm.s32 @!p0 $0x1;
	s24 =	sadd.s32 $0x12000, s24;
	[sflag:s0] =	ssyncset.done @!p0 $0x0  }
0x30: {  	s29 =	sadd.s32 s31, s18;
	[sflag:s0] =	ssyncadd.s32 @!p0 $0xFFFFB800;
	s0 =	simm.s32 @!p0 $0x80  }
0x31: {  	[spmem:s2] =	stream.indirect.scatter.add.f32 @!p0 [tilespmem:s1], [sflag:$0x1], $0x90, s30, s0, $0xb8;
	[tilespmem:$0x1D720] =	vst v63  }
0x32: {  	s26 =	sadd.s32 $0x200, s26;
	p1 =	sgt.u32 s29, $0x4E1;
	_ =	swait.ge @!p0 [sflag:s28], $0x4800  }
0x33: {  	s0 =	simm.s32 @!p1 $0x0;
	[sflag:s28] =	ssyncset.done @!p0 $0x0  }
0x34: {  	s1 =	simm.s32 @!p1 $0x1D6A0;
	s25 =	simm.s32 @!p1 $0x2;
	[sflag:s28] =	ssyncadd.s32 @!p0 $0xFFFFB800  }
0x35: {  	[tilespmem:s1], [sflag:$0x2] =	stream.linear.gather @!p1 [hbm4b:s26+s0], $0x80, $0x38;
	[tilespmem:$0x1D720] =	vst v63  }
0x36: {  	p0 =	por p1, p1;
	_ =	swait.ge @!p1 [sflag:s25], $0x80  }
0x37: {  	[sflag:s25] =	ssyncset.done @!p0 $0x0  }
0x38: {  	s26 =	simm.s32 @!p0 $0x18EA0;
	[sflag:s25] =	ssyncadd.s32 @!p0 $0xFFFFFF80  }
0x39: {  	[tilespmem:s26], [sflag:$0x2] =	stream.linear.gather @!p0 [hbm4b:s24+s0], $0x4800, $0x38;
	[tilespmem:$0x1D720] =	vst v63  }
0x3a: {  	_ =	swait.ge @!p0 [sflag:s25], $0x4800  }
0x3b: {  	[sflag:s25] =	ssyncset.done @!p0 $0x0  }
0x3c: {  	s0 =	simm.s32 @!p0 $0x1;
	s24 =	simm.s32 @!p0 $0x80;
	[sflag:s25] =	ssyncadd.s32 @!p0 $0xFFFFB800  }
0x3d: {  	[spmem:s2] =	stream.indirect.scatter.add.f32 @!p0 [tilespmem:s26], [sflag:$0x1], $0x90, s1, s24, $0xb8;
	[tilespmem:$0x1D720] =	vst v63  }
0x3e: {  	_ =	swait.ge @!p0 [sflag:s0], $0x4800  }
0x3f: {  	[sflag:s0] =	ssyncset.done @!p0 $0x0  }
0x40: {  	[sflag:s0] =	ssyncadd.s32 @!p0 $0xFFFFB800  }
0x41: {  	[bflag:$0x0] =	sbarrier.arrive $0xFFFF  }
0x42: {  	[hbm:s7], [sflag:s8] =	dma.local [spmem:s22], $0x2BF2  }
0x43: {  	_ =	swait.ge [sflag:s23], $0x2BF2  }
0x44: {  	[sflag:s23] =	ssyncset.done $0x0  }
0x45: {  	[sflag:s23] =	ssyncadd.s32 $0xFFFFD40E  }
0x46: {  	[bflag:$0x0] =	sbarrier.arrive $0xFFFF  }
0x47: {  	[spmem:s22], [sflag:s8] =	dma.local [hbm:s6], $0x2BF2  }
0x48: {  	s30 =	sadd.s32 $0x0, s18;
	_ =	swait.ge [sflag:s23], $0x2BF2  }
0x49: {  	p0 =	sgt.u32 s30, $0x4E1;
	[sflag:s23] =	ssyncset.done $0x0  }
0x4a: {  	s0 =	simm.s32 @!p0 $0x0;
	[sflag:s23] =	ssyncadd.s32 $0xFFFFD40E  }
0x4b: {  	s1 =	simm.s32 @!p0 $0x1D6A0;
	s24 =	simm.s32 @!p0 $0x2;
	[bflag:$0x0] =	sbarrier.arrive $0xFFFF  }
0x4c: {  	[tilespmem:s1], [sflag:$0x2] =	stream.linear.gather @!p0 [hbm4b:s14+s0], $0x80, $0x38;
	[tilespmem:$0x1D720] =	vst v63  }
0x4d: {  	_ =	swait.ge @!p0 [sflag:s24], $0x80;
	p0 =	por p0, p0  }
0x4e: {  	[sflag:s24] =	ssyncset.done @!p0 $0x0  }
0x4f: {  	s26 =	simm.s32 @!p0 $0x18EA0;
	[sflag:s24] =	ssyncadd.s32 @!p0 $0xFFFFFF80  }
0x50: {  	[tilespmem:s26], [sflag:$0x2] =	stream.linear.gather @!p0 [hbm4b:s17+s0], $0x4800, $0x38;
	[tilespmem:$0x1D720] =	vst v63  }
0x51: {  	s31 =	sadd.s32 $0x20, s18;
	_ =	swait.ge @!p0 [sflag:s24], $0x4800  }
0x52: {  	p1 =	sgt.u32 s31, $0x4E1;
	s25 =	simm.s32 $0x40;
	[sflag:s24] =	ssyncset.done @!p0 $0x0  }
0x53: {  	s28 =	simm.s32 @!p0 $0x1;
	s0 =	simm.s32 @!p0 $0x80;
	[sflag:s24] =	ssyncadd.s32 @!p0 $0xFFFFB800  }
0x54: {  	[spmem:s2] =	stream.indirect.scatter.add.f32 @!p0 [tilespmem:s26], [sflag:$0x1], $0x90, s1, s0, $0xb8;
	[tilespmem:$0x1D720] =	vst v63  }
0x55: {  	s24 =	sadd.s32 $0x12000, s17;
	s26 =	sadd.s32 $0x200, s14;
	_ =	swait.ge @!p0 [sflag:s28], $0x4800  }
.LBB2_4:
0x56: {  	s0 =	simm.s32 @!p1 $0x0  }
0x57: {  	s1 =	simm.s32 @!p1 $0x1D6A0;
	[sflag:s28] =	ssyncset.done @!p0 $0x0;
	s29 =	smov.u32 s25  }
0x58: {  	s25 =	sadd.s32 $0x20, s25;
	s30 =	simm.s32 @!p1 $0x2;
	[sflag:s28] =	ssyncadd.s32 @!p0 $0xFFFFB800  }
0x59: {  	[tilespmem:s1], [sflag:$0x2] =	stream.linear.gather @!p1 [hbm4b:s26+s0], $0x80, $0x38;
	[tilespmem:$0x1D720] =	vst v63  }
0x5a: {  	p2 =	sne.s32 s25, $0x500;
	p0 =	por p1, p1;
	_ =	swait.ge @!p1 [sflag:s30], $0x80  }
0x5b: {  	[sflag:s30] =	ssyncset.done @!p0 $0x0  }
0x5c: {  	s31 =	simm.s32 @!p0 $0x18EA0;
	[sflag:s30] =	ssyncadd.s32 @!p0 $0xFFFFFF80  }
0x5d: {  	[tilespmem:s31], [sflag:$0x2] =	stream.linear.gather @!p0 [hbm4b:s24+s0], $0x4800, $0x38;
	[tilespmem:$0x1D720] =	vst v63  }
.Ltmp1:
0x5e: {  	_ =	swait.ge @!p0 [sflag:s30], $0x4800;
	(pc) =	sbr.rel @p2 .LBB2_4-.Ltmp1, $4  }
0x5f: {  	s28 =	simm.s32 @!p0 $0x1;
	s24 =	sadd.s32 $0x12000, s24;
	[sflag:s30] =	ssyncset.done @!p0 $0x0  }
0x60: {  	s0 =	sadd.s32 s29, s18;
	s29 =	simm.s32 @!p0 $0x80;
	[sflag:s30] =	ssyncadd.s32 @!p0 $0xFFFFB800  }
0x61: {  	[spmem:s2] =	stream.indirect.scatter.add.f32 @!p0 [tilespmem:s31], [sflag:$0x1], $0x90, s1, s29, $0xb8;
	[tilespmem:$0x1D720] =	vst v63  }
0x62: {  	s26 =	sadd.s32 $0x200, s26;
	p1 =	sgt.u32 s0, $0x4E1;
	_ =	swait.ge @!p0 [sflag:s28], $0x4800  }
0x63: {  	s0 =	simm.s32 @!p1 $0x0;
	[sflag:s28] =	ssyncset.done @!p0 $0x0  }
0x64: {  	s1 =	simm.s32 @!p1 $0x1D6A0;
	s25 =	simm.s32 @!p1 $0x2;
	[sflag:s28] =	ssyncadd.s32 @!p0 $0xFFFFB800  }
0x65: {  	[tilespmem:s1], [sflag:$0x2] =	stream.linear.gather @!p1 [hbm4b:s26+s0], $0x80, $0x38;
	[tilespmem:$0x1D720] =	vst v63  }
0x66: {  	p0 =	por p1, p1;
	_ =	swait.ge @!p1 [sflag:s25], $0x80  }
0x67: {  	[sflag:s25] =	ssyncset.done @!p0 $0x0  }
0x68: {  	s26 =	simm.s32 @!p0 $0x18EA0;
	[sflag:s25] =	ssyncadd.s32 @!p0 $0xFFFFFF80  }
0x69: {  	[tilespmem:s26], [sflag:$0x2] =	stream.linear.gather @!p0 [hbm4b:s24+s0], $0x4800, $0x38;
	[tilespmem:$0x1D720] =	vst v63  }
0x6a: {  	_ =	swait.ge @!p0 [sflag:s25], $0x4800  }
0x6b: {  	[sflag:s25] =	ssyncset.done @!p0 $0x0  }
0x6c: {  	s0 =	simm.s32 @!p0 $0x1;
	s24 =	simm.s32 @!p0 $0x80;
	[sflag:s25] =	ssyncadd.s32 @!p0 $0xFFFFB800  }
0x6d: {  	[spmem:s2] =	stream.indirect.scatter.add.f32 @!p0 [tilespmem:s26], [sflag:$0x1], $0x90, s1, s24, $0xb8;
	[tilespmem:$0x1D720] =	vst v63  }
0x6e: {  	_ =	swait.ge @!p0 [sflag:s0], $0x4800  }
0x6f: {  	[sflag:s0] =	ssyncset.done @!p0 $0x0  }
0x70: {  	[sflag:s0] =	ssyncadd.s32 @!p0 $0xFFFFB800  }
0x71: {  	[bflag:$0x0] =	sbarrier.arrive $0xFFFF  }
0x72: {  	[hbm:s9], [sflag:s8] =	dma.local [spmem:s22], $0x2BF2  }
0x73: {  	_ =	swait.ge [sflag:s23], $0x2BF2  }
0x74: {  	[sflag:s23] =	ssyncset.done $0x0  }
0x75: {  	[sflag:s23] =	ssyncadd.s32 $0xFFFFD40E  }
0x76: {  	[bflag:$0x0] =	sbarrier.arrive $0xFFFF  }
0x77: {  	[spmem:s22], [sflag:s8] =	dma.local [hbm:s6], $0x2BF2  }
0x78: {  	s30 =	sadd.s32 $0x0, s18;
	_ =	swait.ge [sflag:s23], $0x2BF2  }
0x79: {  	p0 =	sgt.u32 s30, $0x4E1;
	[sflag:s23] =	ssyncset.done $0x0  }
0x7a: {  	s0 =	simm.s32 @!p0 $0x0;
	[sflag:s23] =	ssyncadd.s32 $0xFFFFD40E  }
0x7b: {  	s1 =	simm.s32 @!p0 $0x1D6A0;
	s24 =	simm.s32 @!p0 $0x2;
	[bflag:$0x0] =	sbarrier.arrive $0xFFFF  }
0x7c: {  	[tilespmem:s1], [sflag:$0x2] =	stream.linear.gather @!p0 [hbm4b:s14+s0], $0x80, $0x38;
	[tilespmem:$0x1D720] =	vst v63  }
0x7d: {  	_ =	swait.ge @!p0 [sflag:s24], $0x80;
	p0 =	por p0, p0  }
0x7e: {  	[sflag:s24] =	ssyncset.done @!p0 $0x0  }
0x7f: {  	s26 =	simm.s32 @!p0 $0x18EA0;
	[sflag:s24] =	ssyncadd.s32 @!p0 $0xFFFFFF80  }
0x80: {  	[tilespmem:s26], [sflag:$0x2] =	stream.linear.gather @!p0 [hbm4b:s19+s0], $0x4800, $0x38;
	[tilespmem:$0x1D720] =	vst v63  }
0x81: {  	s31 =	sadd.s32 $0x20, s18;
	_ =	swait.ge @!p0 [sflag:s24], $0x4800  }
0x82: {  	p1 =	sgt.u32 s31, $0x4E1;
	s25 =	simm.s32 $0x40;
	[sflag:s24] =	ssyncset.done @!p0 $0x0  }
0x83: {  	s28 =	simm.s32 @!p0 $0x1;
	s0 =	simm.s32 @!p0 $0x80;
	[sflag:s24] =	ssyncadd.s32 @!p0 $0xFFFFB800  }
0x84: {  	[spmem:s2] =	stream.indirect.scatter.add.f32 @!p0 [tilespmem:s26], [sflag:$0x1], $0x90, s1, s0, $0xb8;
	[tilespmem:$0x1D720] =	vst v63  }
0x85: {  	s24 =	sadd.s32 $0x12000, s19;
	s26 =	sadd.s32 $0x200, s14;
	_ =	swait.ge @!p0 [sflag:s28], $0x4800  }
.LBB2_6:
0x86: {  	s0 =	simm.s32 @!p1 $0x0  }
0x87: {  	s1 =	simm.s32 @!p1 $0x1D6A0;
	[sflag:s28] =	ssyncset.done @!p0 $0x0;
	s29 =	smov.u32 s25  }
0x88: {  	s25 =	sadd.s32 $0x20, s25;
	s30 =	simm.s32 @!p1 $0x2;
	[sflag:s28] =	ssyncadd.s32 @!p0 $0xFFFFB800  }
0x89: {  	[tilespmem:s1], [sflag:$0x2] =	stream.linear.gather @!p1 [hbm4b:s26+s0], $0x80, $0x38;
	[tilespmem:$0x1D720] =	vst v63  }
0x8a: {  	p2 =	sne.s32 s25, $0x500;
	p0 =	por p1, p1;
	_ =	swait.ge @!p1 [sflag:s30], $0x80  }
0x8b: {  	[sflag:s30] =	ssyncset.done @!p0 $0x0  }
0x8c: {  	s31 =	simm.s32 @!p0 $0x18EA0;
	[sflag:s30] =	ssyncadd.s32 @!p0 $0xFFFFFF80  }
0x8d: {  	[tilespmem:s31], [sflag:$0x2] =	stream.linear.gather @!p0 [hbm4b:s24+s0], $0x4800, $0x38;
	[tilespmem:$0x1D720] =	vst v63  }
.Ltmp2:
0x8e: {  	_ =	swait.ge @!p0 [sflag:s30], $0x4800;
	(pc) =	sbr.rel @p2 .LBB2_6-.Ltmp2, $4  }
0x8f: {  	s28 =	simm.s32 @!p0 $0x1;
	s24 =	sadd.s32 $0x12000, s24;
	[sflag:s30] =	ssyncset.done @!p0 $0x0  }
0x90: {  	s0 =	sadd.s32 s29, s18;
	s29 =	simm.s32 @!p0 $0x80;
	[sflag:s30] =	ssyncadd.s32 @!p0 $0xFFFFB800  }
0x91: {  	[spmem:s2] =	stream.indirect.scatter.add.f32 @!p0 [tilespmem:s31], [sflag:$0x1], $0x90, s1, s29, $0xb8;
	[tilespmem:$0x1D720] =	vst v63  }
0x92: {  	s26 =	sadd.s32 $0x200, s26;
	p1 =	sgt.u32 s0, $0x4E1;
	_ =	swait.ge @!p0 [sflag:s28], $0x4800  }
0x93: {  	s0 =	simm.s32 @!p1 $0x0;
	[sflag:s28] =	ssyncset.done @!p0 $0x0  }
0x94: {  	s1 =	simm.s32 @!p1 $0x1D6A0;
	s25 =	simm.s32 @!p1 $0x2;
	[sflag:s28] =	ssyncadd.s32 @!p0 $0xFFFFB800  }
0x95: {  	[tilespmem:s1], [sflag:$0x2] =	stream.linear.gather @!p1 [hbm4b:s26+s0], $0x80, $0x38;
	[tilespmem:$0x1D720] =	vst v63  }
0x96: {  	p0 =	por p1, p1;
	_ =	swait.ge @!p1 [sflag:s25], $0x80  }
0x97: {  	[sflag:s25] =	ssyncset.done @!p0 $0x0  }
0x98: {  	s26 =	simm.s32 @!p0 $0x18EA0;
	[sflag:s25] =	ssyncadd.s32 @!p0 $0xFFFFFF80  }
0x99: {  	[tilespmem:s26], [sflag:$0x2] =	stream.linear.gather @!p0 [hbm4b:s24+s0], $0x4800, $0x38;
	[tilespmem:$0x1D720] =	vst v63  }
0x9a: {  	_ =	swait.ge @!p0 [sflag:s25], $0x4800  }
0x9b: {  	[sflag:s25] =	ssyncset.done @!p0 $0x0  }
0x9c: {  	s0 =	simm.s32 @!p0 $0x1;
	s24 =	simm.s32 @!p0 $0x80;
	[sflag:s25] =	ssyncadd.s32 @!p0 $0xFFFFB800  }
0x9d: {  	[spmem:s2] =	stream.indirect.scatter.add.f32 @!p0 [tilespmem:s26], [sflag:$0x1], $0x90, s1, s24, $0xb8;
	[tilespmem:$0x1D720] =	vst v63  }
0x9e: {  	_ =	swait.ge @!p0 [sflag:s0], $0x4800  }
0x9f: {  	[sflag:s0] =	ssyncset.done @!p0 $0x0  }
0xa0: {  	[sflag:s0] =	ssyncadd.s32 @!p0 $0xFFFFB800  }
0xa1: {  	[bflag:$0x0] =	sbarrier.arrive $0xFFFF  }
0xa2: {  	[hbm:s10], [sflag:s8] =	dma.local [spmem:s22], $0x2BF2  }
0xa3: {  	_ =	swait.ge [sflag:s23], $0x2BF2  }
0xa4: {  	[sflag:s23] =	ssyncset.done $0x0  }
0xa5: {  	[sflag:s23] =	ssyncadd.s32 $0xFFFFD40E  }
0xa6: {  	[bflag:$0x0] =	sbarrier.arrive $0xFFFF  }
0xa7: {  	[spmem:s22], [sflag:s8] =	dma.local [hbm:s6], $0x2BF2  }
0xa8: {  	s30 =	sadd.s32 $0x0, s18;
	_ =	swait.ge [sflag:s23], $0x2BF2  }
0xa9: {  	p0 =	sgt.u32 s30, $0x4E1;
	[sflag:s23] =	ssyncset.done $0x0  }
0xaa: {  	s0 =	simm.s32 @!p0 $0x0;
	[sflag:s23] =	ssyncadd.s32 $0xFFFFD40E  }
0xab: {  	s1 =	simm.s32 @!p0 $0x1D6A0;
	s24 =	simm.s32 @!p0 $0x2;
	[bflag:$0x0] =	sbarrier.arrive $0xFFFF  }
0xac: {  	[tilespmem:s1], [sflag:$0x2] =	stream.linear.gather @!p0 [hbm4b:s14+s0], $0x80, $0x38;
	[tilespmem:$0x1D720] =	vst v63  }
0xad: {  	_ =	swait.ge @!p0 [sflag:s24], $0x80;
	p0 =	por p0, p0  }
0xae: {  	[sflag:s24] =	ssyncset.done @!p0 $0x0  }
0xaf: {  	s26 =	simm.s32 @!p0 $0x18EA0;
	[sflag:s24] =	ssyncadd.s32 @!p0 $0xFFFFFF80  }
0xb0: {  	[tilespmem:s26], [sflag:$0x2] =	stream.linear.gather @!p0 [hbm4b:s20+s0], $0x4800, $0x38;
	[tilespmem:$0x1D720] =	vst v63  }
0xb1: {  	s31 =	sadd.s32 $0x20, s18;
	_ =	swait.ge @!p0 [sflag:s24], $0x4800  }
0xb2: {  	p1 =	sgt.u32 s31, $0x4E1;
	s25 =	simm.s32 $0x40;
	[sflag:s24] =	ssyncset.done @!p0 $0x0  }
0xb3: {  	s28 =	simm.s32 @!p0 $0x1;
	s0 =	simm.s32 @!p0 $0x80;
	[sflag:s24] =	ssyncadd.s32 @!p0 $0xFFFFB800  }
0xb4: {  	[spmem:s2] =	stream.indirect.scatter.add.f32 @!p0 [tilespmem:s26], [sflag:$0x1], $0x90, s1, s0, $0xb8;
	[tilespmem:$0x1D720] =	vst v63  }
0xb5: {  	s24 =	sadd.s32 $0x12000, s20;
	s26 =	sadd.s32 $0x200, s14;
	_ =	swait.ge @!p0 [sflag:s28], $0x4800  }
.LBB2_8:
0xb6: {  	s0 =	simm.s32 @!p1 $0x0  }
0xb7: {  	s1 =	simm.s32 @!p1 $0x1D6A0;
	[sflag:s28] =	ssyncset.done @!p0 $0x0;
	s29 =	smov.u32 s25  }
0xb8: {  	s25 =	sadd.s32 $0x20, s25;
	s30 =	simm.s32 @!p1 $0x2;
	[sflag:s28] =	ssyncadd.s32 @!p0 $0xFFFFB800  }
0xb9: {  	[tilespmem:s1], [sflag:$0x2] =	stream.linear.gather @!p1 [hbm4b:s26+s0], $0x80, $0x38;
	[tilespmem:$0x1D720] =	vst v63  }
0xba: {  	p2 =	sne.s32 s25, $0x500;
	p0 =	por p1, p1;
	_ =	swait.ge @!p1 [sflag:s30], $0x80  }
0xbb: {  	[sflag:s30] =	ssyncset.done @!p0 $0x0  }
0xbc: {  	s31 =	simm.s32 @!p0 $0x18EA0;
	[sflag:s30] =	ssyncadd.s32 @!p0 $0xFFFFFF80  }
0xbd: {  	[tilespmem:s31], [sflag:$0x2] =	stream.linear.gather @!p0 [hbm4b:s24+s0], $0x4800, $0x38;
	[tilespmem:$0x1D720] =	vst v63  }
.Ltmp3:
0xbe: {  	_ =	swait.ge @!p0 [sflag:s30], $0x4800;
	(pc) =	sbr.rel @p2 .LBB2_8-.Ltmp3, $4  }
0xbf: {  	s28 =	simm.s32 @!p0 $0x1;
	s24 =	sadd.s32 $0x12000, s24;
	[sflag:s30] =	ssyncset.done @!p0 $0x0  }
0xc0: {  	s0 =	sadd.s32 s29, s18;
	s29 =	simm.s32 @!p0 $0x80;
	[sflag:s30] =	ssyncadd.s32 @!p0 $0xFFFFB800  }
0xc1: {  	[spmem:s2] =	stream.indirect.scatter.add.f32 @!p0 [tilespmem:s31], [sflag:$0x1], $0x90, s1, s29, $0xb8;
	[tilespmem:$0x1D720] =	vst v63  }
0xc2: {  	s26 =	sadd.s32 $0x200, s26;
	p1 =	sgt.u32 s0, $0x4E1;
	_ =	swait.ge @!p0 [sflag:s28], $0x4800  }
0xc3: {  	s0 =	simm.s32 @!p1 $0x0;
	[sflag:s28] =	ssyncset.done @!p0 $0x0  }
0xc4: {  	s1 =	simm.s32 @!p1 $0x1D6A0;
	s25 =	simm.s32 @!p1 $0x2;
	[sflag:s28] =	ssyncadd.s32 @!p0 $0xFFFFB800  }
0xc5: {  	[tilespmem:s1], [sflag:$0x2] =	stream.linear.gather @!p1 [hbm4b:s26+s0], $0x80, $0x38;
	[tilespmem:$0x1D720] =	vst v63  }
0xc6: {  	p0 =	por p1, p1;
	_ =	swait.ge @!p1 [sflag:s25], $0x80  }
0xc7: {  	[sflag:s25] =	ssyncset.done @!p0 $0x0  }
0xc8: {  	s26 =	simm.s32 @!p0 $0x18EA0;
	[sflag:s25] =	ssyncadd.s32 @!p0 $0xFFFFFF80  }
0xc9: {  	[tilespmem:s26], [sflag:$0x2] =	stream.linear.gather @!p0 [hbm4b:s24+s0], $0x4800, $0x38;
	[tilespmem:$0x1D720] =	vst v63  }
0xca: {  	_ =	swait.ge @!p0 [sflag:s25], $0x4800  }
0xcb: {  	[sflag:s25] =	ssyncset.done @!p0 $0x0  }
0xcc: {  	s0 =	simm.s32 @!p0 $0x1;
	s24 =	simm.s32 @!p0 $0x80;
	[sflag:s25] =	ssyncadd.s32 @!p0 $0xFFFFB800  }
0xcd: {  	[spmem:s2] =	stream.indirect.scatter.add.f32 @!p0 [tilespmem:s26], [sflag:$0x1], $0x90, s1, s24, $0xb8;
	[tilespmem:$0x1D720] =	vst v63  }
0xce: {  	_ =	swait.ge @!p0 [sflag:s0], $0x4800  }
0xcf: {  	[sflag:s0] =	ssyncset.done @!p0 $0x0  }
0xd0: {  	[sflag:s0] =	ssyncadd.s32 @!p0 $0xFFFFB800  }
0xd1: {  	[bflag:$0x0] =	sbarrier.arrive $0xFFFF  }
0xd2: {  	[hbm:s11], [sflag:s8] =	dma.local [spmem:s22], $0x2BF2  }
0xd3: {  	_ =	swait.ge [sflag:s23], $0x2BF2  }
0xd4: {  	[sflag:s23] =	ssyncset.done $0x0  }
0xd5: {  	[sflag:s23] =	ssyncadd.s32 $0xFFFFD40E  }
0xd6: {  	[bflag:$0x0] =	sbarrier.arrive $0xFFFF  }
0xd7: {  	s24 =	sshrl.u32 s12, $0x3;
	s26 =	rddreg [dreg:$0x6]  }
0xd8: {  	[spmem:s24], [sflag:s8] =	dma.local [hbm:s26], $0x4E2  }
0xd9: {  	s30 =	sadd.s32 $0x0, s18;
	_ =	swait.ge [sflag:s23], $0x4E2  }
0xda: {  	p0 =	sgt.u32 s30, $0x4E1;
	[sflag:s23] =	ssyncset.done $0x0  }
0xdb: {  	s0 =	simm.s32 @!p0 $0x0;
	[sflag:s23] =	ssyncadd.s32 $0xFFFFFB1E  }
0xdc: {  	s1 =	simm.s32 @!p0 $0x1D6A0;
	s25 =	simm.s32 @!p0 $0x2;
	[bflag:$0x0] =	sbarrier.arrive $0xFFFF  }
0xdd: {  	[tilespmem:s1], [sflag:$0x2] =	stream.linear.gather @!p0 [hbm4b:s14+s0], $0x80, $0x38;
	[tilespmem:$0x1D720] =	vst v63  }
0xde: {  	_ =	swait.ge @!p0 [sflag:s25], $0x80;
	p0 =	por p0, p0  }
0xdf: {  	[sflag:s25] =	ssyncset.done @!p0 $0x0  }
0xe0: {  	s28 =	simm.s32 @!p0 $0x186A0;
	[sflag:s25] =	ssyncadd.s32 @!p0 $0xFFFFFF80  }
0xe1: {  	[tilespmem:s28], [sflag:$0x2] =	stream.linear.gather @!p0 [hbm4b:s21+s0], $0x800, $0x38;
	[tilespmem:$0x1D720] =	vst v63  }
0xe2: {  	s31 =	sadd.s32 $0x20, s18;
	_ =	swait.ge @!p0 [sflag:s25], $0x800  }
0xe3: {  	p1 =	sgt.u32 s31, $0x4E1;
	s26 =	simm.s32 $0x40;
	[sflag:s25] =	ssyncset.done @!p0 $0x0  }
0xe4: {  	s29 =	simm.s32 @!p0 $0x1;
	s0 =	simm.s32 @!p0 $0x80;
	[sflag:s25] =	ssyncadd.s32 @!p0 $0xFFFFF800  }
0xe5: {  	[spmem:s3] =	stream.indirect.scatter.add.f32 @!p0 [tilespmem:s28], [sflag:$0x1], $0x10, s1, s0, $0xb8;
	[tilespmem:$0x1D720] =	vst v63  }
0xe6: {  	s25 =	sadd.s32 $0x2000, s21;
	s28 =	sadd.s32 $0x200, s14;
	_ =	swait.ge @!p0 [sflag:s29], $0x800  }
.LBB2_10:
0xe7: {  	s0 =	simm.s32 @!p1 $0x0  }
0xe8: {  	s1 =	simm.s32 @!p1 $0x1D6A0;
	[sflag:s29] =	ssyncset.done @!p0 $0x0;
	s30 =	smov.u32 s26  }
0xe9: {  	s26 =	sadd.s32 $0x20, s26;
	s31 =	simm.s32 @!p1 $0x2;
	[sflag:s29] =	ssyncadd.s32 @!p0 $0xFFFFF800  }
0xea: {  	[tilespmem:s1], [sflag:$0x2] =	stream.linear.gather @!p1 [hbm4b:s28+s0], $0x80, $0x38;
	[tilespmem:$0x1D720] =	vst v63  }
0xeb: {  	p2 =	sne.s32 s26, $0x500;
	p0 =	por p1, p1;
	_ =	swait.ge @!p1 [sflag:s31], $0x80  }
0xec: {  	[sflag:s31] =	ssyncset.done @!p0 $0x0  }
0xed: {  	s5 =	simm.s32 @!p0 $0x186A0;
	[sflag:s31] =	ssyncadd.s32 @!p0 $0xFFFFFF80  }
0xee: {  	[tilespmem:s5], [sflag:$0x2] =	stream.linear.gather @!p0 [hbm4b:s25+s0], $0x800, $0x38;
	[tilespmem:$0x1D720] =	vst v63  }
.Ltmp4:
0xef: {  	_ =	swait.ge @!p0 [sflag:s31], $0x800;
	(pc) =	sbr.rel @p2 .LBB2_10-.Ltmp4, $4  }
0xf0: {  	s29 =	simm.s32 @!p0 $0x1;
	s25 =	sadd.s32 $0x2000, s25;
	[sflag:s31] =	ssyncset.done @!p0 $0x0  }
0xf1: {  	s0 =	sadd.s32 s30, s18;
	s30 =	simm.s32 @!p0 $0x80;
	[sflag:s31] =	ssyncadd.s32 @!p0 $0xFFFFF800  }
0xf2: {  	[spmem:s3] =	stream.indirect.scatter.add.f32 @!p0 [tilespmem:s5], [sflag:$0x1], $0x10, s1, s30, $0xb8;
	[tilespmem:$0x1D720] =	vst v63  }
0xf3: {  	s28 =	sadd.s32 $0x200, s28;
	p1 =	sgt.u32 s0, $0x4E1;
	_ =	swait.ge @!p0 [sflag:s29], $0x800  }
0xf4: {  	s0 =	simm.s32 @!p1 $0x0;
	[sflag:s29] =	ssyncset.done @!p0 $0x0  }
0xf5: {  	s1 =	simm.s32 @!p1 $0x1D6A0;
	s5 =	simm.s32 @!p1 $0x2;
	[sflag:s29] =	ssyncadd.s32 @!p0 $0xFFFFF800  }
0xf6: {  	[tilespmem:s1], [sflag:$0x2] =	stream.linear.gather @!p1 [hbm4b:s28+s0], $0x80, $0x38;
	[tilespmem:$0x1D720] =	vst v63  }
0xf7: {  	p0 =	por p1, p1;
	_ =	swait.ge @!p1 [sflag:s5], $0x80  }
0xf8: {  	[sflag:s5] =	ssyncset.done @!p0 $0x0  }
0xf9: {  	s26 =	simm.s32 @!p0 $0x186A0;
	[sflag:s5] =	ssyncadd.s32 @!p0 $0xFFFFFF80  }
0xfa: {  	[tilespmem:s26], [sflag:$0x2] =	stream.linear.gather @!p0 [hbm4b:s25+s0], $0x800, $0x38;
	[tilespmem:$0x1D720] =	vst v63  }
0xfb: {  	_ =	swait.ge @!p0 [sflag:s5], $0x800  }
0xfc: {  	[sflag:s5] =	ssyncset.done @!p0 $0x0  }
0xfd: {  	s0 =	simm.s32 @!p0 $0x1;
	[sflag:s5] =	ssyncadd.s32 @!p0 $0xFFFFF800;
	s5 =	simm.s32 @!p0 $0x80  }
0xfe: {  	[spmem:s3] =	stream.indirect.scatter.add.f32 @!p0 [tilespmem:s26], [sflag:$0x1], $0x10, s1, s5, $0xb8;
	[tilespmem:$0x1D720] =	vst v63  }
0xff: {  	_ =	swait.ge @!p0 [sflag:s0], $0x800  }
0x100: {  	[sflag:s0] =	ssyncset.done @!p0 $0x0  }
0x101: {  	s4 =	sadd.s32 $0x1, s4;
	[sflag:s0] =	ssyncadd.s32 @!p0 $0xFFFFF800  }
0x102: {  	p0 =	sne.s32 s4, s15;
	[bflag:$0x0] =	sbarrier.arrive $0xFFFF  }
0x103: {  	[hbm:s13], [sflag:s8] =	dma.local [spmem:s24], $0x4E2  }
.Ltmp5:
0x104: {  	_ =	swait.ge [sflag:s23], $0x4E2;
	(pc) =	sbr.rel @p0 .LBB2_1-.Ltmp5, $3  }
0x105: {  	[sflag:s23] =	ssyncset.done $0x0  }
0x106: {  	[sflag:s23] =	ssyncadd.s32 $0xFFFFFB1E  }
0x107: {  	[bflag:$0x0] =	sbarrier.arrive $0xFFFF;
	_ =	sdelay $0x1  }
0x108: {  	_ =	sfence.sel $0x180000  }
0x109: {  	[bflag:$0x0] =	sbarrier.arrive $0xFFFF  }
0x10a: {  	_ =	strace $0x9000004A  }
0x10b: {  	s0 =	stileid.u32;
	[bflag:$0x2] =	sbarrier.arrive $0xFFFF  }
0x10c: {  	p0 =	sne.s32 s0, $0x0;
	s0 =	rddreg [dreg:$0x5]  }
0x10d: {  	s0 =	sadd.s32 @!p0 $0x100000, s0  }
0x10e: {  	[sflag:s0] =	ssyncadd.tile.s32 @!p0 $0x1;
	_ =	shalt  }
.Lfunc_end2:
_tile_overlayer_lowered:
.L_overlay_start_2:
0x10f: {  	(tag) =	ssettag $0x2  }
0x110: {  	s0 =	rddreg [dreg:$0x0];
	s2 =	stileid.u32  }
0x111: {  	s1 =	rddreg [dreg:$0x1];
	p0 =	sne.s32 s2, $0x0  }
0x112: {  	s3 =	rddreg [dreg:$0x2];
	[bflag:$0x3] =	sbarrier.arrive $0xFFFF;
	s2 =	simm.s32 @!p0 $0x1C01  }
0x113: {  	[timem:s3], [sflag:s2] =	dma.local @!p0 [hbm:s0], s1  }
0x114: {  	s0 =	simm.s32 @!p0 $0x1  }
0x115: {  	_ =	swait.ge @!p0 [sflag:s0], s1  }
0x116: {  	s1 =	ssub.s32 @!p0 $0x0, s1;
	[sflag:s0] =	ssyncset.done @!p0 $0x0  }
0x117: {  	[sflag:s0] =	ssyncadd.s32 @!p0 s1  }
0x118: {  	[bflag:$0x3] =	sbarrier.arrive $0xFFFF  }
0x119: {  	_ =	shalt  }

// kernel: kernel.17.cloned.1.call-start
scs
__scs_entry_jumppad:
0x0: {  	(pc) =	sbr.rel $0x88, $3  }
0x1: {  	(tag) =	ssettag $0x0;
	lr =	simm.s32 $0x1  }
0x2: {  	[smem:$0x3F81] =	sst lr;
	_ =	strace $0xD0000000  }
0x3: {  	_ = 	snop  }
0x4: {  	_ = 	snop  }
0x5: {  	_ = 	snop  }
0x6: {  	_ = 	snop  }
0x7: {  	_ = 	snop  }
__scs_overlays_trampoline_lowered:
0x8: {  	[smem:$0x3F90] =	sst s0  }
0x9: {  	[smem:$0x3F91] =	sst s1  }
0xa: {  	[smem:$0x3F92] =	sst s2  }
0xb: {  	[smem:$0x3F93] =	sst s3  }
0xc: {  	[smem:$0x3F94] =	sst s4  }
0xd: {  	[smem:$0x3F95] =	sst s5  }
0xe: {  	[smem:$0x3F96] =	sst s6  }
0xf: {  	[smem:$0x3F97] =	sst s7  }
0x10: {  	[smem:$0x3F98] =	sst s8  }
0x11: {  	[smem:$0x3F99] =	sst s9;
	s0 =	simm.s32 @!p0 $0x0  }
0x12: {  	s1 =	sld [smem:$0x3F7F];
	s0 =	simm.s32 @p0 $0x1  }
0x13: {  	[smem:$0x3F9A] =	sst s0;
	s0 =	simm.s32 @!p1 $0x0  }
0x14: {  	s2 =	sld [smem:$0x3F7E];
	s0 =	simm.s32 @p1 $0x1  }
0x15: {  	[smem:$0x3F9B] =	sst s0;
	s0 =	simm.s32 @!p2 $0x0  }
0x16: {  	s3 =	sld [smem:$0x3FDB];
	s0 =	simm.s32 @p2 $0x1  }
0x17: {  	s4 =	simm.s32 $0x1BF5;
	[smem:$0x3F9D] =	sst s0  }
0x18: {  	s0 =	sld [smem:$0x3F80];
	_ =	swait.ge [sflag:s4], $0x0  }
0x19: {  	s7 =	sld [smem:$0x3F81]  }
0x1a: {  	s8 =	sadd.s32 $0xFFFFE003, lr  }
0x1b: {  	s9 =	sadd.s32 $0xFFFFFEF7, lr;
	s5 =	simm.s32 $0xFFFFFFFF;
	p2 =	slt.u32 s8, $0xFFFFF086  }
0x1c: {  	p1 =	slt.u32 s9, $0xF7A;
	s5 =	simm.s32 @!p2 $0x0  }
0x1d: {  	s5 =	simm.s32 @p1 $0x1;
	p0 =	seq.s32 s7, s2  }
0x1e: {  	s7 =	smul.u32 @!p0 $0xF7A, s2;
	p2 =	seq.s32 @!p0 s5, $0x0  }
0x1f: {  	s9 =	smul.u32 $0xF7A, s1;
	s8 =	simm.s32 @!p0 $0x1BF5;
	p2 =	por !p2, p0  }
0x20: {  	[sflag:s8] =	ssyncset.s32 @!p0 $0xFFFFF086;
	s6 =	sadd.s32 @!p0 s3, s7;
	s7 =	simm.s32 @!p0 $0x108  }
0x21: {  	s3 =	sadd.s32 s3, s9;
	s6 =	sadd.s32 @!p0 $0x88, s6;
	s7 =	simm.s32 @p2 $0x1082  }
0x22: {  	[simem:s7], [sflag:s8] =	dma.local @!p0 [hbm:s6], $0xF7A  }
0x23: {  	s9 =	sor.u32 $0xD0000000, s2;
	s6 =	simm.s32 $0x108;
	_ =	swait.ge @!p0 [sflag:s8], $0x0  }
0x24: {  	s3 =	sadd.s32 $0x88, s3;
	s6 =	simm.s32 @!p1 $0x1082;
	[sflag:s4] =	ssyncset.s32 $0xFFFFF086  }
0x25: {  	[simem:s6], [sflag:s4] =	dma.local [hbm:s3], $0xF7A  }
0x26: {  	[smem:$0x3F81] =	sst s1;
	(tag) =	ssettag s2;
	_ =	strace s9  }
0x27: {  	s1 =	sld [smem:$0x3F91]  }
0x28: {  	s2 =	sld [smem:$0x3F92]  }
0x29: {  	s4 =	sld [smem:$0x3F94]  }
0x2a: {  	p0 =	seq.s32 s5, $0x0;
	s5 =	sld [smem:$0x3F95]  }
0x2b: {  	s6 =	sld [smem:$0x3F96]  }
0x2c: {  	s7 =	sld [smem:$0x3F97]  }
0x2d: {  	s3 =	simm.s32 $0x108;
	s8 =	sld [smem:$0x3F98]  }
0x2e: {  	s3 =	simm.s32 @!p0 $0x1082;
	s9 =	sld [smem:$0x3F99]  }
0x2f: {  	lr =	sadd.s32 s0, s3;
	s0 =	sld [smem:$0x3F90]  }
0x30: {  	s3 =	sld [smem:$0x3F93]  }
0x31: {  	[smem:$0x3F9C] =	sst s10  }
0x32: {  	s10 =	sld [smem:$0x3F9A];
	_ =	sdelay $0x3  }
0x33: {  	p0 =	seq.s32 s10, $0x1;
	s10 =	sld [smem:$0x3F9C];
	_ =	sdelay $0x3  }
0x34: {  	[smem:$0x3F9C] =	sst s10  }
0x35: {  	s10 =	sld [smem:$0x3F9B];
	_ =	sdelay $0x3  }
0x36: {  	p1 =	seq.s32 s10, $0x1;
	s10 =	sld [smem:$0x3F9C];
	_ =	sdelay $0x3  }
0x37: {  	[smem:$0x3F9C] =	sst s10  }
0x38: {  	s10 =	sld [smem:$0x3F9D]  }
0x39: {  	_ = 	snop;
	(pc) =	sbr.ind lr, $3  }
0x3a: {  	_ = 	snop  }
0x3b: {  	_ = 	snop  }
0x3c: {  	p2 =	seq.s32 s10, $0x1;
	s10 =	sld [smem:$0x3F9C]  }
0x3d: {  	_ =	shalt  }
0x3e: {  	_ =	shalt  }
0x3f: {  	_ =	shalt  }
0x40: {  	_ =	shalt  }
0x41: {  	_ =	shalt  }
0x42: {  	_ =	shalt  }
0x43: {  	_ =	shalt  }
0x44: {  	_ =	shalt  }
0x45: {  	_ =	shalt  }
0x46: {  	_ =	shalt  }
0x47: {  	_ =	shalt  }
0x48: {  	_ =	shalt  }
0x49: {  	_ =	shalt  }
0x4a: {  	_ =	shalt  }
0x4b: {  	_ =	shalt  }
0x4c: {  	_ =	shalt  }
0x4d: {  	_ =	shalt  }
0x4e: {  	_ =	shalt  }
0x4f: {  	_ =	shalt  }
0x50: {  	_ =	shalt  }
0x51: {  	_ =	shalt  }
0x52: {  	_ =	shalt  }
0x53: {  	_ =	shalt  }
0x54: {  	_ =	shalt  }
0x55: {  	_ =	shalt  }
0x56: {  	_ =	shalt  }
0x57: {  	_ =	shalt  }
0x58: {  	_ =	shalt  }
0x59: {  	_ =	shalt  }
0x5a: {  	_ =	shalt  }
0x5b: {  	_ =	shalt  }
0x5c: {  	_ =	shalt  }
0x5d: {  	_ =	shalt  }
0x5e: {  	_ =	shalt  }
0x5f: {  	_ =	shalt  }
0x60: {  	_ =	shalt  }
0x61: {  	_ =	shalt  }
0x62: {  	_ =	shalt  }
0x63: {  	_ =	shalt  }
0x64: {  	_ =	shalt  }
0x65: {  	_ =	shalt  }
0x66: {  	_ =	shalt  }
0x67: {  	_ =	shalt  }
0x68: {  	_ =	shalt  }
0x69: {  	_ =	shalt  }
0x6a: {  	_ =	shalt  }
0x6b: {  	_ =	shalt  }
0x6c: {  	_ =	shalt  }
0x6d: {  	_ =	shalt  }
0x6e: {  	_ =	shalt  }
0x6f: {  	_ =	shalt  }
0x70: {  	_ =	shalt  }
0x71: {  	_ =	shalt  }
0x72: {  	_ =	shalt  }
0x73: {  	_ =	shalt  }
0x74: {  	_ =	shalt  }
0x75: {  	_ =	shalt  }
0x76: {  	_ =	shalt  }
0x77: {  	_ =	shalt  }
0x78: {  	_ =	shalt  }
0x79: {  	_ =	shalt  }
0x7a: {  	_ =	shalt  }
0x7b: {  	_ =	shalt  }
0x7c: {  	_ =	shalt  }
0x7d: {  	_ =	shalt  }
0x7e: {  	_ =	shalt  }
0x7f: {  	_ =	shalt  }
0x80: {  	_ =	shalt  }
0x81: {  	_ =	shalt  }
0x82: {  	_ =	shalt  }
0x83: {  	_ =	shalt  }
0x84: {  	_ =	shalt  }
0x85: {  	_ =	shalt  }
0x86: {  	_ =	shalt  }
0x87: {  	_ =	shalt  }
.Lfunc_end0:
.L_simem_size_0:
called_computation.2_lowered:
.L_overlay_start_0:
0x88: {  	s2 =	sld [smem:$0x3FD9]  }
0x89: {  	s3 =	sld [smem:$0x3FFE];
	_ =	sdelay $0x1  }
0x8a: {  	s1 =	srdreg.scid  }
0x8b: {  	s0 =	sand.u32 $0x1, s1  }
0x8c: {  	s14 =	sshll.u32 s0, $0xA;
	s2 =	sadd.s32 s3, s2  }
0x8d: {  	s2 =	sadd.s32 s2, s14  }
0x8e: {  	[smem:$0x3FA8] =	sst s2  }
0x8f: {  	_ = 	snop  }
0x90: {  	s2 =	sld [smem:$0x3FD0];
	_ =	sdelay $0x2  }
0x91: {  	s15 =	simm.s32 $0xA;
	s4 =	simm.s32 $0x10  }
0x92: {  	[smem:s4], [sflag:s15] =	dma.local [hbm:s2], $0x1  }
0x93: {  	_ =	swait.eq [sflag:s15], $0x1  }
0x94: {  	[sflag:s15] =	ssyncset.done $0x0  }
0x95: {  	[sflag:s15] =	ssyncadd.s32 $0xFFFFFFFF  }
0x96: {  	s16 =	sld [smem:$0x10];
	(tm) =	ssettm $0x1  }
0x97: {  	s17 =	sld [smem:$0x3FFB];
	_ =	sdelay $0x3  }
0x98: {  	_ =	strace s17  }
0x99: {  	s3 =	sld [smem:$0x3FFC];
	_ =	sdelay $0x3  }
0x9a: {  	_ =	strace s3  }
0x9b: {  	s3 =	sld [smem:$0x3FFD];
	_ =	sdelay $0x3  }
0x9c: {  	_ =	strace s3  }
0x9d: {  	_ =	strace $0x8FFFFFFF  }
0x9e: {  	s18 =	sld [smem:$0x3FDB];
	_ =	sdelay $0x1  }
0x9f: {  	s19 =	simm.s32 $_scs_section_size  }
0xa0: {  	s5 =	simm.s32 $_size__tile_overlayer_lowered;
	s6 =	simm.s32 $_tile_overlayer_lowered  }
0xa1: {  	s22 =	simm.s32 $0x1BFF;
	s21 =	sshll.u32 s6, $0x1;
	s3 =	sadd.s32 s19, s18  }
0xa2: {  	s7 =	simm.s32 $0x0;
	s20 =	sshll.u32 s5, $0x1;
	s5 =	sadd.s32 s21, s3  }
0xa3: {  	[timem:s7], [sflag:s22] =	dma.local [hbm:s5], s20  }
0xa4: {  	_ =	swait.ge [sflag:s22], s20  }
0xa5: {  	s4 =	ssub.s32 $0x0, s20;
	[sflag:s22] =	ssyncset.done $0x0  }
0xa6: {  	[sflag:s22] =	ssyncadd.s32 s4;
	_ =	sdelay $0x1  }
0xa7: {  	s23 =	simm.s32 $0x1B8B  }
0xa8: {  	_ =	swait.ge [sflag:s23], $0x1  }
0xa9: {  	[sflag:s23] =	ssyncset.done $0x0  }
0xaa: {  	s25 =	simm.s32 $0x1B8E;
	s24 =	sld [smem:$0x3FFE];
	[sflag:s23] =	ssyncadd.s32 $0xFFFFFFFF  }
0xab: {  	s26 =	simm.s32 $execute0_lowered;
	[smem:$0x3FD2] =	sst s25  }
0xac: {  	s5 =	sshll.u32 s26, $0x1;
	_ =	strace $0x8000004C;
	[dreg:$0x1] =	wrdreg $0xFFFFFFFF  }
0xad: {  	s28 =	simm.s32 $_size_execute0_lowered;
	s3 =	sadd.s32 s3, s5;
	[dreg:$0x0] =	wrdreg $0x0  }
0xae: {  	s5 =	sshll.u32 s28, $0x1;
	[dreg:$0x2] =	wrdreg s3  }
0xaf: {  	[dreg:$0x3] =	wrdreg s5  }
0xb0: {  	[dreg:$0x4] =	wrdreg $0xC0  }
0xb1: {  	_ =	task [dreg:s7], $0x5FFFF  }
0xb2: {  	[dreg:$0x1] =	wrdreg $0xFFFFFFFF  }
0xb3: {  	[dreg:$0x0] =	wrdreg $0x60  }
0xb4: {  	[dreg:$0x2] =	wrdreg s16  }
0xb5: {  	[dreg:$0x3] =	wrdreg s24  }
0xb6: {  	[dreg:$0x4] =	wrdreg $0x9  }
0xb7: {  	_ =	task.clear_ibuf [dreg:s7], $0x5FFFF;
	_ =	strace $0x9000004C  }
0xb8: {  	s29 =	simm.s32 $0x9;
	_ =	strace $0x8000004E  }
0xb9: {  	_ =	swait.ge [sflag:s29], $0x1  }
0xba: {  	[sflag:s29] =	ssyncadd.s32 $0xFFFFFFFF  }
0xbb: {  	_ =	strace $0x9000004E  }
0xbc: {  	_ =	sfence  }
0xbd: {  	s30 =	sld [smem:$0x0];
	_ =	sdelay $0x2  }
0xbe: {  	s31 =	sshll.u32 s1, $0xD;
	s1 =	sshrl.u32 s1, $0x2  }
0xbf: {  	s3 =	sand.u32 $0x4000, s31;
	s1 =	sadd.s32 s1, s30  }
0xc0: {  	s0 =	sor.u32 s3, s0;
	s1 =	sshll.u32 s1, $0x11  }
0xc1: {  	s0 =	sor.u32 s1, s0  }
0xc2: {  	s0 =	sadd.s32 $0x8F2B, s0  }
0xc3: {  	[sflag:s0] =	ssyncadd.remote.s32 $0x1  }
0xc4: {  	_ =	sfence.sel $0xFFFF  }
0xc5: {  	[dreg:$0x0] =	wrdreg $0xFFFFFFFF;
	(pc) =	sbr.abs _section_cstart, $3  }
0xc6: {  	[dreg:$0x1] =	wrdreg $0xFFFFFFFF  }
0xc7: {  	_ =	task.clear_ibuf [dreg:s7], $0x2FFFF;
	_ =	strace $0x9FFFFFFF  }
0xc8: {  	(tm) =	ssettm $0x7FFFFFFF  }
0xc9: {  	_ =	shalt  }
tec
execute0_lowered:
.L_overlay_start_1:
0x0: {  	(tag) =	ssettag $0x1  }
0x1: {  	s1 =	rddreg [dreg:$0x0]  }
0x2: {  	s4 =	rddreg [dreg:$0x1]  }
0x3: {  	s0 =	rddreg [dreg:$0x2]  }
0x4: {  	s3 =	simm.s32 $0x0;
	s5 =	srdreg.scid;
	s2 =	stileid.u32  }
0x5: {  	[smem:$0x7FF] =	sst s3;
	s5 =	sand.u32 $0x1, s5;
	s6 =	sshll.u32 s2, $0x5  }
0x6: {  	s7 =	sshll.u32 s2, $0xC;
	_ =	strace $0x8000004D;
	s8 =	ssub.s32 $0x2, s5  }
0x7: {  	s6 =	sadd.s32 s6, s4;
	s7 =	sadd.s32 s7, s4;
	s9 =	sshll.u32 s5, $0xB  }
0x8: {  	s5 =	sshll.u32 s5, $0x4;
	s4 =	sshll.u32 s2, $0x1;
	s30 =	sshrl.u32 s8, $0x1  }
0x9: {  	s7 =	sadd.s32 s9, s7;
	s31 =	sadd.s32 s5, s6;
	s8 =	ssub.s32 s8, s30  }
0xa: {  	s6 =	sadd.s32 $0x13200, s7;
	s7 =	sadd.s32 $0x9200, s31;
	s5 =	smax.u32 s8, $0x1  }
.LBB2_1:
0xb: {  	s8 =	sadd.s32 $0x0, s4  }
0xc: {  	p0 =	sgt.u32 s8, $0x4E1  }
0xd: {  	s8 =	simm.s32 @!p0 $0x0;
	s9 =	simm.s32 @!p0 $0x3  }
0xe: {  	[tilespmem:s8], [sflag:$0x3] =	stream.linear.gather @!p0 [hbm4b:s7+s8], $0x80, $0x38;
	[tilespmem:$0x4080] =	vst v63  }
0xf: {  	_ =	swait.ge @!p0 [sflag:s9], $0x80  }
0x10: {  	[sflag:s9] =	ssyncset.done @!p0 $0x0;
	p0 =	por p0, p0  }
0x11: {  	[sflag:s9] =	ssyncadd.s32 @!p0 $0xFFFFFF80;
	s10 =	simm.s32 @!p0 $0x80;
	s11 =	simm.s32 @!p0 $0x1  }
0x12: {  	[tilespmem:s10], [sflag:$0x1] =	stream.indirect.gather @!p0 [hbm4b:s1+s10], $0x80, s8, s10, $0xb8;
	[tilespmem:$0x4080] =	vst v63  }
0x13: {  	_ =	swait.ge @!p0 [sflag:s11], $0x4000  }
0x14: {  	[sflag:s11] =	ssyncset.done @!p0 $0x0  }
0x15: {  	s31 =	sadd.s32 $0x20, s4;
	[sflag:s11] =	ssyncadd.s32 @!p0 $0xFFFFC000;
	s11 =	simm.s32 @!p0 $0x2  }
0x16: {  	[hbm4b:s6+s8] =	stream.linear.scatter @!p0 [tilespmem:s10], [sflag:$0x2], $0x4000, $0x38;
	[tilespmem:$0x4080] =	vst v63  }
0x17: {  	p1 =	sgt.u32 s31, $0x4E1;
	s9 =	simm.s32 $0x40;
	_ =	swait.ge @!p0 [sflag:s11], $0x4000  }
0x18: {  	s10 =	sadd.s32 $0x200, s7;
	s8 =	sadd.s32 $0x10000, s6;
	[sflag:s11] =	ssyncset.done @!p0 $0x0  }
.LBB2_2:
0x19: {  	s12 =	simm.s32 @!p1 $0x0;
	s13 =	simm.s32 @!p1 $0x3;
	[sflag:s11] =	ssyncadd.s32 @!p0 $0xFFFFC000  }
0x1a: {  	[tilespmem:s12], [sflag:$0x3] =	stream.linear.gather @!p1 [hbm4b:s10+s12], $0x80, $0x38;
	[tilespmem:$0x4080] =	vst v63  }
0x1b: {  	s14 =	smov.u32 s9;
	s9 =	sadd.s32 $0x20, s9;
	_ =	swait.ge @!p1 [sflag:s13], $0x80  }
0x1c: {  	p0 =	por p1, p1;
	p2 =	sne.s32 s9, $0x500;
	[sflag:s13] =	ssyncset.done @!p1 $0x0  }
0x1d: {  	s11 =	simm.s32 @!p0 $0x1;
	[sflag:s13] =	ssyncadd.s32 @!p0 $0xFFFFFF80;
	s13 =	simm.s32 @!p0 $0x80  }
0x1e: {  	[tilespmem:s13], [sflag:$0x1] =	stream.indirect.gather @!p0 [hbm4b:s1+s13], $0x80, s12, s13, $0xb8;
	[tilespmem:$0x4080] =	vst v63  }
0x1f: {  	_ =	swait.ge @!p0 [sflag:s11], $0x4000  }
.Ltmp0:
0x20: {  	[sflag:s11] =	ssyncset.done @!p0 $0x0;
	(pc) =	sbr.rel @p2 .LBB2_2-.Ltmp0, $4  }
0x21: {  	[sflag:s11] =	ssyncadd.s32 @!p0 $0xFFFFC000;
	s11 =	simm.s32 @!p0 $0x2  }
0x22: {  	[hbm4b:s8+s12] =	stream.linear.scatter @!p0 [tilespmem:s13], [sflag:$0x2], $0x4000, $0x38;
	[tilespmem:$0x4080] =	vst v63  }
0x23: {  	s10 =	sadd.s32 $0x200, s10;
	s12 =	sadd.s32 s14, s4;
	_ =	swait.ge @!p0 [sflag:s11], $0x4000  }
0x24: {  	s8 =	sadd.s32 $0x10000, s8;
	p1 =	sgt.u32 s12, $0x4E1;
	[sflag:s11] =	ssyncset.done @!p0 $0x0  }
0x25: {  	s9 =	simm.s32 @!p1 $0x0;
	s12 =	simm.s32 @!p1 $0x3;
	[sflag:s11] =	ssyncadd.s32 @!p0 $0xFFFFC000  }
0x26: {  	[tilespmem:s9], [sflag:$0x3] =	stream.linear.gather @!p1 [hbm4b:s10+s9], $0x80, $0x38;
	[tilespmem:$0x4080] =	vst v63  }
0x27: {  	_ =	swait.ge @!p1 [sflag:s12], $0x80  }
0x28: {  	p0 =	por p1, p1;
	[sflag:s12] =	ssyncset.done @!p1 $0x0  }
0x29: {  	s10 =	simm.s32 @!p0 $0x80;
	s11 =	simm.s32 @!p0 $0x1;
	[sflag:s12] =	ssyncadd.s32 @!p0 $0xFFFFFF80  }
0x2a: {  	[tilespmem:s10], [sflag:$0x1] =	stream.indirect.gather @!p0 [hbm4b:s1+s10], $0x80, s9, s10, $0xb8;
	[tilespmem:$0x4080] =	vst v63  }
0x2b: {  	s3 =	sadd.s32 $0x1, s3;
	_ =	swait.ge @!p0 [sflag:s11], $0x4000  }
0x2c: {  	p1 =	sne.s32 s3, s5;
	[sflag:s11] =	ssyncset.done @!p0 $0x0  }
.Ltmp1:
0x2d: {  	[sflag:s11] =	ssyncadd.s32 @!p0 $0xFFFFC000;
	s11 =	simm.s32 @!p0 $0x2;
	(pc) =	sbr.rel @p1 .LBB2_1-.Ltmp1, $4  }
0x2e: {  	[hbm4b:s8+s9] =	stream.linear.scatter @!p0 [tilespmem:s10], [sflag:$0x2], $0x4000, $0x38;
	[tilespmem:$0x4080] =	vst v63  }
0x2f: {  	_ =	swait.ge @!p0 [sflag:s11], $0x4000  }
0x30: {  	[sflag:s11] =	ssyncset.done @!p0 $0x0  }
0x31: {  	[sflag:s11] =	ssyncadd.s32 @!p0 $0xFFFFC000  }
0x32: {  	_ =	sfence.sel $0x180000  }
0x33: {  	[bflag:$0x0] =	sbarrier.arrive $0xFFFF  }
0x34: {  	p0 =	sne.s32 s2, $0x0;
	_ =	strace $0x9000004D  }
0x35: {  	s0 =	sadd.s32 @!p0 $0x100000, s0;
	[bflag:$0x2] =	sbarrier.arrive $0xFFFF  }
0x36: {  	[sflag:s0] =	ssyncadd.tile.s32 @!p0 $0x1;
	_ =	shalt  }
.Lfunc_end2:
_tile_overlayer_lowered:
.L_overlay_start_2:
0x37: {  	(tag) =	ssettag $0x2  }
0x38: {  	s0 =	rddreg [dreg:$0x0];
	s2 =	stileid.u32  }
0x39: {  	s1 =	rddreg [dreg:$0x1];
	p0 =	sne.s32 s2, $0x0  }
0x3a: {  	s3 =	rddreg [dreg:$0x2];
	[bflag:$0x3] =	sbarrier.arrive $0xFFFF;
	s2 =	simm.s32 @!p0 $0x1C02  }
0x3b: {  	[timem:s3], [sflag:s2] =	dma.local @!p0 [hbm:s0], s1  }
0x3c: {  	s0 =	simm.s32 @!p0 $0x2  }
0x3d: {  	_ =	swait.ge @!p0 [sflag:s0], s1  }
0x3e: {  	s1 =	ssub.s32 @!p0 $0x0, s1;
	[sflag:s0] =	ssyncset.done @!p0 $0x0  }
0x3f: {  	[sflag:s0] =	ssyncadd.s32 @!p0 s1  }
0x40: {  	[bflag:$0x3] =	sbarrier.arrive $0xFFFF  }
0x41: {  	_ =	shalt  }

// kernel: kernel.20.cloned.1.call-start
scs
__scs_entry_jumppad:
0x0: {  	(pc) =	sbr.rel $0x88, $3  }
0x1: {  	(tag) =	ssettag $0x0;
	lr =	simm.s32 $0x1  }
0x2: {  	[smem:$0x3F81] =	sst lr;
	_ =	strace $0xD0000000  }
0x3: {  	_ = 	snop  }
0x4: {  	_ = 	snop  }
0x5: {  	_ = 	snop  }
0x6: {  	_ = 	snop  }
0x7: {  	_ = 	snop  }
__scs_overlays_trampoline_lowered:
0x8: {  	[smem:$0x3F90] =	sst s0  }
0x9: {  	[smem:$0x3F91] =	sst s1  }
0xa: {  	[smem:$0x3F92] =	sst s2  }
0xb: {  	[smem:$0x3F93] =	sst s3  }
0xc: {  	[smem:$0x3F94] =	sst s4  }
0xd: {  	[smem:$0x3F95] =	sst s5  }
0xe: {  	[smem:$0x3F96] =	sst s6  }
0xf: {  	[smem:$0x3F97] =	sst s7  }
0x10: {  	[smem:$0x3F98] =	sst s8  }
0x11: {  	[smem:$0x3F99] =	sst s9;
	s0 =	simm.s32 @!p0 $0x0  }
0x12: {  	s1 =	sld [smem:$0x3F7F];
	s0 =	simm.s32 @p0 $0x1  }
0x13: {  	[smem:$0x3F9A] =	sst s0;
	s0 =	simm.s32 @!p1 $0x0  }
0x14: {  	s2 =	sld [smem:$0x3F7E];
	s0 =	simm.s32 @p1 $0x1  }
0x15: {  	[smem:$0x3F9B] =	sst s0;
	s0 =	simm.s32 @!p2 $0x0  }
0x16: {  	s3 =	sld [smem:$0x3FDB];
	s0 =	simm.s32 @p2 $0x1  }
0x17: {  	s4 =	simm.s32 $0x1BF5;
	[smem:$0x3F9D] =	sst s0  }
0x18: {  	s0 =	sld [smem:$0x3F80];
	_ =	swait.ge [sflag:s4], $0x0  }
0x19: {  	s7 =	sld [smem:$0x3F81]  }
0x1a: {  	s8 =	sadd.s32 $0xFFFFE003, lr  }
0x1b: {  	s9 =	sadd.s32 $0xFFFFFEF7, lr;
	s5 =	simm.s32 $0xFFFFFFFF;
	p2 =	slt.u32 s8, $0xFFFFF086  }
0x1c: {  	p1 =	slt.u32 s9, $0xF7A;
	s5 =	simm.s32 @!p2 $0x0  }
0x1d: {  	s5 =	simm.s32 @p1 $0x1;
	p0 =	seq.s32 s7, s2  }
0x1e: {  	s7 =	smul.u32 @!p0 $0xF7A, s2;
	p2 =	seq.s32 @!p0 s5, $0x0  }
0x1f: {  	s9 =	smul.u32 $0xF7A, s1;
	s8 =	simm.s32 @!p0 $0x1BF5;
	p2 =	por !p2, p0  }
0x20: {  	[sflag:s8] =	ssyncset.s32 @!p0 $0xFFFFF086;
	s6 =	sadd.s32 @!p0 s3, s7;
	s7 =	simm.s32 @!p0 $0x108  }
0x21: {  	s3 =	sadd.s32 s3, s9;
	s6 =	sadd.s32 @!p0 $0x88, s6;
	s7 =	simm.s32 @p2 $0x1082  }
0x22: {  	[simem:s7], [sflag:s8] =	dma.local @!p0 [hbm:s6], $0xF7A  }
0x23: {  	s9 =	sor.u32 $0xD0000000, s2;
	s6 =	simm.s32 $0x108;
	_ =	swait.ge @!p0 [sflag:s8], $0x0  }
0x24: {  	s3 =	sadd.s32 $0x88, s3;
	s6 =	simm.s32 @!p1 $0x1082;
	[sflag:s4] =	ssyncset.s32 $0xFFFFF086  }
0x25: {  	[simem:s6], [sflag:s4] =	dma.local [hbm:s3], $0xF7A  }
0x26: {  	[smem:$0x3F81] =	sst s1;
	(tag) =	ssettag s2;
	_ =	strace s9  }
0x27: {  	s1 =	sld [smem:$0x3F91]  }
0x28: {  	s2 =	sld [smem:$0x3F92]  }
0x29: {  	s4 =	sld [smem:$0x3F94]  }
0x2a: {  	p0 =	seq.s32 s5, $0x0;
	s5 =	sld [smem:$0x3F95]  }
0x2b: {  	s6 =	sld [smem:$0x3F96]  }
0x2c: {  	s7 =	sld [smem:$0x3F97]  }
0x2d: {  	s3 =	simm.s32 $0x108;
	s8 =	sld [smem:$0x3F98]  }
0x2e: {  	s3 =	simm.s32 @!p0 $0x1082;
	s9 =	sld [smem:$0x3F99]  }
0x2f: {  	lr =	sadd.s32 s0, s3;
	s0 =	sld [smem:$0x3F90]  }
0x30: {  	s3 =	sld [smem:$0x3F93]  }
0x31: {  	[smem:$0x3F9C] =	sst s10  }
0x32: {  	s10 =	sld [smem:$0x3F9A];
	_ =	sdelay $0x3  }
0x33: {  	p0 =	seq.s32 s10, $0x1;
	s10 =	sld [smem:$0x3F9C];
	_ =	sdelay $0x3  }
0x34: {  	[smem:$0x3F9C] =	sst s10  }
0x35: {  	s10 =	sld [smem:$0x3F9B];
	_ =	sdelay $0x3  }
0x36: {  	p1 =	seq.s32 s10, $0x1;
	s10 =	sld [smem:$0x3F9C];
	_ =	sdelay $0x3  }
0x37: {  	[smem:$0x3F9C] =	sst s10  }
0x38: {  	s10 =	sld [smem:$0x3F9D]  }
0x39: {  	_ = 	snop;
	(pc) =	sbr.ind lr, $3  }
0x3a: {  	_ = 	snop  }
0x3b: {  	_ = 	snop  }
0x3c: {  	p2 =	seq.s32 s10, $0x1;
	s10 =	sld [smem:$0x3F9C]  }
0x3d: {  	_ =	shalt  }
0x3e: {  	_ =	shalt  }
0x3f: {  	_ =	shalt  }
0x40: {  	_ =	shalt  }
0x41: {  	_ =	shalt  }
0x42: {  	_ =	shalt  }
0x43: {  	_ =	shalt  }
0x44: {  	_ =	shalt  }
0x45: {  	_ =	shalt  }
0x46: {  	_ =	shalt  }
0x47: {  	_ =	shalt  }
0x48: {  	_ =	shalt  }
0x49: {  	_ =	shalt  }
0x4a: {  	_ =	shalt  }
0x4b: {  	_ =	shalt  }
0x4c: {  	_ =	shalt  }
0x4d: {  	_ =	shalt  }
0x4e: {  	_ =	shalt  }
0x4f: {  	_ =	shalt  }
0x50: {  	_ =	shalt  }
0x51: {  	_ =	shalt  }
0x52: {  	_ =	shalt  }
0x53: {  	_ =	shalt  }
0x54: {  	_ =	shalt  }
0x55: {  	_ =	shalt  }
0x56: {  	_ =	shalt  }
0x57: {  	_ =	shalt  }
0x58: {  	_ =	shalt  }
0x59: {  	_ =	shalt  }
0x5a: {  	_ =	shalt  }
0x5b: {  	_ =	shalt  }
0x5c: {  	_ =	shalt  }
0x5d: {  	_ =	shalt  }
0x5e: {  	_ =	shalt  }
0x5f: {  	_ =	shalt  }
0x60: {  	_ =	shalt  }
0x61: {  	_ =	shalt  }
0x62: {  	_ =	shalt  }
0x63: {  	_ =	shalt  }
0x64: {  	_ =	shalt  }
0x65: {  	_ =	shalt  }
0x66: {  	_ =	shalt  }
0x67: {  	_ =	shalt  }
0x68: {  	_ =	shalt  }
0x69: {  	_ =	shalt  }
0x6a: {  	_ =	shalt  }
0x6b: {  	_ =	shalt  }
0x6c: {  	_ =	shalt  }
0x6d: {  	_ =	shalt  }
0x6e: {  	_ =	shalt  }
0x6f: {  	_ =	shalt  }
0x70: {  	_ =	shalt  }
0x71: {  	_ =	shalt  }
0x72: {  	_ =	shalt  }
0x73: {  	_ =	shalt  }
0x74: {  	_ =	shalt  }
0x75: {  	_ =	shalt  }
0x76: {  	_ =	shalt  }
0x77: {  	_ =	shalt  }
0x78: {  	_ =	shalt  }
0x79: {  	_ =	shalt  }
0x7a: {  	_ =	shalt  }
0x7b: {  	_ =	shalt  }
0x7c: {  	_ =	shalt  }
0x7d: {  	_ =	shalt  }
0x7e: {  	_ =	shalt  }
0x7f: {  	_ =	shalt  }
0x80: {  	_ =	shalt  }
0x81: {  	_ =	shalt  }
0x82: {  	_ =	shalt  }
0x83: {  	_ =	shalt  }
0x84: {  	_ =	shalt  }
0x85: {  	_ =	shalt  }
0x86: {  	_ =	shalt  }
0x87: {  	_ =	shalt  }
.Lfunc_end0:
.L_simem_size_0:
called_computation.3_lowered:
.L_overlay_start_0:
0x88: {  	s2 =	sld [smem:$0x3FD9]  }
0x89: {  	s3 =	sld [smem:$0x3FFE];
	_ =	sdelay $0x1  }
0x8a: {  	s1 =	srdreg.scid  }
0x8b: {  	s0 =	sand.u32 $0x1, s1  }
0x8c: {  	s16 =	sshll.u32 s0, $0xA;
	s2 =	sadd.s32 s3, s2  }
0x8d: {  	s2 =	sadd.s32 s2, s16  }
0x8e: {  	[smem:$0x3FA8] =	sst s2  }
0x8f: {  	_ = 	snop  }
0x90: {  	(tm) =	ssettm $0x1  }
0x91: {  	s17 =	sld [smem:$0x3FFB];
	_ =	sdelay $0x3  }
0x92: {  	_ =	strace s17  }
0x93: {  	s2 =	sld [smem:$0x3FFC];
	_ =	sdelay $0x3  }
0x94: {  	_ =	strace s2  }
0x95: {  	s2 =	sld [smem:$0x3FFD];
	_ =	sdelay $0x3  }
0x96: {  	_ =	strace s2  }
0x97: {  	_ =	strace $0x8FFFFFFF  }
0x98: {  	s18 =	sld [smem:$0x3FDB];
	_ =	sdelay $0x1  }
0x99: {  	s19 =	simm.s32 $_scs_section_size  }
0x9a: {  	s4 =	simm.s32 $_size__tile_overlayer_lowered;
	s5 =	simm.s32 $_tile_overlayer_lowered  }
0x9b: {  	s22 =	simm.s32 $0x1BFF;
	s21 =	sshll.u32 s5, $0x1;
	s2 =	sadd.s32 s19, s18  }
0x9c: {  	s6 =	simm.s32 $0x0;
	s20 =	sshll.u32 s4, $0x1;
	s4 =	sadd.s32 s21, s2  }
0x9d: {  	[timem:s6], [sflag:s22] =	dma.local [hbm:s4], s20  }
0x9e: {  	_ =	swait.ge [sflag:s22], s20  }
0x9f: {  	s3 =	ssub.s32 $0x0, s20;
	[sflag:s22] =	ssyncset.done $0x0  }
0xa0: {  	[sflag:s22] =	ssyncadd.s32 s3;
	_ =	sdelay $0x1  }
0xa1: {  	s23 =	simm.s32 $0x1B8B  }
0xa2: {  	_ =	swait.ge [sflag:s23], $0x1  }
0xa3: {  	[sflag:s23] =	ssyncset.done $0x0  }
0xa4: {  	s25 =	simm.s32 $0x1B8E;
	s24 =	sld [smem:$0x3FFE];
	[sflag:s23] =	ssyncadd.s32 $0xFFFFFFFF  }
0xa5: {  	s26 =	simm.s32 $execute0_lowered;
	[smem:$0x3FD2] =	sst s25  }
0xa6: {  	s4 =	sshll.u32 s26, $0x1;
	_ =	strace $0x8000004F;
	[dreg:$0x1] =	wrdreg $0xFFFFFFFF  }
0xa7: {  	s28 =	simm.s32 $_size_execute0_lowered;
	s2 =	sadd.s32 s2, s4;
	[dreg:$0x0] =	wrdreg $0x0  }
0xa8: {  	s4 =	sshll.u32 s28, $0x1;
	[dreg:$0x2] =	wrdreg s2  }
0xa9: {  	[dreg:$0x3] =	wrdreg s4  }
0xaa: {  	[dreg:$0x4] =	wrdreg $0xC0  }
0xab: {  	_ =	task [dreg:s6], $0x5FFFF  }
0xac: {  	[dreg:$0x1] =	wrdreg $0xFFFFFFFF  }
0xad: {  	[dreg:$0x0] =	wrdreg $0x60  }
0xae: {  	[dreg:$0x2] =	wrdreg s24  }
0xaf: {  	[dreg:$0x3] =	wrdreg $0x0  }
0xb0: {  	[dreg:$0x4] =	wrdreg $0x9  }
0xb1: {  	_ =	task.clear_ibuf [dreg:s6], $0x5FFFF;
	_ =	strace $0x9000004F  }
0xb2: {  	s29 =	simm.s32 $0x9;
	_ =	strace $0x80000051  }
0xb3: {  	_ =	swait.ge [sflag:s29], $0x1  }
0xb4: {  	[sflag:s29] =	ssyncadd.s32 $0xFFFFFFFF  }
0xb5: {  	_ =	strace $0x90000051  }
0xb6: {  	_ =	sfence  }
0xb7: {  	s30 =	sld [smem:$0x0];
	_ =	sdelay $0x2  }
0xb8: {  	s31 =	sshll.u32 s1, $0xD;
	s1 =	sshrl.u32 s1, $0x2  }
0xb9: {  	s3 =	sand.u32 $0x4000, s31;
	s1 =	sadd.s32 s1, s30  }
0xba: {  	s0 =	sor.u32 s3, s0;
	s1 =	sshll.u32 s1, $0x11  }
0xbb: {  	s0 =	sor.u32 s1, s0  }
0xbc: {  	s0 =	sadd.s32 $0x8F2B, s0  }
0xbd: {  	[sflag:s0] =	ssyncadd.remote.s32 $0x1  }
0xbe: {  	_ =	sfence.sel $0xFFFF  }
0xbf: {  	[dreg:$0x0] =	wrdreg $0xFFFFFFFF;
	(pc) =	sbr.abs _section_cstart, $3  }
0xc0: {  	[dreg:$0x1] =	wrdreg $0xFFFFFFFF  }
0xc1: {  	_ =	task.clear_ibuf [dreg:s6], $0x2FFFF;
	_ =	strace $0x9FFFFFFF  }
0xc2: {  	(tm) =	ssettm $0x7FFFFFFF  }
0xc3: {  	_ =	shalt  }
tec
execute0_lowered:
.L_overlay_start_1:
0x0: {  	(tag) =	ssettag $0x1  }
0x1: {  	s5 =	rddreg [dreg:$0x0]  }
0x2: {  	s2 =	rddreg [dreg:$0x1]  }
0x3: {  	s0 =	rddreg [dreg:$0x2];
	s1 =	stileid.u32  }
0x4: {  	s6 =	srdreg.scid;
	s4 =	smul.u32 $0x1200, s1  }
0x5: {  	s3 =	simm.s32 $0x0;
	s6 =	sand.u32 $0x1, s6;
	s7 =	smul.u32 $0x15F90, s1  }
0x6: {  	[smem:$0x7FF] =	sst s3;
	s29 =	sshll.u32 s1, $0x5;
	s31 =	sshll.u32 s1, $0x6  }
0x7: {  	s8 =	smul.u32 $0x15F900, s6;
	_ =	strace $0x80000050;
	s9 =	sadd.s32 s29, s5  }
0x8: {  	s11 =	ssub.s32 $0x2, s6;
	s13 =	sshll.u32 s6, $0x4;
	s14 =	smul.u32 $0x900, s6  }
0x9: {  	s6 =	sor.u32 $0x1C01, s31;
	s10 =	sadd.s32 s4, s5;
	s4 =	sadd.s32 $0xB0FA00, s5  }
0xa: {  	s30 =	sshrl.u32 s11, $0x1;
	s12 =	sadd.s32 s7, s2;
	s8 =	sadd.s32 s7, s8  }
0xb: {  	s9 =	sadd.s32 s13, s9;
	s11 =	ssub.s32 s11, s30;
	s8 =	sshrl.u32 s8, $0x3  }
0xc: {  	s9 =	sadd.s32 $0xE200, s9;
	s10 =	sadd.s32 s14, s10;
	s8 =	sadd.s32 s8, s5  }
0xd: {  	s10 =	sadd.s32 $0x766200, s10;
	s5 =	sshll.u32 s1, $0x1;
	s7 =	sadd.s32 $0xA25400, s8  }
0xe: {  	s8 =	smax.u32 s11, $0x1;
	s11 =	sshrl.u32 s12, $0x3;
	s12 =	simm.s32 $0x1  }
.LBB2_1:
0xf: {  	[spmem:s11], [sflag:s6] =	dma.local [hbm:s4], $0x2BF2  }
0x10: {  	s13 =	sadd.s32 $0x0, s5;
	_ =	swait.ge [sflag:s12], $0x2BF2  }
0x11: {  	p0 =	sgt.u32 s13, $0x4E1;
	[sflag:s12] =	ssyncset.done $0x0  }
0x12: {  	s13 =	simm.s32 @!p0 $0x0;
	[sflag:s12] =	ssyncadd.s32 $0xFFFFD40E  }
0x13: {  	s15 =	simm.s32 @!p0 $0x1A790;
	s16 =	simm.s32 @!p0 $0x2;
	[bflag:$0x0] =	sbarrier.arrive $0xFFFF  }
0x14: {  	[tilespmem:s15], [sflag:$0x2] =	stream.linear.gather @!p0 [hbm4b:s9+s13], $0x80, $0x38;
	[tilespmem:$0x1A810] =	vst v63  }
0x15: {  	_ =	swait.ge @!p0 [sflag:s16], $0x80;
	p0 =	por p0, p0  }
0x16: {  	[sflag:s16] =	ssyncset.done @!p0 $0x0  }
0x17: {  	s17 =	simm.s32 @!p0 $0x15F90;
	[sflag:s16] =	ssyncadd.s32 @!p0 $0xFFFFFF80  }
0x18: {  	[tilespmem:s17], [sflag:$0x2] =	stream.linear.gather @!p0 [hbm4b:s10+s13], $0x4800, $0x38;
	[tilespmem:$0x1A810] =	vst v63  }
0x19: {  	s31 =	sadd.s32 $0x20, s5;
	_ =	swait.ge @!p0 [sflag:s16], $0x4800  }
0x1a: {  	s14 =	simm.s32 $0x40;
	p1 =	sgt.u32 s31, $0x4E1;
	[sflag:s16] =	ssyncset.done @!p0 $0x0  }
0x1b: {  	s13 =	simm.s32 @!p0 $0x80;
	[sflag:s16] =	ssyncadd.s32 @!p0 $0xFFFFB800;
	s16 =	simm.s32 @!p0 $0x1  }
0x1c: {  	[spmem:s2] =	stream.indirect.scatter.add.f32 @!p0 [tilespmem:s17], [sflag:$0x1], $0x90, s15, s13, $0xb8;
	[tilespmem:$0x1A810] =	vst v63  }
0x1d: {  	s13 =	sadd.s32 $0x12000, s10;
	s15 =	sadd.s32 $0x200, s9;
	_ =	swait.ge @!p0 [sflag:s16], $0x4800  }
.LBB2_2:
0x1e: {  	s17 =	simm.s32 @!p1 $0x0  }
0x1f: {  	s18 =	simm.s32 @!p1 $0x1A790;
	[sflag:s16] =	ssyncset.done @!p0 $0x0;
	s19 =	smov.u32 s14  }
0x20: {  	s14 =	sadd.s32 $0x20, s14;
	s20 =	simm.s32 @!p1 $0x2;
	[sflag:s16] =	ssyncadd.s32 @!p0 $0xFFFFB800  }
0x21: {  	[tilespmem:s18], [sflag:$0x2] =	stream.linear.gather @!p1 [hbm4b:s15+s17], $0x80, $0x38;
	[tilespmem:$0x1A810] =	vst v63  }
0x22: {  	p2 =	sne.s32 s14, $0x500;
	p0 =	por p1, p1;
	_ =	swait.ge @!p1 [sflag:s20], $0x80  }
0x23: {  	[sflag:s20] =	ssyncset.done @!p0 $0x0  }
0x24: {  	s21 =	simm.s32 @!p0 $0x15F90;
	[sflag:s20] =	ssyncadd.s32 @!p0 $0xFFFFFF80  }
0x25: {  	[tilespmem:s21], [sflag:$0x2] =	stream.linear.gather @!p0 [hbm4b:s13+s17], $0x4800, $0x38;
	[tilespmem:$0x1A810] =	vst v63  }
.Ltmp0:
0x26: {  	_ =	swait.ge @!p0 [sflag:s20], $0x4800;
	(pc) =	sbr.rel @p2 .LBB2_2-.Ltmp0, $4  }
0x27: {  	s16 =	simm.s32 @!p0 $0x1;
	s13 =	sadd.s32 $0x12000, s13;
	[sflag:s20] =	ssyncset.done @!p0 $0x0  }
0x28: {  	s17 =	sadd.s32 s19, s5;
	s19 =	simm.s32 @!p0 $0x80;
	[sflag:s20] =	ssyncadd.s32 @!p0 $0xFFFFB800  }
0x29: {  	[spmem:s2] =	stream.indirect.scatter.add.f32 @!p0 [tilespmem:s21], [sflag:$0x1], $0x90, s18, s19, $0xb8;
	[tilespmem:$0x1A810] =	vst v63  }
0x2a: {  	s15 =	sadd.s32 $0x200, s15;
	p1 =	sgt.u32 s17, $0x4E1;
	_ =	swait.ge @!p0 [sflag:s16], $0x4800  }
0x2b: {  	s14 =	simm.s32 @!p1 $0x0;
	[sflag:s16] =	ssyncset.done @!p0 $0x0  }
0x2c: {  	s17 =	simm.s32 @!p1 $0x1A790;
	s18 =	simm.s32 @!p1 $0x2;
	[sflag:s16] =	ssyncadd.s32 @!p0 $0xFFFFB800  }
0x2d: {  	[tilespmem:s17], [sflag:$0x2] =	stream.linear.gather @!p1 [hbm4b:s15+s14], $0x80, $0x38;
	[tilespmem:$0x1A810] =	vst v63  }
0x2e: {  	p0 =	por p1, p1;
	_ =	swait.ge @!p1 [sflag:s18], $0x80  }
0x2f: {  	[sflag:s18] =	ssyncset.done @!p0 $0x0  }
0x30: {  	s15 =	simm.s32 @!p0 $0x15F90;
	[sflag:s18] =	ssyncadd.s32 @!p0 $0xFFFFFF80  }
0x31: {  	[tilespmem:s15], [sflag:$0x2] =	stream.linear.gather @!p0 [hbm4b:s13+s14], $0x4800, $0x38;
	[tilespmem:$0x1A810] =	vst v63  }
0x32: {  	_ =	swait.ge @!p0 [sflag:s18], $0x4800  }
0x33: {  	[sflag:s18] =	ssyncset.done @!p0 $0x0  }
0x34: {  	s13 =	simm.s32 @!p0 $0x1;
	s14 =	simm.s32 @!p0 $0x80;
	[sflag:s18] =	ssyncadd.s32 @!p0 $0xFFFFB800  }
0x35: {  	[spmem:s2] =	stream.indirect.scatter.add.f32 @!p0 [tilespmem:s15], [sflag:$0x1], $0x90, s17, s14, $0xb8;
	[tilespmem:$0x1A810] =	vst v63  }
0x36: {  	_ =	swait.ge @!p0 [sflag:s13], $0x4800  }
0x37: {  	[sflag:s13] =	ssyncset.done @!p0 $0x0  }
0x38: {  	s3 =	sadd.s32 $0x1, s3;
	[sflag:s13] =	ssyncadd.s32 @!p0 $0xFFFFB800  }
0x39: {  	p0 =	sne.s32 s3, s8;
	[bflag:$0x0] =	sbarrier.arrive $0xFFFF  }
0x3a: {  	[hbm:s7], [sflag:s6] =	dma.local [spmem:s11], $0x2BF2  }
.Ltmp1:
0x3b: {  	_ =	swait.ge [sflag:s12], $0x2BF2;
	(pc) =	sbr.rel @p0 .LBB2_1-.Ltmp1, $3  }
0x3c: {  	[sflag:s12] =	ssyncset.done $0x0  }
0x3d: {  	[sflag:s12] =	ssyncadd.s32 $0xFFFFD40E  }
0x3e: {  	[bflag:$0x0] =	sbarrier.arrive $0xFFFF;
	_ =	sdelay $0x1  }
0x3f: {  	_ =	sfence.sel $0x180000  }
0x40: {  	[bflag:$0x0] =	sbarrier.arrive $0xFFFF  }
0x41: {  	p0 =	sne.s32 s1, $0x0;
	_ =	strace $0x90000050  }
0x42: {  	s0 =	sadd.s32 @!p0 $0x100000, s0;
	[bflag:$0x2] =	sbarrier.arrive $0xFFFF  }
0x43: {  	[sflag:s0] =	ssyncadd.tile.s32 @!p0 $0x1;
	_ =	shalt  }
.Lfunc_end2:
_tile_overlayer_lowered:
.L_overlay_start_2:
0x44: {  	(tag) =	ssettag $0x2  }
0x45: {  	s0 =	rddreg [dreg:$0x0];
	s2 =	stileid.u32  }
0x46: {  	s1 =	rddreg [dreg:$0x1];
	p0 =	sne.s32 s2, $0x0  }
0x47: {  	s3 =	rddreg [dreg:$0x2];
	[bflag:$0x3] =	sbarrier.arrive $0xFFFF;
	s2 =	simm.s32 @!p0 $0x1C01  }
0x48: {  	[timem:s3], [sflag:s2] =	dma.local @!p0 [hbm:s0], s1  }
0x49: {  	s0 =	simm.s32 @!p0 $0x1  }
0x4a: {  	_ =	swait.ge @!p0 [sflag:s0], s1  }
0x4b: {  	s1 =	ssub.s32 @!p0 $0x0, s1;
	[sflag:s0] =	ssyncset.done @!p0 $0x0  }
0x4c: {  	[sflag:s0] =	ssyncadd.s32 @!p0 s1  }
0x4d: {  	[bflag:$0x3] =	sbarrier.arrive $0xFFFF  }
0x4e: {  	_ =	shalt  }

</sc_bundles>
